<compile_context>
chip_gen: v7x
topology: tpu7x:2x2x1
jax: 0.10.2.dev20260603
libtpu: 0.0.44.dev20260713+nightly
codegen_flags: <defaults>
</compile_context>

<pallas_src>
import functools

import jax
import jax.numpy as jnp
from jax import lax
from jax.experimental import pallas as pl
from jax.experimental.pallas import tpu as pltpu
from jax.experimental.pallas import tpu_sc as plsc

B = 16384
D = 128
N = 100000
NC = 2
NS = 16
NW = NC * NS
RS = 13
W16 = 1 << RS
PW = B // NW
SUB = PW // 128

_mesh = plsc.VectorSubcoreMesh(core_axis_name="c", subcore_axis_name="s")


@functools.partial(
    pl.kernel,
    out_type=jax.ShapeDtypeStruct((B, D), jnp.float32),
    mesh=_mesh,
    scratch_types=[
        pltpu.VMEM((B + 16,), jnp.int32),
        pltpu.VMEM((W16,), jnp.int32),
        pltpu.VMEM((SUB, 128), jnp.int32),
        pltpu.VMEM((PW,), jnp.int32),
        pltpu.VMEM((PW, D), jnp.float32),
        pltpu.VMEM((SUB, 128), jnp.int32),
        pltpu.VMEM((SUB, 128), jnp.int32),
        pltpu.VMEM((128, D), jnp.float32),
        pltpu.VMEM_SHARED((NS * W16,), jnp.int32),
        pltpu.SemaphoreType.DMA,
        pltpu.SemaphoreType.DMA,
    ],
    compiler_params=pltpu.CompilerParams(needs_layout_passes=False),
)
def _push_pull(x_hbm, push_hbm, pull_hbm, emb_hbm, out_hbm,
               push_v, tag_v, pull_v, t_v, rows_v, xsrc_v, xpos_v, xr_v,
               tag_s, sem, sem2):
    c = lax.axis_index("c")
    s = lax.axis_index("s")
    w = s * NC + c
    iota16 = lax.broadcasted_iota(jnp.int32, (16,), 0)
    zeros16 = jnp.zeros((16,), jnp.int32)

    push_cp = pltpu.async_copy(push_hbm, push_v.at[pl.ds(0, B)], sem2)
    pull_cp = pltpu.async_copy(pull_hbm.at[w], pull_v, sem)

    def _zero(i):
        tag_v[pl.ds(i * 16, 16)] = zeros16

    plsc.parallel_loop(0, W16 // 16, unroll=8)(_zero)

    pull_cp.wait()
    gathers = [
        pltpu.async_copy(emb_hbm.at[pull_v.at[j]],
                         rows_v.at[pl.ds(j * 128, 128)], sem)
        for j in range(SUB)
    ]
    push_cp.wait()

    base = s * W16

    def _scan(g, idx):
        nxt = push_v[pl.ds(g * 16 + 16, 16)]
        m = (idx >> RS) == s
        loc = idx & (W16 - 1)
        jv = iota16 + (g * 16 + 1)
        plsc.store_scatter(tag_v, [loc], jv, mask=m)
        return nxt

    lax.fori_loop(0, B // 16, _scan, push_v[pl.ds(0, 16)], unroll=8)

    out_cps = []
    for j in range(SUB):
        gathers[j].wait()
        out_cps.append(
            pltpu.async_copy(rows_v.at[pl.ds(j * 128, 128)],
                             out_hbm.at[pl.ds(w * PW + j * 128, 128)], sem))

    pltpu.sync_copy(tag_v, tag_s.at[pl.ds(base, W16)])
    plsc.subcore_barrier()

    tg = [
        pltpu.async_copy(tag_s.at[pull_v.at[j]],
                         t_v.at[pl.ds(j * 128, 128)], sem2)
        for j in range(SUB)
    ]
    for h in tg:
        h.wait()

    off = jnp.int32(0)
    for g in range(PW // 16):
        tv = t_v[pl.ds(g * 16, 16)]
        m = tv > 0
        inc = plsc.cumsum(jnp.where(m, 1, 0))
        addr = jnp.maximum(off + inc - 1, 0)
        a_hi = addr >> 7
        a_lo = addr & 127
        plsc.store_scatter(xsrc_v, [a_hi, a_lo], tv - 1, mask=m)
        plsc.store_scatter(xpos_v, [a_hi, a_lo], iota16 + (w * PW + g * 16),
                           mask=m)
        off = off + jnp.sum(jnp.where(m, 1, 0))

    nh = off
    trips = (nh + 127) >> 7

    s0 = plsc.load_gather(xsrc_v, [zeros16, zeros16])
    p0 = plsc.load_gather(xpos_v, [zeros16, zeros16])

    def _fill(g, carry):
        pos = iota16 + g * 16
        row = g >> 3
        col = (g & 7) * 16
        mfill = pos >= nh
        cs = xsrc_v[row, pl.ds(col, 16)]
        cp = xpos_v[row, pl.ds(col, 16)]
        xsrc_v[row, pl.ds(col, 16)] = jnp.where(mfill, s0, cs)
        xpos_v[row, pl.ds(col, 16)] = jnp.where(mfill, p0, cp)
        return carry

    lax.fori_loop(nh >> 4, trips << 3, _fill, 0)

    @pl.when(trips > 0)
    def _pre():
        pltpu.sync_copy(x_hbm.at[xsrc_v.at[0]], xr_v)

    for h in out_cps:
        h.wait()

    @pl.when(trips > 0)
    def _sc0():
        pltpu.sync_copy(xr_v, out_hbm.at[xpos_v.at[0]])

    def _hits(k, carry):
        pltpu.sync_copy(x_hbm.at[xsrc_v.at[k]], xr_v)
        pltpu.sync_copy(xr_v, out_hbm.at[xpos_v.at[k]])
        return carry

    lax.fori_loop(1, trips, _hits, 0)


def kernel(x, push_inds, pull_inds, emb):
    push_i = push_inds.astype(jnp.int32)
    pull_i = pull_inds.astype(jnp.int32).reshape(NW, SUB, 128)
    return _push_pull(x, push_i, pull_i, emb)

# --- scband reference (transcript-rebuilt; emitter-appended) ---
"""Pipeline reference for scband-history-3934190043749 (READ-ONLY COPY).

The authoritative reference and input builder live on the scoring server;
editing this copy changes nothing except your own understanding.
"""

import jax, jax.numpy as jnp
import numpy as np

NUM_EMBEDDINGS = 100000
EMBEDDING_DIM = 128
BATCH = 16384


def setup_inputs(seed: int = 0) -> dict:
    key = jax.random.key(seed)
    k1, k2, k3 = jax.random.split(key, 3)
    x = jax.random.normal(k1, (BATCH, EMBEDDING_DIM), dtype=jnp.float32)
    push_inds = jax.random.randint(k2, (BATCH,), 0, NUM_EMBEDDINGS, dtype=jnp.int64 if jax.config.jax_enable_x64 else jnp.int32)
    pull_inds = jax.random.randint(k3, (BATCH,), 0, NUM_EMBEDDINGS, dtype=jnp.int64 if jax.config.jax_enable_x64 else jnp.int32)
    # History buffer 'emb' is a learned/state parameter initialized to zeros (reset_parameters fills 0)
    emb = jnp.zeros((NUM_EMBEDDINGS, EMBEDDING_DIM), dtype=jnp.float32)
    return {"x": x, "push_inds": push_inds, "pull_inds": pull_inds, "emb": emb}


def reference(x, push_inds, pull_inds, emb):
    # push_and_pull: scatter-overwrite x into emb at push_inds, then gather at pull_inds
    emb_updated = emb.at[push_inds].set(x)
    out = jnp.take(emb_updated, pull_inds, axis=0)
    return out

if __name__ == "__main__":
    import jax
    _d = setup_inputs()
    print(jax.jit(kernel)(*tuple(_d.values())))

</pallas_src>

<mosaic_0001>
#map = affine_map<(d0, d1) -> (0, 0)>
#map1 = affine_map<(d0, d1) -> (0)>
#map2 = affine_map<(d0, d1) -> (0, 0, 0)>
module attributes {stable_mosaic.version = 14 : i64} {
  func.func @_push_pull(%arg0: i32, %arg1: i32, %arg2: memref<16384x128xf32, #tpu.memory_space<hbm>>, %arg3: memref<16384xi32, #tpu.memory_space<hbm>>, %arg4: memref<32x4x128xi32, #tpu.memory_space<hbm>>, %arg5: memref<100000x128xf32, #tpu.memory_space<hbm>>, %arg6: memref<16384x128xf32, #tpu.memory_space<hbm>>, %arg7: memref<16400xi32, #tpu.memory_space<vmem>>, %arg8: memref<8192xi32, #tpu.memory_space<vmem>>, %arg9: memref<4x128xi32, #tpu.memory_space<vmem>>, %arg10: memref<512xi32, #tpu.memory_space<vmem>>, %arg11: memref<512x128xf32, #tpu.memory_space<vmem>>, %arg12: memref<4x128xi32, #tpu.memory_space<vmem>>, %arg13: memref<4x128xi32, #tpu.memory_space<vmem>>, %arg14: memref<128x128xf32, #tpu.memory_space<vmem>>, %arg15: memref<131072xi32, #tpu.memory_space<vmem_shared>>, %arg16: memref<!tpu.dma_semaphore, #tpu.memory_space<semaphore_mem>>, %arg17: memref<!tpu.dma_semaphore, #tpu.memory_space<semaphore_mem>>) attributes {dimension_semantics = [#tpu.dimension_semantics<core_parallel>, #tpu.dimension_semantics<subcore_parallel>], iteration_bounds = array<i64: 2, 16>, scalar_prefetch = 0 : i64, scratch_operands = 11 : i64, tpu.core_type = #tpu.core_type<sc_vector_subcore>, window_params = [{transform_indices = #map}, {transform_indices = #map1}, {transform_indices = #map2}, {transform_indices = #map}, {transform_indices = #map}]} {
    %mul3A = arith.constant 2 : i32
    %mul3A_0 = arith.muli %arg1, %mul3A : i32
    %add3A = arith.addi %mul3A_0, %arg0 : i32
    %iota3A = tpu.iota {dimensions = array<i32: 0>} : vector<16xi32>
    %broadcast_in_dim3A = arith.constant 0 : i32
    %broadcast_in_dim3A_1 = vector.broadcast %broadcast_in_dim3A : i32 to vector<16xi32>
    %dma_start3A = arith.constant 0 : i32
    %dma_start3A_2 = tpu.memref_slice %arg7[%dma_start3A] : memref<16400xi32, #tpu.memory_space<vmem>> -> memref<16384xi32, #tpu.memory_space<vmem>>
    %dma_start3A_3 = arith.constant 0 : i32
    %dma_start3A_4 = tpu.memref_slice %arg7[%dma_start3A_3] : memref<16400xi32, #tpu.memory_space<vmem>> -> memref<16384xi32, #tpu.memory_space<vmem>>
    tpu.enqueue_dma source(%arg3 : memref<16384xi32, #tpu.memory_space<hbm>>) target(%dma_start3A_4 : memref<16384xi32, #tpu.memory_space<vmem>>) target_semaphore(%arg17 : memref<!tpu.dma_semaphore, #tpu.memory_space<semaphore_mem>>)
    %dma_start3A_5 = arith.constant 0 : i32
    %dma_start3A_6 = arith.constant 0 : i32
    %dma_start3A_7 = tpu.memref_slice %arg4[%add3A, %dma_start3A_5, %dma_start3A_6] : memref<32x4x128xi32, #tpu.memory_space<hbm>> -> memref<1x4x128xi32, #tpu.memory_space<hbm>>
    %dma_start3A_8 = tpu.memref_squeeze %dma_start3A_7 : memref<1x4x128xi32, #tpu.memory_space<hbm>> -> memref<4x128xi32, #tpu.memory_space<hbm>>
    %dma_start3A_9 = arith.constant 0 : i32
    %dma_start3A_10 = arith.constant 0 : i32
    %dma_start3A_11 = tpu.memref_slice %arg4[%add3A, %dma_start3A_9, %dma_start3A_10] : memref<32x4x128xi32, #tpu.memory_space<hbm>> -> memref<1x4x128xi32, #tpu.memory_space<hbm>>
    %dma_start3A_12 = tpu.memref_squeeze %dma_start3A_11 : memref<1x4x128xi32, #tpu.memory_space<hbm>> -> memref<4x128xi32, #tpu.memory_space<hbm>>
    tpu.enqueue_dma source(%dma_start3A_12 : memref<4x128xi32, #tpu.memory_space<hbm>>) target(%arg9 : memref<4x128xi32, #tpu.memory_space<vmem>>) target_semaphore(%arg16 : memref<!tpu.dma_semaphore, #tpu.memory_space<semaphore_mem>>)
    %parallel_loop3A = arith.constant 0 : i32
    %parallel_loop3A_13 = arith.constant 512 : i32
    %parallel_loop3A_14 = arith.constant 1 : i32
    scf.for %parallel_loop3A_1773 = %parallel_loop3A to %parallel_loop3A_13 step %parallel_loop3A_14  : i32 {
      %parallel_loop3A_1774 = arith.constant 16 : i32
      %parallel_loop3A_1775 = arith.muli %parallel_loop3A_1773, %parallel_loop3A_1774 : i32
      %parallel_loop3A_1776 = arith.index_cast %parallel_loop3A_1775 : i32 to index
      %parallel_loop3A_1777 = tpu.vector_load %arg8[%parallel_loop3A_1776] {strides = array<i32>} : memref<8192xi32, #tpu.memory_space<vmem>>, vector<16xi32>,
      tpu.vector_store %arg8[%parallel_loop3A_1776], %broadcast_in_dim3A_1 {strides = array<i32>} : memref<8192xi32, #tpu.memory_space<vmem>>, vector<16xi32>,
    } {sc.loop_unroll_factor = 8 : i64, sc.parallel_access}
    %dma_wait3A = arith.constant 0 : i32
    %dma_wait3A_15 = arith.constant 0 : i32
    %dma_wait3A_16 = tpu.memref_slice %arg4[%add3A, %dma_wait3A, %dma_wait3A_15] : memref<32x4x128xi32, #tpu.memory_space<hbm>> -> memref<1x4x128xi32, #tpu.memory_space<hbm>>
    %dma_wait3A_17 = tpu.memref_squeeze %dma_wait3A_16 : memref<1x4x128xi32, #tpu.memory_space<hbm>> -> memref<4x128xi32, #tpu.memory_space<hbm>>
    %dma_wait3A_18 = arith.constant 0 : i32
    %dma_wait3A_19 = arith.constant 0 : i32
    %dma_wait3A_20 = tpu.memref_slice %arg4[%add3A, %dma_wait3A_18, %dma_wait3A_19] : memref<32x4x128xi32, #tpu.memory_space<hbm>> -> memref<1x4x128xi32, #tpu.memory_space<hbm>>
    %dma_wait3A_21 = tpu.memref_squeeze %dma_wait3A_20 : memref<1x4x128xi32, #tpu.memory_space<hbm>> -> memref<4x128xi32, #tpu.memory_space<hbm>>
    tpu.wait_dma2 semaphore(%arg16 : memref<!tpu.dma_semaphore, #tpu.memory_space<semaphore_mem>>) src(%dma_wait3A_21 : memref<4x128xi32, #tpu.memory_space<hbm>>) dst(%arg9 : memref<4x128xi32, #tpu.memory_space<vmem>>)
    %dma_start3A_22 = arith.constant 0 : i32
    %dma_start3A_23 = arith.constant 0 : i32
    %dma_start3A_24 = arith.constant 0 : i32
    %dma_start3A_25 = tpu.memref_slice %arg11[%dma_start3A_23, %dma_start3A_24] : memref<512x128xf32, #tpu.memory_space<vmem>> -> memref<128x128xf32, #tpu.memory_space<vmem>>
    %dma_start3A_26 = arith.constant 0 : i32
    %dma_start3A_27 = tpu.memref_slice %arg9[%dma_start3A_22, %dma_start3A_26] : memref<4x128xi32, #tpu.memory_space<vmem>> -> memref<1x128xi32, #tpu.memory_space<vmem>>
    %dma_start3A_28 = tpu.memref_squeeze %dma_start3A_27 : memref<1x128xi32, #tpu.memory_space<vmem>> -> memref<128xi32, #tpu.memory_space<vmem>>
    %dma_start3A_29 = arith.constant 0 : i32
    %dma_start3A_30 = arith.constant 0 : i32
    %dma_start3A_31 = tpu.memref_slice %arg5[%dma_start3A_29, %dma_start3A_30] : memref<100000x128xf32, #tpu.memory_space<hbm>> -> memref<100000x128xf32, #tpu.memory_space<hbm>>
    tpu.enqueue_indirect_dma source(%dma_start3A_31 : memref<100000x128xf32, #tpu.memory_space<hbm>>) target(%dma_start3A_25 : memref<128x128xf32, #tpu.memory_space<vmem>>) offsets(%dma_start3A_28 : memref<128xi32, #tpu.memory_space<vmem>>) semaphore(%arg16 : memref<!tpu.dma_semaphore, #tpu.memory_space<semaphore_mem>>)
    %dma_start3A_32 = arith.constant 1 : i32
    %dma_start3A_33 = arith.constant 128 : i32
    %dma_start3A_34 = arith.constant 0 : i32
    %dma_start3A_35 = tpu.memref_slice %arg11[%dma_start3A_33, %dma_start3A_34] : memref<512x128xf32, #tpu.memory_space<vmem>> -> memref<128x128xf32, #tpu.memory_space<vmem>>
    %dma_start3A_36 = arith.constant 0 : i32
    %dma_start3A_37 = tpu.memref_slice %arg9[%dma_start3A_32, %dma_start3A_36] : memref<4x128xi32, #tpu.memory_space<vmem>> -> memref<1x128xi32, #tpu.memory_space<vmem>>
    %dma_start3A_38 = tpu.memref_squeeze %dma_start3A_37 : memref<1x128xi32, #tpu.memory_space<vmem>> -> memref<128xi32, #tpu.memory_space<vmem>>
    %dma_start3A_39 = arith.constant 0 : i32
    %dma_start3A_40 = arith.constant 0 : i32
    %dma_start3A_41 = tpu.memref_slice %arg5[%dma_start3A_39, %dma_start3A_40] : memref<100000x128xf32, #tpu.memory_space<hbm>> -> memref<100000x128xf32, #tpu.memory_space<hbm>>
    tpu.enqueue_indirect_dma source(%dma_start3A_41 : memref<100000x128xf32, #tpu.memory_space<hbm>>) target(%dma_start3A_35 : memref<128x128xf32, #tpu.memory_space<vmem>>) offsets(%dma_start3A_38 : memref<128xi32, #tpu.memory_space<vmem>>) semaphore(%arg16 : memref<!tpu.dma_semaphore, #tpu.memory_space<semaphore_mem>>)
    %dma_start3A_42 = arith.constant 2 : i32
    %dma_start3A_43 = arith.constant 256 : i32
    %dma_start3A_44 = arith.constant 0 : i32
    %dma_start3A_45 = tpu.memref_slice %arg11[%dma_start3A_43, %dma_start3A_44] : memref<512x128xf32, #tpu.memory_space<vmem>> -> memref<128x128xf32, #tpu.memory_space<vmem>>
    %dma_start3A_46 = arith.constant 0 : i32
    %dma_start3A_47 = tpu.memref_slice %arg9[%dma_start3A_42, %dma_start3A_46] : memref<4x128xi32, #tpu.memory_space<vmem>> -> memref<1x128xi32, #tpu.memory_space<vmem>>
    %dma_start3A_48 = tpu.memref_squeeze %dma_start3A_47 : memref<1x128xi32, #tpu.memory_space<vmem>> -> memref<128xi32, #tpu.memory_space<vmem>>
    %dma_start3A_49 = arith.constant 0 : i32
    %dma_start3A_50 = arith.constant 0 : i32
    %dma_start3A_51 = tpu.memref_slice %arg5[%dma_start3A_49, %dma_start3A_50] : memref<100000x128xf32, #tpu.memory_space<hbm>> -> memref<100000x128xf32, #tpu.memory_space<hbm>>
    tpu.enqueue_indirect_dma source(%dma_start3A_51 : memref<100000x128xf32, #tpu.memory_space<hbm>>) target(%dma_start3A_45 : memref<128x128xf32, #tpu.memory_space<vmem>>) offsets(%dma_start3A_48 : memref<128xi32, #tpu.memory_space<vmem>>) semaphore(%arg16 : memref<!tpu.dma_semaphore, #tpu.memory_space<semaphore_mem>>)
    %dma_start3A_52 = arith.constant 3 : i32
    %dma_start3A_53 = arith.constant 384 : i32
    %dma_start3A_54 = arith.constant 0 : i32
    %dma_start3A_55 = tpu.memref_slice %arg11[%dma_start3A_53, %dma_start3A_54] : memref<512x128xf32, #tpu.memory_space<vmem>> -> memref<128x128xf32, #tpu.memory_space<vmem>>
    %dma_start3A_56 = arith.constant 0 : i32
    %dma_start3A_57 = tpu.memref_slice %arg9[%dma_start3A_52, %dma_start3A_56] : memref<4x128xi32, #tpu.memory_space<vmem>> -> memref<1x128xi32, #tpu.memory_space<vmem>>
    %dma_start3A_58 = tpu.memref_squeeze %dma_start3A_57 : memref<1x128xi32, #tpu.memory_space<vmem>> -> memref<128xi32, #tpu.memory_space<vmem>>
    %dma_start3A_59 = arith.constant 0 : i32
    %dma_start3A_60 = arith.constant 0 : i32
    %dma_start3A_61 = tpu.memref_slice %arg5[%dma_start3A_59, %dma_start3A_60] : memref<100000x128xf32, #tpu.memory_space<hbm>> -> memref<100000x128xf32, #tpu.memory_space<hbm>>
    tpu.enqueue_indirect_dma source(%dma_start3A_61 : memref<100000x128xf32, #tpu.memory_space<hbm>>) target(%dma_start3A_55 : memref<128x128xf32, #tpu.memory_space<vmem>>) offsets(%dma_start3A_58 : memref<128xi32, #tpu.memory_space<vmem>>) semaphore(%arg16 : memref<!tpu.dma_semaphore, #tpu.memory_space<semaphore_mem>>)
    %dma_wait3A_62 = arith.constant 0 : i32
    %dma_wait3A_63 = tpu.memref_slice %arg7[%dma_wait3A_62] : memref<16400xi32, #tpu.memory_space<vmem>> -> memref<16384xi32, #tpu.memory_space<vmem>>
    %dma_wait3A_64 = arith.constant 0 : i32
    %dma_wait3A_65 = tpu.memref_slice %arg7[%dma_wait3A_64] : memref<16400xi32, #tpu.memory_space<vmem>> -> memref<16384xi32, #tpu.memory_space<vmem>>
    tpu.wait_dma2 semaphore(%arg17 : memref<!tpu.dma_semaphore, #tpu.memory_space<semaphore_mem>>) src(%arg3 : memref<16384xi32, #tpu.memory_space<hbm>>) dst(%dma_wait3A_65 : memref<16384xi32, #tpu.memory_space<vmem>>)
    %mul3A_66 = arith.constant 8192 : i32
    %mul3A_67 = arith.muli %arg1, %mul3A_66 : i32
    %get3A = arith.constant 0 : index
    %get3A_68 = tpu.vector_load %arg7[%get3A] {strides = array<i32>} : memref<16400xi32, #tpu.memory_space<vmem>>, vector<16xi32>,
    %scan3A = arith.constant 0 : i32
    %scan3A_69 = arith.constant 1024 : i32
    %scan3A_70 = arith.addi %scan3A, %scan3A_69 : i32
    %scan3A_71 = arith.constant 8 : i32
    %scan3A_72 = scf.for %scan3A_1773 = %scan3A to %scan3A_70 step %scan3A_71 iter_args(%scan3A_1774 = %get3A_68) -> (vector<16xi32>)  : i32 {
      %mul3A_1775 = arith.constant 16 : i32
      %mul3A_1776 = arith.muli %scan3A_1773, %mul3A_1775 : i32
      %add3A_1777 = arith.constant 16 : i32
      %add3A_1778 = arith.addi %mul3A_1776, %add3A_1777 : i32
      %get3A_1779 = arith.index_cast %add3A_1778 : i32 to index
      %get3A_1780 = tpu.vector_load %arg7[%get3A_1779] {strides = array<i32>} : memref<16400xi32, #tpu.memory_space<vmem>>, vector<16xi32>,
      %shift_right_arithmetic3A_1781 = arith.constant 13 : i32
      %shift_right_arithmetic3A_1782 = vector.broadcast %shift_right_arithmetic3A_1781 : i32 to vector<16xi32>
      %shift_right_arithmetic3A_1783 = arith.shrsi %scan3A_1774, %shift_right_arithmetic3A_1782 : vector<16xi32>
      %eq3A = vector.broadcast %arg1 : i32 to vector<16xi32>
      %eq3A_1784 = arith.cmpi eq, %shift_right_arithmetic3A_1783, %eq3A : vector<16xi32>
      %and3A_1785 = arith.constant 8191 : i32
      %and3A_1786 = vector.broadcast %and3A_1785 : i32 to vector<16xi32>
      %and3A_1787 = arith.andi %scan3A_1774, %and3A_1786 : vector<16xi32>
      %mul3A_1788 = arith.constant 16 : i32
      %mul3A_1789 = arith.muli %scan3A_1773, %mul3A_1788 : i32
      %add3A_1790 = arith.constant 1 : i32
      %add3A_1791 = arith.addi %mul3A_1789, %add3A_1790 : i32
      %add3A_1792 = vector.broadcast %add3A_1791 : i32 to vector<16xi32>
      %add3A_1793 = arith.addi %iota3A, %add3A_1792 : vector<16xi32>
      tpu.vector_store_idx %arg8[%and3A_1787], %add3A_1793 masked %eq3A_1784 : memref<8192xi32, #tpu.memory_space<vmem>>[vector<16xi32>], vector<16xi32>, vector<16xi1>
      %scan3A_1794 = arith.constant 1 : i32
      %scan3A_1795 = arith.addi %scan3A_1773, %scan3A_1794 : i32
      %mul3A_1796 = arith.constant 16 : i32
      %mul3A_1797 = arith.muli %scan3A_1795, %mul3A_1796 : i32
      %add3A_1798 = arith.constant 16 : i32
      %add3A_1799 = arith.addi %mul3A_1797, %add3A_1798 : i32
      %get3A_1800 = arith.index_cast %add3A_1799 : i32 to index
      %get3A_1801 = tpu.vector_load %arg7[%get3A_1800] {strides = array<i32>} : memref<16400xi32, #tpu.memory_space<vmem>>, vector<16xi32>,
      %shift_right_arithmetic3A_1802 = arith.constant 13 : i32
      %shift_right_arithmetic3A_1803 = vector.broadcast %shift_right_arithmetic3A_1802 : i32 to vector<16xi32>
      %shift_right_arithmetic3A_1804 = arith.shrsi %get3A_1780, %shift_right_arithmetic3A_1803 : vector<16xi32>
      %eq3A_1805 = vector.broadcast %arg1 : i32 to vector<16xi32>
      %eq3A_1806 = arith.cmpi eq, %shift_right_arithmetic3A_1804, %eq3A_1805 : vector<16xi32>
      %and3A_1807 = arith.constant 8191 : i32
      %and3A_1808 = vector.broadcast %and3A_1807 : i32 to vector<16xi32>
      %and3A_1809 = arith.andi %get3A_1780, %and3A_1808 : vector<16xi32>
      %mul3A_1810 = arith.constant 16 : i32
      %mul3A_1811 = arith.muli %scan3A_1795, %mul3A_1810 : i32
      %add3A_1812 = arith.constant 1 : i32
      %add3A_1813 = arith.addi %mul3A_1811, %add3A_1812 : i32
      %add3A_1814 = vector.broadcast %add3A_1813 : i32 to vector<16xi32>
      %add3A_1815 = arith.addi %iota3A, %add3A_1814 : vector<16xi32>
      tpu.vector_store_idx %arg8[%and3A_1809], %add3A_1815 masked %eq3A_1806 : memref<8192xi32, #tpu.memory_space<vmem>>[vector<16xi32>], vector<16xi32>, vector<16xi1>
      %scan3A_1816 = arith.constant 2 : i32
      %scan3A_1817 = arith.addi %scan3A_1773, %scan3A_1816 : i32
      %mul3A_1818 = arith.constant 16 : i32
      %mul3A_1819 = arith.muli %scan3A_1817, %mul3A_1818 : i32
      %add3A_1820 = arith.constant 16 : i32
      %add3A_1821 = arith.addi %mul3A_1819, %add3A_1820 : i32
      %get3A_1822 = arith.index_cast %add3A_1821 : i32 to index
      %get3A_1823 = tpu.vector_load %arg7[%get3A_1822] {strides = array<i32>} : memref<16400xi32, #tpu.memory_space<vmem>>, vector<16xi32>,
      %shift_right_arithmetic3A_1824 = arith.constant 13 : i32
      %shift_right_arithmetic3A_1825 = vector.broadcast %shift_right_arithmetic3A_1824 : i32 to vector<16xi32>
      %shift_right_arithmetic3A_1826 = arith.shrsi %get3A_1801, %shift_right_arithmetic3A_1825 : vector<16xi32>
      %eq3A_1827 = vector.broadcast %arg1 : i32 to vector<16xi32>
      %eq3A_1828 = arith.cmpi eq, %shift_right_arithmetic3A_1826, %eq3A_1827 : vector<16xi32>
      %and3A_1829 = arith.constant 8191 : i32
      %and3A_1830 = vector.broadcast %and3A_1829 : i32 to vector<16xi32>
      %and3A_1831 = arith.andi %get3A_1801, %and3A_1830 : vector<16xi32>
      %mul3A_1832 = arith.constant 16 : i32
      %mul3A_1833 = arith.muli %scan3A_1817, %mul3A_1832 : i32
      %add3A_1834 = arith.constant 1 : i32
      %add3A_1835 = arith.addi %mul3A_1833, %add3A_1834 : i32
      %add3A_1836 = vector.broadcast %add3A_1835 : i32 to vector<16xi32>
      %add3A_1837 = arith.addi %iota3A, %add3A_1836 : vector<16xi32>
      tpu.vector_store_idx %arg8[%and3A_1831], %add3A_1837 masked %eq3A_1828 : memref<8192xi32, #tpu.memory_space<vmem>>[vector<16xi32>], vector<16xi32>, vector<16xi1>
      %scan3A_1838 = arith.constant 3 : i32
      %scan3A_1839 = arith.addi %scan3A_1773, %scan3A_1838 : i32
      %mul3A_1840 = arith.constant 16 : i32
      %mul3A_1841 = arith.muli %scan3A_1839, %mul3A_1840 : i32
      %add3A_1842 = arith.constant 16 : i32
      %add3A_1843 = arith.addi %mul3A_1841, %add3A_1842 : i32
      %get3A_1844 = arith.index_cast %add3A_1843 : i32 to index
      %get3A_1845 = tpu.vector_load %arg7[%get3A_1844] {strides = array<i32>} : memref<16400xi32, #tpu.memory_space<vmem>>, vector<16xi32>,
      %shift_right_arithmetic3A_1846 = arith.constant 13 : i32
      %shift_right_arithmetic3A_1847 = vector.broadcast %shift_right_arithmetic3A_1846 : i32 to vector<16xi32>
      %shift_right_arithmetic3A_1848 = arith.shrsi %get3A_1823, %shift_right_arithmetic3A_1847 : vector<16xi32>
      %eq3A_1849 = vector.broadcast %arg1 : i32 to vector<16xi32>
      %eq3A_1850 = arith.cmpi eq, %shift_right_arithmetic3A_1848, %eq3A_1849 : vector<16xi32>
      %and3A_1851 = arith.constant 8191 : i32
      %and3A_1852 = vector.broadcast %and3A_1851 : i32 to vector<16xi32>
      %and3A_1853 = arith.andi %get3A_1823, %and3A_1852 : vector<16xi32>
      %mul3A_1854 = arith.constant 16 : i32
      %mul3A_1855 = arith.muli %scan3A_1839, %mul3A_1854 : i32
      %add3A_1856 = arith.constant 1 : i32
      %add3A_1857 = arith.addi %mul3A_1855, %add3A_1856 : i32
      %add3A_1858 = vector.broadcast %add3A_1857 : i32 to vector<16xi32>
      %add3A_1859 = arith.addi %iota3A, %add3A_1858 : vector<16xi32>
      tpu.vector_store_idx %arg8[%and3A_1853], %add3A_1859 masked %eq3A_1850 : memref<8192xi32, #tpu.memory_space<vmem>>[vector<16xi32>], vector<16xi32>, vector<16xi1>
      %scan3A_1860 = arith.constant 4 : i32
      %scan3A_1861 = arith.addi %scan3A_1773, %scan3A_1860 : i32
      %mul3A_1862 = arith.constant 16 : i32
      %mul3A_1863 = arith.muli %scan3A_1861, %mul3A_1862 : i32
      %add3A_1864 = arith.constant 16 : i32
      %add3A_1865 = arith.addi %mul3A_1863, %add3A_1864 : i32
      %get3A_1866 = arith.index_cast %add3A_1865 : i32 to index
      %get3A_1867 = tpu.vector_load %arg7[%get3A_1866] {strides = array<i32>} : memref<16400xi32, #tpu.memory_space<vmem>>, vector<16xi32>,
      %shift_right_arithmetic3A_1868 = arith.constant 13 : i32
      %shift_right_arithmetic3A_1869 = vector.broadcast %shift_right_arithmetic3A_1868 : i32 to vector<16xi32>
      %shift_right_arithmetic3A_1870 = arith.shrsi %get3A_1845, %shift_right_arithmetic3A_1869 : vector<16xi32>
      %eq3A_1871 = vector.broadcast %arg1 : i32 to vector<16xi32>
      %eq3A_1872 = arith.cmpi eq, %shift_right_arithmetic3A_1870, %eq3A_1871 : vector<16xi32>
      %and3A_1873 = arith.constant 8191 : i32
      %and3A_1874 = vector.broadcast %and3A_1873 : i32 to vector<16xi32>
      %and3A_1875 = arith.andi %get3A_1845, %and3A_1874 : vector<16xi32>
      %mul3A_1876 = arith.constant 16 : i32
      %mul3A_1877 = arith.muli %scan3A_1861, %mul3A_1876 : i32
      %add3A_1878 = arith.constant 1 : i32
      %add3A_1879 = arith.addi %mul3A_1877, %add3A_1878 : i32
      %add3A_1880 = vector.broadcast %add3A_1879 : i32 to vector<16xi32>
      %add3A_1881 = arith.addi %iota3A, %add3A_1880 : vector<16xi32>
      tpu.vector_store_idx %arg8[%and3A_1875], %add3A_1881 masked %eq3A_1872 : memref<8192xi32, #tpu.memory_space<vmem>>[vector<16xi32>], vector<16xi32>, vector<16xi1>
      %scan3A_1882 = arith.constant 5 : i32
      %scan3A_1883 = arith.addi %scan3A_1773, %scan3A_1882 : i32
      %mul3A_1884 = arith.constant 16 : i32
      %mul3A_1885 = arith.muli %scan3A_1883, %mul3A_1884 : i32
      %add3A_1886 = arith.constant 16 : i32
      %add3A_1887 = arith.addi %mul3A_1885, %add3A_1886 : i32
      %get3A_1888 = arith.index_cast %add3A_1887 : i32 to index
      %get3A_1889 = tpu.vector_load %arg7[%get3A_1888] {strides = array<i32>} : memref<16400xi32, #tpu.memory_space<vmem>>, vector<16xi32>,
      %shift_right_arithmetic3A_1890 = arith.constant 13 : i32
      %shift_right_arithmetic3A_1891 = vector.broadcast %shift_right_arithmetic3A_1890 : i32 to vector<16xi32>
      %shift_right_arithmetic3A_1892 = arith.shrsi %get3A_1867, %shift_right_arithmetic3A_1891 : vector<16xi32>
      %eq3A_1893 = vector.broadcast %arg1 : i32 to vector<16xi32>
      %eq3A_1894 = arith.cmpi eq, %shift_right_arithmetic3A_1892, %eq3A_1893 : vector<16xi32>
      %and3A_1895 = arith.constant 8191 : i32
      %and3A_1896 = vector.broadcast %and3A_1895 : i32 to vector<16xi32>
      %and3A_1897 = arith.andi %get3A_1867, %and3A_1896 : vector<16xi32>
      %mul3A_1898 = arith.constant 16 : i32
      %mul3A_1899 = arith.muli %scan3A_1883, %mul3A_1898 : i32
      %add3A_1900 = arith.constant 1 : i32
      %add3A_1901 = arith.addi %mul3A_1899, %add3A_1900 : i32
      %add3A_1902 = vector.broadcast %add3A_1901 : i32 to vector<16xi32>
      %add3A_1903 = arith.addi %iota3A, %add3A_1902 : vector<16xi32>
      tpu.vector_store_idx %arg8[%and3A_1897], %add3A_1903 masked %eq3A_1894 : memref<8192xi32, #tpu.memory_space<vmem>>[vector<16xi32>], vector<16xi32>, vector<16xi1>
      %scan3A_1904 = arith.constant 6 : i32
      %scan3A_1905 = arith.addi %scan3A_1773, %scan3A_1904 : i32
      %mul3A_1906 = arith.constant 16 : i32
      %mul3A_1907 = arith.muli %scan3A_1905, %mul3A_1906 : i32
      %add3A_1908 = arith.constant 16 : i32
      %add3A_1909 = arith.addi %mul3A_1907, %add3A_1908 : i32
      %get3A_1910 = arith.index_cast %add3A_1909 : i32 to index
      %get3A_1911 = tpu.vector_load %arg7[%get3A_1910] {strides = array<i32>} : memref<16400xi32, #tpu.memory_space<vmem>>, vector<16xi32>,
      %shift_right_arithmetic3A_1912 = arith.constant 13 : i32
      %shift_right_arithmetic3A_1913 = vector.broadcast %shift_right_arithmetic3A_1912 : i32 to vector<16xi32>
      %shift_right_arithmetic3A_1914 = arith.shrsi %get3A_1889, %shift_right_arithmetic3A_1913 : vector<16xi32>
      %eq3A_1915 = vector.broadcast %arg1 : i32 to vector<16xi32>
      %eq3A_1916 = arith.cmpi eq, %shift_right_arithmetic3A_1914, %eq3A_1915 : vector<16xi32>
      %and3A_1917 = arith.constant 8191 : i32
      %and3A_1918 = vector.broadcast %and3A_1917 : i32 to vector<16xi32>
      %and3A_1919 = arith.andi %get3A_1889, %and3A_1918 : vector<16xi32>
      %mul3A_1920 = arith.constant 16 : i32
      %mul3A_1921 = arith.muli %scan3A_1905, %mul3A_1920 : i32
      %add3A_1922 = arith.constant 1 : i32
      %add3A_1923 = arith.addi %mul3A_1921, %add3A_1922 : i32
      %add3A_1924 = vector.broadcast %add3A_1923 : i32 to vector<16xi32>
      %add3A_1925 = arith.addi %iota3A, %add3A_1924 : vector<16xi32>
      tpu.vector_store_idx %arg8[%and3A_1919], %add3A_1925 masked %eq3A_1916 : memref<8192xi32, #tpu.memory_space<vmem>>[vector<16xi32>], vector<16xi32>, vector<16xi1>
      %scan3A_1926 = arith.constant 7 : i32
      %scan3A_1927 = arith.addi %scan3A_1773, %scan3A_1926 : i32
      %mul3A_1928 = arith.constant 16 : i32
      %mul3A_1929 = arith.muli %scan3A_1927, %mul3A_1928 : i32
      %add3A_1930 = arith.constant 16 : i32
      %add3A_1931 = arith.addi %mul3A_1929, %add3A_1930 : i32
      %get3A_1932 = arith.index_cast %add3A_1931 : i32 to index
      %get3A_1933 = tpu.vector_load %arg7[%get3A_1932] {strides = array<i32>} : memref<16400xi32, #tpu.memory_space<vmem>>, vector<16xi32>,
      %shift_right_arithmetic3A_1934 = arith.constant 13 : i32
      %shift_right_arithmetic3A_1935 = vector.broadcast %shift_right_arithmetic3A_1934 : i32 to vector<16xi32>
      %shift_right_arithmetic3A_1936 = arith.shrsi %get3A_1911, %shift_right_arithmetic3A_1935 : vector<16xi32>
      %eq3A_1937 = vector.broadcast %arg1 : i32 to vector<16xi32>
      %eq3A_1938 = arith.cmpi eq, %shift_right_arithmetic3A_1936, %eq3A_1937 : vector<16xi32>
      %and3A_1939 = arith.constant 8191 : i32
      %and3A_1940 = vector.broadcast %and3A_1939 : i32 to vector<16xi32>
      %and3A_1941 = arith.andi %get3A_1911, %and3A_1940 : vector<16xi32>
      %mul3A_1942 = arith.constant 16 : i32
      %mul3A_1943 = arith.muli %scan3A_1927, %mul3A_1942 : i32
      %add3A_1944 = arith.constant 1 : i32
      %add3A_1945 = arith.addi %mul3A_1943, %add3A_1944 : i32
      %add3A_1946 = vector.broadcast %add3A_1945 : i32 to vector<16xi32>
      %add3A_1947 = arith.addi %iota3A, %add3A_1946 : vector<16xi32>
      tpu.vector_store_idx %arg8[%and3A_1941], %add3A_1947 masked %eq3A_1938 : memref<8192xi32, #tpu.memory_space<vmem>>[vector<16xi32>], vector<16xi32>, vector<16xi1>
      scf.yield %get3A_1933 : vector<16xi32>
    }
    %scan3A_73 = arith.constant 1024 : i32
    %dma_wait3A_74 = arith.constant 0 : i32
    %dma_wait3A_75 = arith.constant 0 : i32
    %dma_wait3A_76 = arith.constant 0 : i32
    %dma_wait3A_77 = tpu.memref_slice %arg11[%dma_wait3A_75, %dma_wait3A_76] : memref<512x128xf32, #tpu.memory_space<vmem>> -> memref<128x128xf32, #tpu.memory_space<vmem>>
    %dma_wait3A_78 = arith.constant 0 : i32
    %dma_wait3A_79 = tpu.memref_slice %arg9[%dma_wait3A_74, %dma_wait3A_78] : memref<4x128xi32, #tpu.memory_space<vmem>> -> memref<1x128xi32, #tpu.memory_space<vmem>>
    %dma_wait3A_80 = tpu.memref_squeeze %dma_wait3A_79 : memref<1x128xi32, #tpu.memory_space<vmem>> -> memref<128xi32, #tpu.memory_space<vmem>>
    %dma_wait3A_81 = arith.constant 0 : i32
    %dma_wait3A_82 = arith.constant 0 : i32
    %dma_wait3A_83 = tpu.memref_slice %arg5[%dma_wait3A_81, %dma_wait3A_82] : memref<100000x128xf32, #tpu.memory_space<hbm>> -> memref<100000x128xf32, #tpu.memory_space<hbm>>
    tpu.wait_indirect_dma semaphore(%arg16 : memref<!tpu.dma_semaphore, #tpu.memory_space<semaphore_mem>>) src(%dma_wait3A_83 : memref<100000x128xf32, #tpu.memory_space<hbm>>) dst(%dma_wait3A_77 : memref<128x128xf32, #tpu.memory_space<vmem>>)
    %mul3A_84 = arith.constant 512 : i32
    %mul3A_85 = arith.muli %add3A, %mul3A_84 : i32
    %add3A_86 = arith.constant 0 : i32
    %add3A_87 = arith.addi %mul3A_85, %add3A_86 : i32
    %dma_start3A_88 = arith.constant 0 : i32
    %dma_start3A_89 = arith.constant 0 : i32
    %dma_start3A_90 = tpu.memref_slice %arg11[%dma_start3A_88, %dma_start3A_89] : memref<512x128xf32, #tpu.memory_space<vmem>> -> memref<128x128xf32, #tpu.memory_space<vmem>>
    %dma_start3A_91 = arith.constant 0 : i32
    %dma_start3A_92 = tpu.memref_slice %arg6[%add3A_87, %dma_start3A_91] : memref<16384x128xf32, #tpu.memory_space<hbm>> -> memref<128x128xf32, #tpu.memory_space<hbm>>
    %dma_start3A_93 = arith.constant 0 : i32
    %dma_start3A_94 = tpu.memref_slice %arg6[%add3A_87, %dma_start3A_93] : memref<16384x128xf32, #tpu.memory_space<hbm>> -> memref<128x128xf32, #tpu.memory_space<hbm>>
    %dma_start3A_95 = arith.constant 0 : i32
    %dma_start3A_96 = arith.constant 0 : i32
    %dma_start3A_97 = tpu.memref_slice %arg11[%dma_start3A_95, %dma_start3A_96] : memref<512x128xf32, #tpu.memory_space<vmem>> -> memref<128x128xf32, #tpu.memory_space<vmem>>
    tpu.enqueue_dma source(%dma_start3A_97 : memref<128x128xf32, #tpu.memory_space<vmem>>) target(%dma_start3A_94 : memref<128x128xf32, #tpu.memory_space<hbm>>) target_semaphore(%arg16 : memref<!tpu.dma_semaphore, #tpu.memory_space<semaphore_mem>>)
    %dma_wait3A_98 = arith.constant 1 : i32
    %dma_wait3A_99 = arith.constant 128 : i32
    %dma_wait3A_100 = arith.constant 0 : i32
    %dma_wait3A_101 = tpu.memref_slice %arg11[%dma_wait3A_99, %dma_wait3A_100] : memref<512x128xf32, #tpu.memory_space<vmem>> -> memref<128x128xf32, #tpu.memory_space<vmem>>
    %dma_wait3A_102 = arith.constant 0 : i32
    %dma_wait3A_103 = tpu.memref_slice %arg9[%dma_wait3A_98, %dma_wait3A_102] : memref<4x128xi32, #tpu.memory_space<vmem>> -> memref<1x128xi32, #tpu.memory_space<vmem>>
    %dma_wait3A_104 = tpu.memref_squeeze %dma_wait3A_103 : memref<1x128xi32, #tpu.memory_space<vmem>> -> memref<128xi32, #tpu.memory_space<vmem>>
    %dma_wait3A_105 = arith.constant 0 : i32
    %dma_wait3A_106 = arith.constant 0 : i32
    %dma_wait3A_107 = tpu.memref_slice %arg5[%dma_wait3A_105, %dma_wait3A_106] : memref<100000x128xf32, #tpu.memory_space<hbm>> -> memref<100000x128xf32, #tpu.memory_space<hbm>>
    tpu.wait_indirect_dma semaphore(%arg16 : memref<!tpu.dma_semaphore, #tpu.memory_space<semaphore_mem>>) src(%dma_wait3A_107 : memref<100000x128xf32, #tpu.memory_space<hbm>>) dst(%dma_wait3A_101 : memref<128x128xf32, #tpu.memory_space<vmem>>)
    %mul3A_108 = arith.constant 512 : i32
    %mul3A_109 = arith.muli %add3A, %mul3A_108 : i32
    %add3A_110 = arith.constant 128 : i32
    %add3A_111 = arith.addi %mul3A_109, %add3A_110 : i32
    %dma_start3A_112 = arith.constant 128 : i32
    %dma_start3A_113 = arith.constant 0 : i32
    %dma_start3A_114 = tpu.memref_slice %arg11[%dma_start3A_112, %dma_start3A_113] : memref<512x128xf32, #tpu.memory_space<vmem>> -> memref<128x128xf32, #tpu.memory_space<vmem>>
    %dma_start3A_115 = arith.constant 0 : i32
    %dma_start3A_116 = tpu.memref_slice %arg6[%add3A_111, %dma_start3A_115] : memref<16384x128xf32, #tpu.memory_space<hbm>> -> memref<128x128xf32, #tpu.memory_space<hbm>>
    %dma_start3A_117 = arith.constant 0 : i32
    %dma_start3A_118 = tpu.memref_slice %arg6[%add3A_111, %dma_start3A_117] : memref<16384x128xf32, #tpu.memory_space<hbm>> -> memref<128x128xf32, #tpu.memory_space<hbm>>
    %dma_start3A_119 = arith.constant 128 : i32
    %dma_start3A_120 = arith.constant 0 : i32
    %dma_start3A_121 = tpu.memref_slice %arg11[%dma_start3A_119, %dma_start3A_120] : memref<512x128xf32, #tpu.memory_space<vmem>> -> memref<128x128xf32, #tpu.memory_space<vmem>>
    tpu.enqueue_dma source(%dma_start3A_121 : memref<128x128xf32, #tpu.memory_space<vmem>>) target(%dma_start3A_118 : memref<128x128xf32, #tpu.memory_space<hbm>>) target_semaphore(%arg16 : memref<!tpu.dma_semaphore, #tpu.memory_space<semaphore_mem>>)
    %dma_wait3A_122 = arith.constant 2 : i32
    %dma_wait3A_123 = arith.constant 256 : i32
    %dma_wait3A_124 = arith.constant 0 : i32
    %dma_wait3A_125 = tpu.memref_slice %arg11[%dma_wait3A_123, %dma_wait3A_124] : memref<512x128xf32, #tpu.memory_space<vmem>> -> memref<128x128xf32, #tpu.memory_space<vmem>>
    %dma_wait3A_126 = arith.constant 0 : i32
    %dma_wait3A_127 = tpu.memref_slice %arg9[%dma_wait3A_122, %dma_wait3A_126] : memref<4x128xi32, #tpu.memory_space<vmem>> -> memref<1x128xi32, #tpu.memory_space<vmem>>
    %dma_wait3A_128 = tpu.memref_squeeze %dma_wait3A_127 : memref<1x128xi32, #tpu.memory_space<vmem>> -> memref<128xi32, #tpu.memory_space<vmem>>
    %dma_wait3A_129 = arith.constant 0 : i32
    %dma_wait3A_130 = arith.constant 0 : i32
    %dma_wait3A_131 = tpu.memref_slice %arg5[%dma_wait3A_129, %dma_wait3A_130] : memref<100000x128xf32, #tpu.memory_space<hbm>> -> memref<100000x128xf32, #tpu.memory_space<hbm>>
    tpu.wait_indirect_dma semaphore(%arg16 : memref<!tpu.dma_semaphore, #tpu.memory_space<semaphore_mem>>) src(%dma_wait3A_131 : memref<100000x128xf32, #tpu.memory_space<hbm>>) dst(%dma_wait3A_125 : memref<128x128xf32, #tpu.memory_space<vmem>>)
    %mul3A_132 = arith.constant 512 : i32
    %mul3A_133 = arith.muli %add3A, %mul3A_132 : i32
    %add3A_134 = arith.constant 256 : i32
    %add3A_135 = arith.addi %mul3A_133, %add3A_134 : i32
    %dma_start3A_136 = arith.constant 256 : i32
    %dma_start3A_137 = arith.constant 0 : i32
    %dma_start3A_138 = tpu.memref_slice %arg11[%dma_start3A_136, %dma_start3A_137] : memref<512x128xf32, #tpu.memory_space<vmem>> -> memref<128x128xf32, #tpu.memory_space<vmem>>
    %dma_start3A_139 = arith.constant 0 : i32
    %dma_start3A_140 = tpu.memref_slice %arg6[%add3A_135, %dma_start3A_139] : memref<16384x128xf32, #tpu.memory_space<hbm>> -> memref<128x128xf32, #tpu.memory_space<hbm>>
    %dma_start3A_141 = arith.constant 0 : i32
    %dma_start3A_142 = tpu.memref_slice %arg6[%add3A_135, %dma_start3A_141] : memref<16384x128xf32, #tpu.memory_space<hbm>> -> memref<128x128xf32, #tpu.memory_space<hbm>>
    %dma_start3A_143 = arith.constant 256 : i32
    %dma_start3A_144 = arith.constant 0 : i32
    %dma_start3A_145 = tpu.memref_slice %arg11[%dma_start3A_143, %dma_start3A_144] : memref<512x128xf32, #tpu.memory_space<vmem>> -> memref<128x128xf32, #tpu.memory_space<vmem>>
    tpu.enqueue_dma source(%dma_start3A_145 : memref<128x128xf32, #tpu.memory_space<vmem>>) target(%dma_start3A_142 : memref<128x128xf32, #tpu.memory_space<hbm>>) target_semaphore(%arg16 : memref<!tpu.dma_semaphore, #tpu.memory_space<semaphore_mem>>)
    %dma_wait3A_146 = arith.constant 3 : i32
    %dma_wait3A_147 = arith.constant 384 : i32
    %dma_wait3A_148 = arith.constant 0 : i32
    %dma_wait3A_149 = tpu.memref_slice %arg11[%dma_wait3A_147, %dma_wait3A_148] : memref<512x128xf32, #tpu.memory_space<vmem>> -> memref<128x128xf32, #tpu.memory_space<vmem>>
    %dma_wait3A_150 = arith.constant 0 : i32
    %dma_wait3A_151 = tpu.memref_slice %arg9[%dma_wait3A_146, %dma_wait3A_150] : memref<4x128xi32, #tpu.memory_space<vmem>> -> memref<1x128xi32, #tpu.memory_space<vmem>>
    %dma_wait3A_152 = tpu.memref_squeeze %dma_wait3A_151 : memref<1x128xi32, #tpu.memory_space<vmem>> -> memref<128xi32, #tpu.memory_space<vmem>>
    %dma_wait3A_153 = arith.constant 0 : i32
    %dma_wait3A_154 = arith.constant 0 : i32
    %dma_wait3A_155 = tpu.memref_slice %arg5[%dma_wait3A_153, %dma_wait3A_154] : memref<100000x128xf32, #tpu.memory_space<hbm>> -> memref<100000x128xf32, #tpu.memory_space<hbm>>
    tpu.wait_indirect_dma semaphore(%arg16 : memref<!tpu.dma_semaphore, #tpu.memory_space<semaphore_mem>>) src(%dma_wait3A_155 : memref<100000x128xf32, #tpu.memory_space<hbm>>) dst(%dma_wait3A_149 : memref<128x128xf32, #tpu.memory_space<vmem>>)
    %mul3A_156 = arith.constant 512 : i32
    %mul3A_157 = arith.muli %add3A, %mul3A_156 : i32
    %add3A_158 = arith.constant 384 : i32
    %add3A_159 = arith.addi %mul3A_157, %add3A_158 : i32
    %dma_start3A_160 = arith.constant 384 : i32
    %dma_start3A_161 = arith.constant 0 : i32
    %dma_start3A_162 = tpu.memref_slice %arg11[%dma_start3A_160, %dma_start3A_161] : memref<512x128xf32, #tpu.memory_space<vmem>> -> memref<128x128xf32, #tpu.memory_space<vmem>>
    %dma_start3A_163 = arith.constant 0 : i32
    %dma_start3A_164 = tpu.memref_slice %arg6[%add3A_159, %dma_start3A_163] : memref<16384x128xf32, #tpu.memory_space<hbm>> -> memref<128x128xf32, #tpu.memory_space<hbm>>
    %dma_start3A_165 = arith.constant 0 : i32
    %dma_start3A_166 = tpu.memref_slice %arg6[%add3A_159, %dma_start3A_165] : memref<16384x128xf32, #tpu.memory_space<hbm>> -> memref<128x128xf32, #tpu.memory_space<hbm>>
    %dma_start3A_167 = arith.constant 384 : i32
    %dma_start3A_168 = arith.constant 0 : i32
    %dma_start3A_169 = tpu.memref_slice %arg11[%dma_start3A_167, %dma_start3A_168] : memref<512x128xf32, #tpu.memory_space<vmem>> -> memref<128x128xf32, #tpu.memory_space<vmem>>
    tpu.enqueue_dma source(%dma_start3A_169 : memref<128x128xf32, #tpu.memory_space<vmem>>) target(%dma_start3A_166 : memref<128x128xf32, #tpu.memory_space<hbm>>) target_semaphore(%arg16 : memref<!tpu.dma_semaphore, #tpu.memory_space<semaphore_mem>>)
    "tpu.region"() ({
      %run_scoped3A = tpu.sem_alloc : memref<!tpu.dma_semaphore, #tpu.memory_space<semaphore_mem>>
      %dma_start3A_1773 = tpu.memref_slice %arg15[%mul3A_67] : memref<131072xi32, #tpu.memory_space<vmem_shared>> -> memref<8192xi32, #tpu.memory_space<vmem_shared>>
      %dma_start3A_1774 = tpu.memref_slice %arg15[%mul3A_67] : memref<131072xi32, #tpu.memory_space<vmem_shared>> -> memref<8192xi32, #tpu.memory_space<vmem_shared>>
      tpu.enqueue_dma source(%arg8 : memref<8192xi32, #tpu.memory_space<vmem>>) target(%dma_start3A_1774 : memref<8192xi32, #tpu.memory_space<vmem_shared>>) target_semaphore(%run_scoped3A : memref<!tpu.dma_semaphore, #tpu.memory_space<semaphore_mem>>)
      %dma_wait3A_1775 = tpu.memref_slice %arg15[%mul3A_67] : memref<131072xi32, #tpu.memory_space<vmem_shared>> -> memref<8192xi32, #tpu.memory_space<vmem_shared>>
      %dma_wait3A_1776 = tpu.memref_slice %arg15[%mul3A_67] : memref<131072xi32, #tpu.memory_space<vmem_shared>> -> memref<8192xi32, #tpu.memory_space<vmem_shared>>
      tpu.wait_dma2 semaphore(%run_scoped3A : memref<!tpu.dma_semaphore, #tpu.memory_space<semaphore_mem>>) src(%arg8 : memref<8192xi32, #tpu.memory_space<vmem>>) dst(%dma_wait3A_1776 : memref<8192xi32, #tpu.memory_space<vmem_shared>>)
      tpu.yield
    }) : () -> ()
    %barrier3A = arith.constant 0 : index
    tpu.barrier barrier_id(%barrier3A)
    %dma_start3A_170 = arith.constant 0 : i32
    %dma_start3A_171 = arith.constant 0 : i32
    %dma_start3A_172 = tpu.memref_slice %arg10[%dma_start3A_171] : memref<512xi32, #tpu.memory_space<vmem>> -> memref<128xi32, #tpu.memory_space<vmem>>
    %dma_start3A_173 = arith.constant 0 : i32
    %dma_start3A_174 = tpu.memref_slice %arg9[%dma_start3A_170, %dma_start3A_173] : memref<4x128xi32, #tpu.memory_space<vmem>> -> memref<1x128xi32, #tpu.memory_space<vmem>>
    %dma_start3A_175 = tpu.memref_squeeze %dma_start3A_174 : memref<1x128xi32, #tpu.memory_space<vmem>> -> memref<128xi32, #tpu.memory_space<vmem>>
    %dma_start3A_176 = arith.constant 0 : i32
    %dma_start3A_177 = tpu.memref_slice %arg15[%dma_start3A_176] : memref<131072xi32, #tpu.memory_space<vmem_shared>> -> memref<131072xi32, #tpu.memory_space<vmem_shared>>
    tpu.enqueue_indirect_dma source(%dma_start3A_177 : memref<131072xi32, #tpu.memory_space<vmem_shared>>) target(%dma_start3A_172 : memref<128xi32, #tpu.memory_space<vmem>>) offsets(%dma_start3A_175 : memref<128xi32, #tpu.memory_space<vmem>>) semaphore(%arg17 : memref<!tpu.dma_semaphore, #tpu.memory_space<semaphore_mem>>)
    %dma_start3A_178 = arith.constant 1 : i32
    %dma_start3A_179 = arith.constant 128 : i32
    %dma_start3A_180 = tpu.memref_slice %arg10[%dma_start3A_179] : memref<512xi32, #tpu.memory_space<vmem>> -> memref<128xi32, #tpu.memory_space<vmem>>
    %dma_start3A_181 = arith.constant 0 : i32
    %dma_start3A_182 = tpu.memref_slice %arg9[%dma_start3A_178, %dma_start3A_181] : memref<4x128xi32, #tpu.memory_space<vmem>> -> memref<1x128xi32, #tpu.memory_space<vmem>>
    %dma_start3A_183 = tpu.memref_squeeze %dma_start3A_182 : memref<1x128xi32, #tpu.memory_space<vmem>> -> memref<128xi32, #tpu.memory_space<vmem>>
    %dma_start3A_184 = arith.constant 0 : i32
    %dma_start3A_185 = tpu.memref_slice %arg15[%dma_start3A_184] : memref<131072xi32, #tpu.memory_space<vmem_shared>> -> memref<131072xi32, #tpu.memory_space<vmem_shared>>
    tpu.enqueue_indirect_dma source(%dma_start3A_185 : memref<131072xi32, #tpu.memory_space<vmem_shared>>) target(%dma_start3A_180 : memref<128xi32, #tpu.memory_space<vmem>>) offsets(%dma_start3A_183 : memref<128xi32, #tpu.memory_space<vmem>>) semaphore(%arg17 : memref<!tpu.dma_semaphore, #tpu.memory_space<semaphore_mem>>)
    %dma_start3A_186 = arith.constant 2 : i32
    %dma_start3A_187 = arith.constant 256 : i32
    %dma_start3A_188 = tpu.memref_slice %arg10[%dma_start3A_187] : memref<512xi32, #tpu.memory_space<vmem>> -> memref<128xi32, #tpu.memory_space<vmem>>
    %dma_start3A_189 = arith.constant 0 : i32
    %dma_start3A_190 = tpu.memref_slice %arg9[%dma_start3A_186, %dma_start3A_189] : memref<4x128xi32, #tpu.memory_space<vmem>> -> memref<1x128xi32, #tpu.memory_space<vmem>>
    %dma_start3A_191 = tpu.memref_squeeze %dma_start3A_190 : memref<1x128xi32, #tpu.memory_space<vmem>> -> memref<128xi32, #tpu.memory_space<vmem>>
    %dma_start3A_192 = arith.constant 0 : i32
    %dma_start3A_193 = tpu.memref_slice %arg15[%dma_start3A_192] : memref<131072xi32, #tpu.memory_space<vmem_shared>> -> memref<131072xi32, #tpu.memory_space<vmem_shared>>
    tpu.enqueue_indirect_dma source(%dma_start3A_193 : memref<131072xi32, #tpu.memory_space<vmem_shared>>) target(%dma_start3A_188 : memref<128xi32, #tpu.memory_space<vmem>>) offsets(%dma_start3A_191 : memref<128xi32, #tpu.memory_space<vmem>>) semaphore(%arg17 : memref<!tpu.dma_semaphore, #tpu.memory_space<semaphore_mem>>)
    %dma_start3A_194 = arith.constant 3 : i32
    %dma_start3A_195 = arith.constant 384 : i32
    %dma_start3A_196 = tpu.memref_slice %arg10[%dma_start3A_195] : memref<512xi32, #tpu.memory_space<vmem>> -> memref<128xi32, #tpu.memory_space<vmem>>
    %dma_start3A_197 = arith.constant 0 : i32
    %dma_start3A_198 = tpu.memref_slice %arg9[%dma_start3A_194, %dma_start3A_197] : memref<4x128xi32, #tpu.memory_space<vmem>> -> memref<1x128xi32, #tpu.memory_space<vmem>>
    %dma_start3A_199 = tpu.memref_squeeze %dma_start3A_198 : memref<1x128xi32, #tpu.memory_space<vmem>> -> memref<128xi32, #tpu.memory_space<vmem>>
    %dma_start3A_200 = arith.constant 0 : i32
    %dma_start3A_201 = tpu.memref_slice %arg15[%dma_start3A_200] : memref<131072xi32, #tpu.memory_space<vmem_shared>> -> memref<131072xi32, #tpu.memory_space<vmem_shared>>
    tpu.enqueue_indirect_dma source(%dma_start3A_201 : memref<131072xi32, #tpu.memory_space<vmem_shared>>) target(%dma_start3A_196 : memref<128xi32, #tpu.memory_space<vmem>>) offsets(%dma_start3A_199 : memref<128xi32, #tpu.memory_space<vmem>>) semaphore(%arg17 : memref<!tpu.dma_semaphore, #tpu.memory_space<semaphore_mem>>)
    %dma_wait3A_202 = arith.constant 0 : i32
    %dma_wait3A_203 = arith.constant 0 : i32
    %dma_wait3A_204 = tpu.memref_slice %arg10[%dma_wait3A_203] : memref<512xi32, #tpu.memory_space<vmem>> -> memref<128xi32, #tpu.memory_space<vmem>>
    %dma_wait3A_205 = arith.constant 0 : i32
    %dma_wait3A_206 = tpu.memref_slice %arg9[%dma_wait3A_202, %dma_wait3A_205] : memref<4x128xi32, #tpu.memory_space<vmem>> -> memref<1x128xi32, #tpu.memory_space<vmem>>
    %dma_wait3A_207 = tpu.memref_squeeze %dma_wait3A_206 : memref<1x128xi32, #tpu.memory_space<vmem>> -> memref<128xi32, #tpu.memory_space<vmem>>
    %dma_wait3A_208 = arith.constant 0 : i32
    %dma_wait3A_209 = tpu.memref_slice %arg15[%dma_wait3A_208] : memref<131072xi32, #tpu.memory_space<vmem_shared>> -> memref<131072xi32, #tpu.memory_space<vmem_shared>>
    tpu.wait_indirect_dma semaphore(%arg17 : memref<!tpu.dma_semaphore, #tpu.memory_space<semaphore_mem>>) src(%dma_wait3A_209 : memref<131072xi32, #tpu.memory_space<vmem_shared>>) dst(%dma_wait3A_204 : memref<128xi32, #tpu.memory_space<vmem>>)
    %dma_wait3A_210 = arith.constant 1 : i32
    %dma_wait3A_211 = arith.constant 128 : i32
    %dma_wait3A_212 = tpu.memref_slice %arg10[%dma_wait3A_211] : memref<512xi32, #tpu.memory_space<vmem>> -> memref<128xi32, #tpu.memory_space<vmem>>
    %dma_wait3A_213 = arith.constant 0 : i32
    %dma_wait3A_214 = tpu.memref_slice %arg9[%dma_wait3A_210, %dma_wait3A_213] : memref<4x128xi32, #tpu.memory_space<vmem>> -> memref<1x128xi32, #tpu.memory_space<vmem>>
    %dma_wait3A_215 = tpu.memref_squeeze %dma_wait3A_214 : memref<1x128xi32, #tpu.memory_space<vmem>> -> memref<128xi32, #tpu.memory_space<vmem>>
    %dma_wait3A_216 = arith.constant 0 : i32
    %dma_wait3A_217 = tpu.memref_slice %arg15[%dma_wait3A_216] : memref<131072xi32, #tpu.memory_space<vmem_shared>> -> memref<131072xi32, #tpu.memory_space<vmem_shared>>
    tpu.wait_indirect_dma semaphore(%arg17 : memref<!tpu.dma_semaphore, #tpu.memory_space<semaphore_mem>>) src(%dma_wait3A_217 : memref<131072xi32, #tpu.memory_space<vmem_shared>>) dst(%dma_wait3A_212 : memref<128xi32, #tpu.memory_space<vmem>>)
    %dma_wait3A_218 = arith.constant 2 : i32
    %dma_wait3A_219 = arith.constant 256 : i32
    %dma_wait3A_220 = tpu.memref_slice %arg10[%dma_wait3A_219] : memref<512xi32, #tpu.memory_space<vmem>> -> memref<128xi32, #tpu.memory_space<vmem>>
    %dma_wait3A_221 = arith.constant 0 : i32
    %dma_wait3A_222 = tpu.memref_slice %arg9[%dma_wait3A_218, %dma_wait3A_221] : memref<4x128xi32, #tpu.memory_space<vmem>> -> memref<1x128xi32, #tpu.memory_space<vmem>>
    %dma_wait3A_223 = tpu.memref_squeeze %dma_wait3A_222 : memref<1x128xi32, #tpu.memory_space<vmem>> -> memref<128xi32, #tpu.memory_space<vmem>>
    %dma_wait3A_224 = arith.constant 0 : i32
    %dma_wait3A_225 = tpu.memref_slice %arg15[%dma_wait3A_224] : memref<131072xi32, #tpu.memory_space<vmem_shared>> -> memref<131072xi32, #tpu.memory_space<vmem_shared>>
    tpu.wait_indirect_dma semaphore(%arg17 : memref<!tpu.dma_semaphore, #tpu.memory_space<semaphore_mem>>) src(%dma_wait3A_225 : memref<131072xi32, #tpu.memory_space<vmem_shared>>) dst(%dma_wait3A_220 : memref<128xi32, #tpu.memory_space<vmem>>)
    %dma_wait3A_226 = arith.constant 3 : i32
    %dma_wait3A_227 = arith.constant 384 : i32
    %dma_wait3A_228 = tpu.memref_slice %arg10[%dma_wait3A_227] : memref<512xi32, #tpu.memory_space<vmem>> -> memref<128xi32, #tpu.memory_space<vmem>>
    %dma_wait3A_229 = arith.constant 0 : i32
    %dma_wait3A_230 = tpu.memref_slice %arg9[%dma_wait3A_226, %dma_wait3A_229] : memref<4x128xi32, #tpu.memory_space<vmem>> -> memref<1x128xi32, #tpu.memory_space<vmem>>
    %dma_wait3A_231 = tpu.memref_squeeze %dma_wait3A_230 : memref<1x128xi32, #tpu.memory_space<vmem>> -> memref<128xi32, #tpu.memory_space<vmem>>
    %dma_wait3A_232 = arith.constant 0 : i32
    %dma_wait3A_233 = tpu.memref_slice %arg15[%dma_wait3A_232] : memref<131072xi32, #tpu.memory_space<vmem_shared>> -> memref<131072xi32, #tpu.memory_space<vmem_shared>>
    tpu.wait_indirect_dma semaphore(%arg17 : memref<!tpu.dma_semaphore, #tpu.memory_space<semaphore_mem>>) src(%dma_wait3A_233 : memref<131072xi32, #tpu.memory_space<vmem_shared>>) dst(%dma_wait3A_228 : memref<128xi32, #tpu.memory_space<vmem>>)
    %get3A_234 = arith.constant 0 : index
    %get3A_235 = tpu.vector_load %arg10[%get3A_234] {strides = array<i32>} : memref<512xi32, #tpu.memory_space<vmem>>, vector<16xi32>,
    %gt3A = arith.constant 0 : i32
    %gt3A_236 = vector.broadcast %gt3A : i32 to vector<16xi32>
    %gt3A_237 = arith.cmpi sgt, %get3A_235, %gt3A_236 : vector<16xi32>
    %jit3A = arith.constant 1 : i32
    %jit3A_238 = arith.constant 0 : i32
    %broadcast_in_dim3A_239 = vector.broadcast %jit3A : i32 to vector<16xi32>
    %broadcast_in_dim3A_240 = vector.broadcast %jit3A_238 : i32 to vector<16xi32>
    %select_n3A = arith.select %gt3A_237, %broadcast_in_dim3A_239, %broadcast_in_dim3A_240 : vector<16xi1>, vector<16xi32>
    %broadcast_in_dim3A_241 = arith.constant true
    %broadcast_in_dim3A_242 = vector.broadcast %broadcast_in_dim3A_241 : i1 to vector<16xi1>
    %masked_cumsum3A = tpu.scan <sum>, %select_n3A masked %broadcast_in_dim3A_242 : vector<16xi32>, vector<16xi1> -> vector<16xi32>
    %add3A_243 = arith.constant 0 : i32
    %add3A_244 = vector.broadcast %add3A_243 : i32 to vector<16xi32>
    %add3A_245 = arith.addi %add3A_244, %masked_cumsum3A : vector<16xi32>
    %sub3A = arith.constant 1 : i32
    %sub3A_246 = vector.broadcast %sub3A : i32 to vector<16xi32>
    %sub3A_247 = arith.subi %add3A_245, %sub3A_246 : vector<16xi32>
    %max3A = arith.constant 0 : i32
    %max3A_248 = vector.broadcast %max3A : i32 to vector<16xi32>
    %max3A_249 = arith.maxsi %sub3A_247, %max3A_248 : vector<16xi32>
    %shift_right_arithmetic3A = arith.constant 7 : i32
    %shift_right_arithmetic3A_250 = vector.broadcast %shift_right_arithmetic3A : i32 to vector<16xi32>
    %shift_right_arithmetic3A_251 = arith.shrsi %max3A_249, %shift_right_arithmetic3A_250 : vector<16xi32>
    %and3A = arith.constant 127 : i32
    %and3A_252 = vector.broadcast %and3A : i32 to vector<16xi32>
    %and3A_253 = arith.andi %max3A_249, %and3A_252 : vector<16xi32>
    %sub3A_254 = arith.constant 1 : i32
    %sub3A_255 = vector.broadcast %sub3A_254 : i32 to vector<16xi32>
    %sub3A_256 = arith.subi %get3A_235, %sub3A_255 : vector<16xi32>
    tpu.vector_store_idx %arg12[%shift_right_arithmetic3A_251, %and3A_253], %sub3A_256 masked %gt3A_237 : memref<4x128xi32, #tpu.memory_space<vmem>>[vector<16xi32>, vector<16xi32>], vector<16xi32>, vector<16xi1>
    %mul3A_257 = arith.constant 512 : i32
    %mul3A_258 = arith.muli %add3A, %mul3A_257 : i32
    %add3A_259 = arith.constant 0 : i32
    %add3A_260 = arith.addi %mul3A_258, %add3A_259 : i32
    %add3A_261 = vector.broadcast %add3A_260 : i32 to vector<16xi32>
    %add3A_262 = arith.addi %iota3A, %add3A_261 : vector<16xi32>
    tpu.vector_store_idx %arg13[%shift_right_arithmetic3A_251, %and3A_253], %add3A_262 masked %gt3A_237 : memref<4x128xi32, #tpu.memory_space<vmem>>[vector<16xi32>, vector<16xi32>], vector<16xi32>, vector<16xi1>
    %jit3A_263 = arith.constant 1 : i32
    %jit3A_264 = arith.constant 0 : i32
    %broadcast_in_dim3A_265 = vector.broadcast %jit3A_263 : i32 to vector<16xi32>
    %broadcast_in_dim3A_266 = vector.broadcast %jit3A_264 : i32 to vector<16xi32>
    %select_n3A_267 = arith.select %gt3A_237, %broadcast_in_dim3A_265, %broadcast_in_dim3A_266 : vector<16xi1>, vector<16xi32>
    %reduce_sum3A = arith.constant true
    %reduce_sum3A_268 = vector.broadcast %reduce_sum3A : i1 to vector<16xi1>
    %reduce_sum3A_269 = tpu.scan <sum>, %select_n3A_267 masked %reduce_sum3A_268 : vector<16xi32>, vector<16xi1> -> vector<16xi32>
    %reduce_sum3A_270 = vector.extract %reduce_sum3A_269[15] : i32 from vector<16xi32>
    %add3A_271 = arith.constant 0 : i32
    %add3A_272 = arith.addi %add3A_271, %reduce_sum3A_270 : i32
    %get3A_273 = arith.constant 16 : index
    %get3A_274 = tpu.vector_load %arg10[%get3A_273] {strides = array<i32>} : memref<512xi32, #tpu.memory_space<vmem>>, vector<16xi32>,
    %gt3A_275 = arith.constant 0 : i32
    %gt3A_276 = vector.broadcast %gt3A_275 : i32 to vector<16xi32>
    %gt3A_277 = arith.cmpi sgt, %get3A_274, %gt3A_276 : vector<16xi32>
    %jit3A_278 = arith.constant 1 : i32
    %jit3A_279 = arith.constant 0 : i32
    %broadcast_in_dim3A_280 = vector.broadcast %jit3A_278 : i32 to vector<16xi32>
    %broadcast_in_dim3A_281 = vector.broadcast %jit3A_279 : i32 to vector<16xi32>
    %select_n3A_282 = arith.select %gt3A_277, %broadcast_in_dim3A_280, %broadcast_in_dim3A_281 : vector<16xi1>, vector<16xi32>
    %broadcast_in_dim3A_283 = arith.constant true
    %broadcast_in_dim3A_284 = vector.broadcast %broadcast_in_dim3A_283 : i1 to vector<16xi1>
    %masked_cumsum3A_285 = tpu.scan <sum>, %select_n3A_282 masked %broadcast_in_dim3A_284 : vector<16xi32>, vector<16xi1> -> vector<16xi32>
    %add3A_286 = vector.broadcast %add3A_272 : i32 to vector<16xi32>
    %add3A_287 = arith.addi %add3A_286, %masked_cumsum3A_285 : vector<16xi32>
    %sub3A_288 = arith.constant 1 : i32
    %sub3A_289 = vector.broadcast %sub3A_288 : i32 to vector<16xi32>
    %sub3A_290 = arith.subi %add3A_287, %sub3A_289 : vector<16xi32>
    %max3A_291 = arith.constant 0 : i32
    %max3A_292 = vector.broadcast %max3A_291 : i32 to vector<16xi32>
    %max3A_293 = arith.maxsi %sub3A_290, %max3A_292 : vector<16xi32>
    %shift_right_arithmetic3A_294 = arith.constant 7 : i32
    %shift_right_arithmetic3A_295 = vector.broadcast %shift_right_arithmetic3A_294 : i32 to vector<16xi32>
    %shift_right_arithmetic3A_296 = arith.shrsi %max3A_293, %shift_right_arithmetic3A_295 : vector<16xi32>
    %and3A_297 = arith.constant 127 : i32
    %and3A_298 = vector.broadcast %and3A_297 : i32 to vector<16xi32>
    %and3A_299 = arith.andi %max3A_293, %and3A_298 : vector<16xi32>
    %sub3A_300 = arith.constant 1 : i32
    %sub3A_301 = vector.broadcast %sub3A_300 : i32 to vector<16xi32>
    %sub3A_302 = arith.subi %get3A_274, %sub3A_301 : vector<16xi32>
    tpu.vector_store_idx %arg12[%shift_right_arithmetic3A_296, %and3A_299], %sub3A_302 masked %gt3A_277 : memref<4x128xi32, #tpu.memory_space<vmem>>[vector<16xi32>, vector<16xi32>], vector<16xi32>, vector<16xi1>
    %mul3A_303 = arith.constant 512 : i32
    %mul3A_304 = arith.muli %add3A, %mul3A_303 : i32
    %add3A_305 = arith.constant 16 : i32
    %add3A_306 = arith.addi %mul3A_304, %add3A_305 : i32
    %add3A_307 = vector.broadcast %add3A_306 : i32 to vector<16xi32>
    %add3A_308 = arith.addi %iota3A, %add3A_307 : vector<16xi32>
    tpu.vector_store_idx %arg13[%shift_right_arithmetic3A_296, %and3A_299], %add3A_308 masked %gt3A_277 : memref<4x128xi32, #tpu.memory_space<vmem>>[vector<16xi32>, vector<16xi32>], vector<16xi32>, vector<16xi1>
    %jit3A_309 = arith.constant 1 : i32
    %jit3A_310 = arith.constant 0 : i32
    %broadcast_in_dim3A_311 = vector.broadcast %jit3A_309 : i32 to vector<16xi32>
    %broadcast_in_dim3A_312 = vector.broadcast %jit3A_310 : i32 to vector<16xi32>
    %select_n3A_313 = arith.select %gt3A_277, %broadcast_in_dim3A_311, %broadcast_in_dim3A_312 : vector<16xi1>, vector<16xi32>
    %reduce_sum3A_314 = arith.constant true
    %reduce_sum3A_315 = vector.broadcast %reduce_sum3A_314 : i1 to vector<16xi1>
    %reduce_sum3A_316 = tpu.scan <sum>, %select_n3A_313 masked %reduce_sum3A_315 : vector<16xi32>, vector<16xi1> -> vector<16xi32>
    %reduce_sum3A_317 = vector.extract %reduce_sum3A_316[15] : i32 from vector<16xi32>
    %add3A_318 = arith.addi %add3A_272, %reduce_sum3A_317 : i32
    %get3A_319 = arith.constant 32 : index
    %get3A_320 = tpu.vector_load %arg10[%get3A_319] {strides = array<i32>} : memref<512xi32, #tpu.memory_space<vmem>>, vector<16xi32>,
    %gt3A_321 = arith.constant 0 : i32
    %gt3A_322 = vector.broadcast %gt3A_321 : i32 to vector<16xi32>
    %gt3A_323 = arith.cmpi sgt, %get3A_320, %gt3A_322 : vector<16xi32>
    %jit3A_324 = arith.constant 1 : i32
    %jit3A_325 = arith.constant 0 : i32
    %broadcast_in_dim3A_326 = vector.broadcast %jit3A_324 : i32 to vector<16xi32>
    %broadcast_in_dim3A_327 = vector.broadcast %jit3A_325 : i32 to vector<16xi32>
    %select_n3A_328 = arith.select %gt3A_323, %broadcast_in_dim3A_326, %broadcast_in_dim3A_327 : vector<16xi1>, vector<16xi32>
    %broadcast_in_dim3A_329 = arith.constant true
    %broadcast_in_dim3A_330 = vector.broadcast %broadcast_in_dim3A_329 : i1 to vector<16xi1>
    %masked_cumsum3A_331 = tpu.scan <sum>, %select_n3A_328 masked %broadcast_in_dim3A_330 : vector<16xi32>, vector<16xi1> -> vector<16xi32>
    %add3A_332 = vector.broadcast %add3A_318 : i32 to vector<16xi32>
    %add3A_333 = arith.addi %add3A_332, %masked_cumsum3A_331 : vector<16xi32>
    %sub3A_334 = arith.constant 1 : i32
    %sub3A_335 = vector.broadcast %sub3A_334 : i32 to vector<16xi32>
    %sub3A_336 = arith.subi %add3A_333, %sub3A_335 : vector<16xi32>
    %max3A_337 = arith.constant 0 : i32
    %max3A_338 = vector.broadcast %max3A_337 : i32 to vector<16xi32>
    %max3A_339 = arith.maxsi %sub3A_336, %max3A_338 : vector<16xi32>
    %shift_right_arithmetic3A_340 = arith.constant 7 : i32
    %shift_right_arithmetic3A_341 = vector.broadcast %shift_right_arithmetic3A_340 : i32 to vector<16xi32>
    %shift_right_arithmetic3A_342 = arith.shrsi %max3A_339, %shift_right_arithmetic3A_341 : vector<16xi32>
    %and3A_343 = arith.constant 127 : i32
    %and3A_344 = vector.broadcast %and3A_343 : i32 to vector<16xi32>
    %and3A_345 = arith.andi %max3A_339, %and3A_344 : vector<16xi32>
    %sub3A_346 = arith.constant 1 : i32
    %sub3A_347 = vector.broadcast %sub3A_346 : i32 to vector<16xi32>
    %sub3A_348 = arith.subi %get3A_320, %sub3A_347 : vector<16xi32>
    tpu.vector_store_idx %arg12[%shift_right_arithmetic3A_342, %and3A_345], %sub3A_348 masked %gt3A_323 : memref<4x128xi32, #tpu.memory_space<vmem>>[vector<16xi32>, vector<16xi32>], vector<16xi32>, vector<16xi1>
    %mul3A_349 = arith.constant 512 : i32
    %mul3A_350 = arith.muli %add3A, %mul3A_349 : i32
    %add3A_351 = arith.constant 32 : i32
    %add3A_352 = arith.addi %mul3A_350, %add3A_351 : i32
    %add3A_353 = vector.broadcast %add3A_352 : i32 to vector<16xi32>
    %add3A_354 = arith.addi %iota3A, %add3A_353 : vector<16xi32>
    tpu.vector_store_idx %arg13[%shift_right_arithmetic3A_342, %and3A_345], %add3A_354 masked %gt3A_323 : memref<4x128xi32, #tpu.memory_space<vmem>>[vector<16xi32>, vector<16xi32>], vector<16xi32>, vector<16xi1>
    %jit3A_355 = arith.constant 1 : i32
    %jit3A_356 = arith.constant 0 : i32
    %broadcast_in_dim3A_357 = vector.broadcast %jit3A_355 : i32 to vector<16xi32>
    %broadcast_in_dim3A_358 = vector.broadcast %jit3A_356 : i32 to vector<16xi32>
    %select_n3A_359 = arith.select %gt3A_323, %broadcast_in_dim3A_357, %broadcast_in_dim3A_358 : vector<16xi1>, vector<16xi32>
    %reduce_sum3A_360 = arith.constant true
    %reduce_sum3A_361 = vector.broadcast %reduce_sum3A_360 : i1 to vector<16xi1>
    %reduce_sum3A_362 = tpu.scan <sum>, %select_n3A_359 masked %reduce_sum3A_361 : vector<16xi32>, vector<16xi1> -> vector<16xi32>
    %reduce_sum3A_363 = vector.extract %reduce_sum3A_362[15] : i32 from vector<16xi32>
    %add3A_364 = arith.addi %add3A_318, %reduce_sum3A_363 : i32
    %get3A_365 = arith.constant 48 : index
    %get3A_366 = tpu.vector_load %arg10[%get3A_365] {strides = array<i32>} : memref<512xi32, #tpu.memory_space<vmem>>, vector<16xi32>,
    %gt3A_367 = arith.constant 0 : i32
    %gt3A_368 = vector.broadcast %gt3A_367 : i32 to vector<16xi32>
    %gt3A_369 = arith.cmpi sgt, %get3A_366, %gt3A_368 : vector<16xi32>
    %jit3A_370 = arith.constant 1 : i32
    %jit3A_371 = arith.constant 0 : i32
    %broadcast_in_dim3A_372 = vector.broadcast %jit3A_370 : i32 to vector<16xi32>
    %broadcast_in_dim3A_373 = vector.broadcast %jit3A_371 : i32 to vector<16xi32>
    %select_n3A_374 = arith.select %gt3A_369, %broadcast_in_dim3A_372, %broadcast_in_dim3A_373 : vector<16xi1>, vector<16xi32>
    %broadcast_in_dim3A_375 = arith.constant true
    %broadcast_in_dim3A_376 = vector.broadcast %broadcast_in_dim3A_375 : i1 to vector<16xi1>
    %masked_cumsum3A_377 = tpu.scan <sum>, %select_n3A_374 masked %broadcast_in_dim3A_376 : vector<16xi32>, vector<16xi1> -> vector<16xi32>
    %add3A_378 = vector.broadcast %add3A_364 : i32 to vector<16xi32>
    %add3A_379 = arith.addi %add3A_378, %masked_cumsum3A_377 : vector<16xi32>
    %sub3A_380 = arith.constant 1 : i32
    %sub3A_381 = vector.broadcast %sub3A_380 : i32 to vector<16xi32>
    %sub3A_382 = arith.subi %add3A_379, %sub3A_381 : vector<16xi32>
    %max3A_383 = arith.constant 0 : i32
    %max3A_384 = vector.broadcast %max3A_383 : i32 to vector<16xi32>
    %max3A_385 = arith.maxsi %sub3A_382, %max3A_384 : vector<16xi32>
    %shift_right_arithmetic3A_386 = arith.constant 7 : i32
    %shift_right_arithmetic3A_387 = vector.broadcast %shift_right_arithmetic3A_386 : i32 to vector<16xi32>
    %shift_right_arithmetic3A_388 = arith.shrsi %max3A_385, %shift_right_arithmetic3A_387 : vector<16xi32>
    %and3A_389 = arith.constant 127 : i32
    %and3A_390 = vector.broadcast %and3A_389 : i32 to vector<16xi32>
    %and3A_391 = arith.andi %max3A_385, %and3A_390 : vector<16xi32>
    %sub3A_392 = arith.constant 1 : i32
    %sub3A_393 = vector.broadcast %sub3A_392 : i32 to vector<16xi32>
    %sub3A_394 = arith.subi %get3A_366, %sub3A_393 : vector<16xi32>
    tpu.vector_store_idx %arg12[%shift_right_arithmetic3A_388, %and3A_391], %sub3A_394 masked %gt3A_369 : memref<4x128xi32, #tpu.memory_space<vmem>>[vector<16xi32>, vector<16xi32>], vector<16xi32>, vector<16xi1>
    %mul3A_395 = arith.constant 512 : i32
    %mul3A_396 = arith.muli %add3A, %mul3A_395 : i32
    %add3A_397 = arith.constant 48 : i32
    %add3A_398 = arith.addi %mul3A_396, %add3A_397 : i32
    %add3A_399 = vector.broadcast %add3A_398 : i32 to vector<16xi32>
    %add3A_400 = arith.addi %iota3A, %add3A_399 : vector<16xi32>
    tpu.vector_store_idx %arg13[%shift_right_arithmetic3A_388, %and3A_391], %add3A_400 masked %gt3A_369 : memref<4x128xi32, #tpu.memory_space<vmem>>[vector<16xi32>, vector<16xi32>], vector<16xi32>, vector<16xi1>
    %jit3A_401 = arith.constant 1 : i32
    %jit3A_402 = arith.constant 0 : i32
    %broadcast_in_dim3A_403 = vector.broadcast %jit3A_401 : i32 to vector<16xi32>
    %broadcast_in_dim3A_404 = vector.broadcast %jit3A_402 : i32 to vector<16xi32>
    %select_n3A_405 = arith.select %gt3A_369, %broadcast_in_dim3A_403, %broadcast_in_dim3A_404 : vector<16xi1>, vector<16xi32>
    %reduce_sum3A_406 = arith.constant true
    %reduce_sum3A_407 = vector.broadcast %reduce_sum3A_406 : i1 to vector<16xi1>
    %reduce_sum3A_408 = tpu.scan <sum>, %select_n3A_405 masked %reduce_sum3A_407 : vector<16xi32>, vector<16xi1> -> vector<16xi32>
    %reduce_sum3A_409 = vector.extract %reduce_sum3A_408[15] : i32 from vector<16xi32>
    %add3A_410 = arith.addi %add3A_364, %reduce_sum3A_409 : i32
    %get3A_411 = arith.constant 64 : index
    %get3A_412 = tpu.vector_load %arg10[%get3A_411] {strides = array<i32>} : memref<512xi32, #tpu.memory_space<vmem>>, vector<16xi32>,
    %gt3A_413 = arith.constant 0 : i32
    %gt3A_414 = vector.broadcast %gt3A_413 : i32 to vector<16xi32>
    %gt3A_415 = arith.cmpi sgt, %get3A_412, %gt3A_414 : vector<16xi32>
    %jit3A_416 = arith.constant 1 : i32
    %jit3A_417 = arith.constant 0 : i32
    %broadcast_in_dim3A_418 = vector.broadcast %jit3A_416 : i32 to vector<16xi32>
    %broadcast_in_dim3A_419 = vector.broadcast %jit3A_417 : i32 to vector<16xi32>
    %select_n3A_420 = arith.select %gt3A_415, %broadcast_in_dim3A_418, %broadcast_in_dim3A_419 : vector<16xi1>, vector<16xi32>
    %broadcast_in_dim3A_421 = arith.constant true
    %broadcast_in_dim3A_422 = vector.broadcast %broadcast_in_dim3A_421 : i1 to vector<16xi1>
    %masked_cumsum3A_423 = tpu.scan <sum>, %select_n3A_420 masked %broadcast_in_dim3A_422 : vector<16xi32>, vector<16xi1> -> vector<16xi32>
    %add3A_424 = vector.broadcast %add3A_410 : i32 to vector<16xi32>
    %add3A_425 = arith.addi %add3A_424, %masked_cumsum3A_423 : vector<16xi32>
    %sub3A_426 = arith.constant 1 : i32
    %sub3A_427 = vector.broadcast %sub3A_426 : i32 to vector<16xi32>
    %sub3A_428 = arith.subi %add3A_425, %sub3A_427 : vector<16xi32>
    %max3A_429 = arith.constant 0 : i32
    %max3A_430 = vector.broadcast %max3A_429 : i32 to vector<16xi32>
    %max3A_431 = arith.maxsi %sub3A_428, %max3A_430 : vector<16xi32>
    %shift_right_arithmetic3A_432 = arith.constant 7 : i32
    %shift_right_arithmetic3A_433 = vector.broadcast %shift_right_arithmetic3A_432 : i32 to vector<16xi32>
    %shift_right_arithmetic3A_434 = arith.shrsi %max3A_431, %shift_right_arithmetic3A_433 : vector<16xi32>
    %and3A_435 = arith.constant 127 : i32
    %and3A_436 = vector.broadcast %and3A_435 : i32 to vector<16xi32>
    %and3A_437 = arith.andi %max3A_431, %and3A_436 : vector<16xi32>
    %sub3A_438 = arith.constant 1 : i32
    %sub3A_439 = vector.broadcast %sub3A_438 : i32 to vector<16xi32>
    %sub3A_440 = arith.subi %get3A_412, %sub3A_439 : vector<16xi32>
    tpu.vector_store_idx %arg12[%shift_right_arithmetic3A_434, %and3A_437], %sub3A_440 masked %gt3A_415 : memref<4x128xi32, #tpu.memory_space<vmem>>[vector<16xi32>, vector<16xi32>], vector<16xi32>, vector<16xi1>
    %mul3A_441 = arith.constant 512 : i32
    %mul3A_442 = arith.muli %add3A, %mul3A_441 : i32
    %add3A_443 = arith.constant 64 : i32
    %add3A_444 = arith.addi %mul3A_442, %add3A_443 : i32
    %add3A_445 = vector.broadcast %add3A_444 : i32 to vector<16xi32>
    %add3A_446 = arith.addi %iota3A, %add3A_445 : vector<16xi32>
    tpu.vector_store_idx %arg13[%shift_right_arithmetic3A_434, %and3A_437], %add3A_446 masked %gt3A_415 : memref<4x128xi32, #tpu.memory_space<vmem>>[vector<16xi32>, vector<16xi32>], vector<16xi32>, vector<16xi1>
    %jit3A_447 = arith.constant 1 : i32
    %jit3A_448 = arith.constant 0 : i32
    %broadcast_in_dim3A_449 = vector.broadcast %jit3A_447 : i32 to vector<16xi32>
    %broadcast_in_dim3A_450 = vector.broadcast %jit3A_448 : i32 to vector<16xi32>
    %select_n3A_451 = arith.select %gt3A_415, %broadcast_in_dim3A_449, %broadcast_in_dim3A_450 : vector<16xi1>, vector<16xi32>
    %reduce_sum3A_452 = arith.constant true
    %reduce_sum3A_453 = vector.broadcast %reduce_sum3A_452 : i1 to vector<16xi1>
    %reduce_sum3A_454 = tpu.scan <sum>, %select_n3A_451 masked %reduce_sum3A_453 : vector<16xi32>, vector<16xi1> -> vector<16xi32>
    %reduce_sum3A_455 = vector.extract %reduce_sum3A_454[15] : i32 from vector<16xi32>
    %add3A_456 = arith.addi %add3A_410, %reduce_sum3A_455 : i32
    %get3A_457 = arith.constant 80 : index
    %get3A_458 = tpu.vector_load %arg10[%get3A_457] {strides = array<i32>} : memref<512xi32, #tpu.memory_space<vmem>>, vector<16xi32>,
    %gt3A_459 = arith.constant 0 : i32
    %gt3A_460 = vector.broadcast %gt3A_459 : i32 to vector<16xi32>
    %gt3A_461 = arith.cmpi sgt, %get3A_458, %gt3A_460 : vector<16xi32>
    %jit3A_462 = arith.constant 1 : i32
    %jit3A_463 = arith.constant 0 : i32
    %broadcast_in_dim3A_464 = vector.broadcast %jit3A_462 : i32 to vector<16xi32>
    %broadcast_in_dim3A_465 = vector.broadcast %jit3A_463 : i32 to vector<16xi32>
    %select_n3A_466 = arith.select %gt3A_461, %broadcast_in_dim3A_464, %broadcast_in_dim3A_465 : vector<16xi1>, vector<16xi32>
    %broadcast_in_dim3A_467 = arith.constant true
    %broadcast_in_dim3A_468 = vector.broadcast %broadcast_in_dim3A_467 : i1 to vector<16xi1>
    %masked_cumsum3A_469 = tpu.scan <sum>, %select_n3A_466 masked %broadcast_in_dim3A_468 : vector<16xi32>, vector<16xi1> -> vector<16xi32>
    %add3A_470 = vector.broadcast %add3A_456 : i32 to vector<16xi32>
    %add3A_471 = arith.addi %add3A_470, %masked_cumsum3A_469 : vector<16xi32>
    %sub3A_472 = arith.constant 1 : i32
    %sub3A_473 = vector.broadcast %sub3A_472 : i32 to vector<16xi32>
    %sub3A_474 = arith.subi %add3A_471, %sub3A_473 : vector<16xi32>
    %max3A_475 = arith.constant 0 : i32
    %max3A_476 = vector.broadcast %max3A_475 : i32 to vector<16xi32>
    %max3A_477 = arith.maxsi %sub3A_474, %max3A_476 : vector<16xi32>
    %shift_right_arithmetic3A_478 = arith.constant 7 : i32
    %shift_right_arithmetic3A_479 = vector.broadcast %shift_right_arithmetic3A_478 : i32 to vector<16xi32>
    %shift_right_arithmetic3A_480 = arith.shrsi %max3A_477, %shift_right_arithmetic3A_479 : vector<16xi32>
    %and3A_481 = arith.constant 127 : i32
    %and3A_482 = vector.broadcast %and3A_481 : i32 to vector<16xi32>
    %and3A_483 = arith.andi %max3A_477, %and3A_482 : vector<16xi32>
    %sub3A_484 = arith.constant 1 : i32
    %sub3A_485 = vector.broadcast %sub3A_484 : i32 to vector<16xi32>
    %sub3A_486 = arith.subi %get3A_458, %sub3A_485 : vector<16xi32>
    tpu.vector_store_idx %arg12[%shift_right_arithmetic3A_480, %and3A_483], %sub3A_486 masked %gt3A_461 : memref<4x128xi32, #tpu.memory_space<vmem>>[vector<16xi32>, vector<16xi32>], vector<16xi32>, vector<16xi1>
    %mul3A_487 = arith.constant 512 : i32
    %mul3A_488 = arith.muli %add3A, %mul3A_487 : i32
    %add3A_489 = arith.constant 80 : i32
    %add3A_490 = arith.addi %mul3A_488, %add3A_489 : i32
    %add3A_491 = vector.broadcast %add3A_490 : i32 to vector<16xi32>
    %add3A_492 = arith.addi %iota3A, %add3A_491 : vector<16xi32>
    tpu.vector_store_idx %arg13[%shift_right_arithmetic3A_480, %and3A_483], %add3A_492 masked %gt3A_461 : memref<4x128xi32, #tpu.memory_space<vmem>>[vector<16xi32>, vector<16xi32>], vector<16xi32>, vector<16xi1>
    %jit3A_493 = arith.constant 1 : i32
    %jit3A_494 = arith.constant 0 : i32
    %broadcast_in_dim3A_495 = vector.broadcast %jit3A_493 : i32 to vector<16xi32>
    %broadcast_in_dim3A_496 = vector.broadcast %jit3A_494 : i32 to vector<16xi32>
    %select_n3A_497 = arith.select %gt3A_461, %broadcast_in_dim3A_495, %broadcast_in_dim3A_496 : vector<16xi1>, vector<16xi32>
    %reduce_sum3A_498 = arith.constant true
    %reduce_sum3A_499 = vector.broadcast %reduce_sum3A_498 : i1 to vector<16xi1>
    %reduce_sum3A_500 = tpu.scan <sum>, %select_n3A_497 masked %reduce_sum3A_499 : vector<16xi32>, vector<16xi1> -> vector<16xi32>
    %reduce_sum3A_501 = vector.extract %reduce_sum3A_500[15] : i32 from vector<16xi32>
    %add3A_502 = arith.addi %add3A_456, %reduce_sum3A_501 : i32
    %get3A_503 = arith.constant 96 : index
    %get3A_504 = tpu.vector_load %arg10[%get3A_503] {strides = array<i32>} : memref<512xi32, #tpu.memory_space<vmem>>, vector<16xi32>,
    %gt3A_505 = arith.constant 0 : i32
    %gt3A_506 = vector.broadcast %gt3A_505 : i32 to vector<16xi32>
    %gt3A_507 = arith.cmpi sgt, %get3A_504, %gt3A_506 : vector<16xi32>
    %jit3A_508 = arith.constant 1 : i32
    %jit3A_509 = arith.constant 0 : i32
    %broadcast_in_dim3A_510 = vector.broadcast %jit3A_508 : i32 to vector<16xi32>
    %broadcast_in_dim3A_511 = vector.broadcast %jit3A_509 : i32 to vector<16xi32>
    %select_n3A_512 = arith.select %gt3A_507, %broadcast_in_dim3A_510, %broadcast_in_dim3A_511 : vector<16xi1>, vector<16xi32>
    %broadcast_in_dim3A_513 = arith.constant true
    %broadcast_in_dim3A_514 = vector.broadcast %broadcast_in_dim3A_513 : i1 to vector<16xi1>
    %masked_cumsum3A_515 = tpu.scan <sum>, %select_n3A_512 masked %broadcast_in_dim3A_514 : vector<16xi32>, vector<16xi1> -> vector<16xi32>
    %add3A_516 = vector.broadcast %add3A_502 : i32 to vector<16xi32>
    %add3A_517 = arith.addi %add3A_516, %masked_cumsum3A_515 : vector<16xi32>
    %sub3A_518 = arith.constant 1 : i32
    %sub3A_519 = vector.broadcast %sub3A_518 : i32 to vector<16xi32>
    %sub3A_520 = arith.subi %add3A_517, %sub3A_519 : vector<16xi32>
    %max3A_521 = arith.constant 0 : i32
    %max3A_522 = vector.broadcast %max3A_521 : i32 to vector<16xi32>
    %max3A_523 = arith.maxsi %sub3A_520, %max3A_522 : vector<16xi32>
    %shift_right_arithmetic3A_524 = arith.constant 7 : i32
    %shift_right_arithmetic3A_525 = vector.broadcast %shift_right_arithmetic3A_524 : i32 to vector<16xi32>
    %shift_right_arithmetic3A_526 = arith.shrsi %max3A_523, %shift_right_arithmetic3A_525 : vector<16xi32>
    %and3A_527 = arith.constant 127 : i32
    %and3A_528 = vector.broadcast %and3A_527 : i32 to vector<16xi32>
    %and3A_529 = arith.andi %max3A_523, %and3A_528 : vector<16xi32>
    %sub3A_530 = arith.constant 1 : i32
    %sub3A_531 = vector.broadcast %sub3A_530 : i32 to vector<16xi32>
    %sub3A_532 = arith.subi %get3A_504, %sub3A_531 : vector<16xi32>
    tpu.vector_store_idx %arg12[%shift_right_arithmetic3A_526, %and3A_529], %sub3A_532 masked %gt3A_507 : memref<4x128xi32, #tpu.memory_space<vmem>>[vector<16xi32>, vector<16xi32>], vector<16xi32>, vector<16xi1>
    %mul3A_533 = arith.constant 512 : i32
    %mul3A_534 = arith.muli %add3A, %mul3A_533 : i32
    %add3A_535 = arith.constant 96 : i32
    %add3A_536 = arith.addi %mul3A_534, %add3A_535 : i32
    %add3A_537 = vector.broadcast %add3A_536 : i32 to vector<16xi32>
    %add3A_538 = arith.addi %iota3A, %add3A_537 : vector<16xi32>
    tpu.vector_store_idx %arg13[%shift_right_arithmetic3A_526, %and3A_529], %add3A_538 masked %gt3A_507 : memref<4x128xi32, #tpu.memory_space<vmem>>[vector<16xi32>, vector<16xi32>], vector<16xi32>, vector<16xi1>
    %jit3A_539 = arith.constant 1 : i32
    %jit3A_540 = arith.constant 0 : i32
    %broadcast_in_dim3A_541 = vector.broadcast %jit3A_539 : i32 to vector<16xi32>
    %broadcast_in_dim3A_542 = vector.broadcast %jit3A_540 : i32 to vector<16xi32>
    %select_n3A_543 = arith.select %gt3A_507, %broadcast_in_dim3A_541, %broadcast_in_dim3A_542 : vector<16xi1>, vector<16xi32>
    %reduce_sum3A_544 = arith.constant true
    %reduce_sum3A_545 = vector.broadcast %reduce_sum3A_544 : i1 to vector<16xi1>
    %reduce_sum3A_546 = tpu.scan <sum>, %select_n3A_543 masked %reduce_sum3A_545 : vector<16xi32>, vector<16xi1> -> vector<16xi32>
    %reduce_sum3A_547 = vector.extract %reduce_sum3A_546[15] : i32 from vector<16xi32>
    %add3A_548 = arith.addi %add3A_502, %reduce_sum3A_547 : i32
    %get3A_549 = arith.constant 112 : index
    %get3A_550 = tpu.vector_load %arg10[%get3A_549] {strides = array<i32>} : memref<512xi32, #tpu.memory_space<vmem>>, vector<16xi32>,
    %gt3A_551 = arith.constant 0 : i32
    %gt3A_552 = vector.broadcast %gt3A_551 : i32 to vector<16xi32>
    %gt3A_553 = arith.cmpi sgt, %get3A_550, %gt3A_552 : vector<16xi32>
    %jit3A_554 = arith.constant 1 : i32
    %jit3A_555 = arith.constant 0 : i32
    %broadcast_in_dim3A_556 = vector.broadcast %jit3A_554 : i32 to vector<16xi32>
    %broadcast_in_dim3A_557 = vector.broadcast %jit3A_555 : i32 to vector<16xi32>
    %select_n3A_558 = arith.select %gt3A_553, %broadcast_in_dim3A_556, %broadcast_in_dim3A_557 : vector<16xi1>, vector<16xi32>
    %broadcast_in_dim3A_559 = arith.constant true
    %broadcast_in_dim3A_560 = vector.broadcast %broadcast_in_dim3A_559 : i1 to vector<16xi1>
    %masked_cumsum3A_561 = tpu.scan <sum>, %select_n3A_558 masked %broadcast_in_dim3A_560 : vector<16xi32>, vector<16xi1> -> vector<16xi32>
    %add3A_562 = vector.broadcast %add3A_548 : i32 to vector<16xi32>
    %add3A_563 = arith.addi %add3A_562, %masked_cumsum3A_561 : vector<16xi32>
    %sub3A_564 = arith.constant 1 : i32
    %sub3A_565 = vector.broadcast %sub3A_564 : i32 to vector<16xi32>
    %sub3A_566 = arith.subi %add3A_563, %sub3A_565 : vector<16xi32>
    %max3A_567 = arith.constant 0 : i32
    %max3A_568 = vector.broadcast %max3A_567 : i32 to vector<16xi32>
    %max3A_569 = arith.maxsi %sub3A_566, %max3A_568 : vector<16xi32>
    %shift_right_arithmetic3A_570 = arith.constant 7 : i32
    %shift_right_arithmetic3A_571 = vector.broadcast %shift_right_arithmetic3A_570 : i32 to vector<16xi32>
    %shift_right_arithmetic3A_572 = arith.shrsi %max3A_569, %shift_right_arithmetic3A_571 : vector<16xi32>
    %and3A_573 = arith.constant 127 : i32
    %and3A_574 = vector.broadcast %and3A_573 : i32 to vector<16xi32>
    %and3A_575 = arith.andi %max3A_569, %and3A_574 : vector<16xi32>
    %sub3A_576 = arith.constant 1 : i32
    %sub3A_577 = vector.broadcast %sub3A_576 : i32 to vector<16xi32>
    %sub3A_578 = arith.subi %get3A_550, %sub3A_577 : vector<16xi32>
    tpu.vector_store_idx %arg12[%shift_right_arithmetic3A_572, %and3A_575], %sub3A_578 masked %gt3A_553 : memref<4x128xi32, #tpu.memory_space<vmem>>[vector<16xi32>, vector<16xi32>], vector<16xi32>, vector<16xi1>
    %mul3A_579 = arith.constant 512 : i32
    %mul3A_580 = arith.muli %add3A, %mul3A_579 : i32
    %add3A_581 = arith.constant 112 : i32
    %add3A_582 = arith.addi %mul3A_580, %add3A_581 : i32
    %add3A_583 = vector.broadcast %add3A_582 : i32 to vector<16xi32>
    %add3A_584 = arith.addi %iota3A, %add3A_583 : vector<16xi32>
    tpu.vector_store_idx %arg13[%shift_right_arithmetic3A_572, %and3A_575], %add3A_584 masked %gt3A_553 : memref<4x128xi32, #tpu.memory_space<vmem>>[vector<16xi32>, vector<16xi32>], vector<16xi32>, vector<16xi1>
    %jit3A_585 = arith.constant 1 : i32
    %jit3A_586 = arith.constant 0 : i32
    %broadcast_in_dim3A_587 = vector.broadcast %jit3A_585 : i32 to vector<16xi32>
    %broadcast_in_dim3A_588 = vector.broadcast %jit3A_586 : i32 to vector<16xi32>
    %select_n3A_589 = arith.select %gt3A_553, %broadcast_in_dim3A_587, %broadcast_in_dim3A_588 : vector<16xi1>, vector<16xi32>
    %reduce_sum3A_590 = arith.constant true
    %reduce_sum3A_591 = vector.broadcast %reduce_sum3A_590 : i1 to vector<16xi1>
    %reduce_sum3A_592 = tpu.scan <sum>, %select_n3A_589 masked %reduce_sum3A_591 : vector<16xi32>, vector<16xi1> -> vector<16xi32>
    %reduce_sum3A_593 = vector.extract %reduce_sum3A_592[15] : i32 from vector<16xi32>
    %add3A_594 = arith.addi %add3A_548, %reduce_sum3A_593 : i32
    %get3A_595 = arith.constant 128 : index
    %get3A_596 = tpu.vector_load %arg10[%get3A_595] {strides = array<i32>} : memref<512xi32, #tpu.memory_space<vmem>>, vector<16xi32>,
    %gt3A_597 = arith.constant 0 : i32
    %gt3A_598 = vector.broadcast %gt3A_597 : i32 to vector<16xi32>
    %gt3A_599 = arith.cmpi sgt, %get3A_596, %gt3A_598 : vector<16xi32>
    %jit3A_600 = arith.constant 1 : i32
    %jit3A_601 = arith.constant 0 : i32
    %broadcast_in_dim3A_602 = vector.broadcast %jit3A_600 : i32 to vector<16xi32>
    %broadcast_in_dim3A_603 = vector.broadcast %jit3A_601 : i32 to vector<16xi32>
    %select_n3A_604 = arith.select %gt3A_599, %broadcast_in_dim3A_602, %broadcast_in_dim3A_603 : vector<16xi1>, vector<16xi32>
    %broadcast_in_dim3A_605 = arith.constant true
    %broadcast_in_dim3A_606 = vector.broadcast %broadcast_in_dim3A_605 : i1 to vector<16xi1>
    %masked_cumsum3A_607 = tpu.scan <sum>, %select_n3A_604 masked %broadcast_in_dim3A_606 : vector<16xi32>, vector<16xi1> -> vector<16xi32>
    %add3A_608 = vector.broadcast %add3A_594 : i32 to vector<16xi32>
    %add3A_609 = arith.addi %add3A_608, %masked_cumsum3A_607 : vector<16xi32>
    %sub3A_610 = arith.constant 1 : i32
    %sub3A_611 = vector.broadcast %sub3A_610 : i32 to vector<16xi32>
    %sub3A_612 = arith.subi %add3A_609, %sub3A_611 : vector<16xi32>
    %max3A_613 = arith.constant 0 : i32
    %max3A_614 = vector.broadcast %max3A_613 : i32 to vector<16xi32>
    %max3A_615 = arith.maxsi %sub3A_612, %max3A_614 : vector<16xi32>
    %shift_right_arithmetic3A_616 = arith.constant 7 : i32
    %shift_right_arithmetic3A_617 = vector.broadcast %shift_right_arithmetic3A_616 : i32 to vector<16xi32>
    %shift_right_arithmetic3A_618 = arith.shrsi %max3A_615, %shift_right_arithmetic3A_617 : vector<16xi32>
    %and3A_619 = arith.constant 127 : i32
    %and3A_620 = vector.broadcast %and3A_619 : i32 to vector<16xi32>
    %and3A_621 = arith.andi %max3A_615, %and3A_620 : vector<16xi32>
    %sub3A_622 = arith.constant 1 : i32
    %sub3A_623 = vector.broadcast %sub3A_622 : i32 to vector<16xi32>
    %sub3A_624 = arith.subi %get3A_596, %sub3A_623 : vector<16xi32>
    tpu.vector_store_idx %arg12[%shift_right_arithmetic3A_618, %and3A_621], %sub3A_624 masked %gt3A_599 : memref<4x128xi32, #tpu.memory_space<vmem>>[vector<16xi32>, vector<16xi32>], vector<16xi32>, vector<16xi1>
    %mul3A_625 = arith.constant 512 : i32
    %mul3A_626 = arith.muli %add3A, %mul3A_625 : i32
    %add3A_627 = arith.constant 128 : i32
    %add3A_628 = arith.addi %mul3A_626, %add3A_627 : i32
    %add3A_629 = vector.broadcast %add3A_628 : i32 to vector<16xi32>
    %add3A_630 = arith.addi %iota3A, %add3A_629 : vector<16xi32>
    tpu.vector_store_idx %arg13[%shift_right_arithmetic3A_618, %and3A_621], %add3A_630 masked %gt3A_599 : memref<4x128xi32, #tpu.memory_space<vmem>>[vector<16xi32>, vector<16xi32>], vector<16xi32>, vector<16xi1>
    %jit3A_631 = arith.constant 1 : i32
    %jit3A_632 = arith.constant 0 : i32
    %broadcast_in_dim3A_633 = vector.broadcast %jit3A_631 : i32 to vector<16xi32>
    %broadcast_in_dim3A_634 = vector.broadcast %jit3A_632 : i32 to vector<16xi32>
    %select_n3A_635 = arith.select %gt3A_599, %broadcast_in_dim3A_633, %broadcast_in_dim3A_634 : vector<16xi1>, vector<16xi32>
    %reduce_sum3A_636 = arith.constant true
    %reduce_sum3A_637 = vector.broadcast %reduce_sum3A_636 : i1 to vector<16xi1>
    %reduce_sum3A_638 = tpu.scan <sum>, %select_n3A_635 masked %reduce_sum3A_637 : vector<16xi32>, vector<16xi1> -> vector<16xi32>
    %reduce_sum3A_639 = vector.extract %reduce_sum3A_638[15] : i32 from vector<16xi32>
    %add3A_640 = arith.addi %add3A_594, %reduce_sum3A_639 : i32
    %get3A_641 = arith.constant 144 : index
    %get3A_642 = tpu.vector_load %arg10[%get3A_641] {strides = array<i32>} : memref<512xi32, #tpu.memory_space<vmem>>, vector<16xi32>,
    %gt3A_643 = arith.constant 0 : i32
    %gt3A_644 = vector.broadcast %gt3A_643 : i32 to vector<16xi32>
    %gt3A_645 = arith.cmpi sgt, %get3A_642, %gt3A_644 : vector<16xi32>
    %jit3A_646 = arith.constant 1 : i32
    %jit3A_647 = arith.constant 0 : i32
    %broadcast_in_dim3A_648 = vector.broadcast %jit3A_646 : i32 to vector<16xi32>
    %broadcast_in_dim3A_649 = vector.broadcast %jit3A_647 : i32 to vector<16xi32>
    %select_n3A_650 = arith.select %gt3A_645, %broadcast_in_dim3A_648, %broadcast_in_dim3A_649 : vector<16xi1>, vector<16xi32>
    %broadcast_in_dim3A_651 = arith.constant true
    %broadcast_in_dim3A_652 = vector.broadcast %broadcast_in_dim3A_651 : i1 to vector<16xi1>
    %masked_cumsum3A_653 = tpu.scan <sum>, %select_n3A_650 masked %broadcast_in_dim3A_652 : vector<16xi32>, vector<16xi1> -> vector<16xi32>
    %add3A_654 = vector.broadcast %add3A_640 : i32 to vector<16xi32>
    %add3A_655 = arith.addi %add3A_654, %masked_cumsum3A_653 : vector<16xi32>
    %sub3A_656 = arith.constant 1 : i32
    %sub3A_657 = vector.broadcast %sub3A_656 : i32 to vector<16xi32>
    %sub3A_658 = arith.subi %add3A_655, %sub3A_657 : vector<16xi32>
    %max3A_659 = arith.constant 0 : i32
    %max3A_660 = vector.broadcast %max3A_659 : i32 to vector<16xi32>
    %max3A_661 = arith.maxsi %sub3A_658, %max3A_660 : vector<16xi32>
    %shift_right_arithmetic3A_662 = arith.constant 7 : i32
    %shift_right_arithmetic3A_663 = vector.broadcast %shift_right_arithmetic3A_662 : i32 to vector<16xi32>
    %shift_right_arithmetic3A_664 = arith.shrsi %max3A_661, %shift_right_arithmetic3A_663 : vector<16xi32>
    %and3A_665 = arith.constant 127 : i32
    %and3A_666 = vector.broadcast %and3A_665 : i32 to vector<16xi32>
    %and3A_667 = arith.andi %max3A_661, %and3A_666 : vector<16xi32>
    %sub3A_668 = arith.constant 1 : i32
    %sub3A_669 = vector.broadcast %sub3A_668 : i32 to vector<16xi32>
    %sub3A_670 = arith.subi %get3A_642, %sub3A_669 : vector<16xi32>
    tpu.vector_store_idx %arg12[%shift_right_arithmetic3A_664, %and3A_667], %sub3A_670 masked %gt3A_645 : memref<4x128xi32, #tpu.memory_space<vmem>>[vector<16xi32>, vector<16xi32>], vector<16xi32>, vector<16xi1>
    %mul3A_671 = arith.constant 512 : i32
    %mul3A_672 = arith.muli %add3A, %mul3A_671 : i32
    %add3A_673 = arith.constant 144 : i32
    %add3A_674 = arith.addi %mul3A_672, %add3A_673 : i32
    %add3A_675 = vector.broadcast %add3A_674 : i32 to vector<16xi32>
    %add3A_676 = arith.addi %iota3A, %add3A_675 : vector<16xi32>
    tpu.vector_store_idx %arg13[%shift_right_arithmetic3A_664, %and3A_667], %add3A_676 masked %gt3A_645 : memref<4x128xi32, #tpu.memory_space<vmem>>[vector<16xi32>, vector<16xi32>], vector<16xi32>, vector<16xi1>
    %jit3A_677 = arith.constant 1 : i32
    %jit3A_678 = arith.constant 0 : i32
    %broadcast_in_dim3A_679 = vector.broadcast %jit3A_677 : i32 to vector<16xi32>
    %broadcast_in_dim3A_680 = vector.broadcast %jit3A_678 : i32 to vector<16xi32>
    %select_n3A_681 = arith.select %gt3A_645, %broadcast_in_dim3A_679, %broadcast_in_dim3A_680 : vector<16xi1>, vector<16xi32>
    %reduce_sum3A_682 = arith.constant true
    %reduce_sum3A_683 = vector.broadcast %reduce_sum3A_682 : i1 to vector<16xi1>
    %reduce_sum3A_684 = tpu.scan <sum>, %select_n3A_681 masked %reduce_sum3A_683 : vector<16xi32>, vector<16xi1> -> vector<16xi32>
    %reduce_sum3A_685 = vector.extract %reduce_sum3A_684[15] : i32 from vector<16xi32>
    %add3A_686 = arith.addi %add3A_640, %reduce_sum3A_685 : i32
    %get3A_687 = arith.constant 160 : index
    %get3A_688 = tpu.vector_load %arg10[%get3A_687] {strides = array<i32>} : memref<512xi32, #tpu.memory_space<vmem>>, vector<16xi32>,
    %gt3A_689 = arith.constant 0 : i32
    %gt3A_690 = vector.broadcast %gt3A_689 : i32 to vector<16xi32>
    %gt3A_691 = arith.cmpi sgt, %get3A_688, %gt3A_690 : vector<16xi32>
    %jit3A_692 = arith.constant 1 : i32
    %jit3A_693 = arith.constant 0 : i32
    %broadcast_in_dim3A_694 = vector.broadcast %jit3A_692 : i32 to vector<16xi32>
    %broadcast_in_dim3A_695 = vector.broadcast %jit3A_693 : i32 to vector<16xi32>
    %select_n3A_696 = arith.select %gt3A_691, %broadcast_in_dim3A_694, %broadcast_in_dim3A_695 : vector<16xi1>, vector<16xi32>
    %broadcast_in_dim3A_697 = arith.constant true
    %broadcast_in_dim3A_698 = vector.broadcast %broadcast_in_dim3A_697 : i1 to vector<16xi1>
    %masked_cumsum3A_699 = tpu.scan <sum>, %select_n3A_696 masked %broadcast_in_dim3A_698 : vector<16xi32>, vector<16xi1> -> vector<16xi32>
    %add3A_700 = vector.broadcast %add3A_686 : i32 to vector<16xi32>
    %add3A_701 = arith.addi %add3A_700, %masked_cumsum3A_699 : vector<16xi32>
    %sub3A_702 = arith.constant 1 : i32
    %sub3A_703 = vector.broadcast %sub3A_702 : i32 to vector<16xi32>
    %sub3A_704 = arith.subi %add3A_701, %sub3A_703 : vector<16xi32>
    %max3A_705 = arith.constant 0 : i32
    %max3A_706 = vector.broadcast %max3A_705 : i32 to vector<16xi32>
    %max3A_707 = arith.maxsi %sub3A_704, %max3A_706 : vector<16xi32>
    %shift_right_arithmetic3A_708 = arith.constant 7 : i32
    %shift_right_arithmetic3A_709 = vector.broadcast %shift_right_arithmetic3A_708 : i32 to vector<16xi32>
    %shift_right_arithmetic3A_710 = arith.shrsi %max3A_707, %shift_right_arithmetic3A_709 : vector<16xi32>
    %and3A_711 = arith.constant 127 : i32
    %and3A_712 = vector.broadcast %and3A_711 : i32 to vector<16xi32>
    %and3A_713 = arith.andi %max3A_707, %and3A_712 : vector<16xi32>
    %sub3A_714 = arith.constant 1 : i32
    %sub3A_715 = vector.broadcast %sub3A_714 : i32 to vector<16xi32>
    %sub3A_716 = arith.subi %get3A_688, %sub3A_715 : vector<16xi32>
    tpu.vector_store_idx %arg12[%shift_right_arithmetic3A_710, %and3A_713], %sub3A_716 masked %gt3A_691 : memref<4x128xi32, #tpu.memory_space<vmem>>[vector<16xi32>, vector<16xi32>], vector<16xi32>, vector<16xi1>
    %mul3A_717 = arith.constant 512 : i32
    %mul3A_718 = arith.muli %add3A, %mul3A_717 : i32
    %add3A_719 = arith.constant 160 : i32
    %add3A_720 = arith.addi %mul3A_718, %add3A_719 : i32
    %add3A_721 = vector.broadcast %add3A_720 : i32 to vector<16xi32>
    %add3A_722 = arith.addi %iota3A, %add3A_721 : vector<16xi32>
    tpu.vector_store_idx %arg13[%shift_right_arithmetic3A_710, %and3A_713], %add3A_722 masked %gt3A_691 : memref<4x128xi32, #tpu.memory_space<vmem>>[vector<16xi32>, vector<16xi32>], vector<16xi32>, vector<16xi1>
    %jit3A_723 = arith.constant 1 : i32
    %jit3A_724 = arith.constant 0 : i32
    %broadcast_in_dim3A_725 = vector.broadcast %jit3A_723 : i32 to vector<16xi32>
    %broadcast_in_dim3A_726 = vector.broadcast %jit3A_724 : i32 to vector<16xi32>
    %select_n3A_727 = arith.select %gt3A_691, %broadcast_in_dim3A_725, %broadcast_in_dim3A_726 : vector<16xi1>, vector<16xi32>
    %reduce_sum3A_728 = arith.constant true
    %reduce_sum3A_729 = vector.broadcast %reduce_sum3A_728 : i1 to vector<16xi1>
    %reduce_sum3A_730 = tpu.scan <sum>, %select_n3A_727 masked %reduce_sum3A_729 : vector<16xi32>, vector<16xi1> -> vector<16xi32>
    %reduce_sum3A_731 = vector.extract %reduce_sum3A_730[15] : i32 from vector<16xi32>
    %add3A_732 = arith.addi %add3A_686, %reduce_sum3A_731 : i32
    %get3A_733 = arith.constant 176 : index
    %get3A_734 = tpu.vector_load %arg10[%get3A_733] {strides = array<i32>} : memref<512xi32, #tpu.memory_space<vmem>>, vector<16xi32>,
    %gt3A_735 = arith.constant 0 : i32
    %gt3A_736 = vector.broadcast %gt3A_735 : i32 to vector<16xi32>
    %gt3A_737 = arith.cmpi sgt, %get3A_734, %gt3A_736 : vector<16xi32>
    %jit3A_738 = arith.constant 1 : i32
    %jit3A_739 = arith.constant 0 : i32
    %broadcast_in_dim3A_740 = vector.broadcast %jit3A_738 : i32 to vector<16xi32>
    %broadcast_in_dim3A_741 = vector.broadcast %jit3A_739 : i32 to vector<16xi32>
    %select_n3A_742 = arith.select %gt3A_737, %broadcast_in_dim3A_740, %broadcast_in_dim3A_741 : vector<16xi1>, vector<16xi32>
    %broadcast_in_dim3A_743 = arith.constant true
    %broadcast_in_dim3A_744 = vector.broadcast %broadcast_in_dim3A_743 : i1 to vector<16xi1>
    %masked_cumsum3A_745 = tpu.scan <sum>, %select_n3A_742 masked %broadcast_in_dim3A_744 : vector<16xi32>, vector<16xi1> -> vector<16xi32>
    %add3A_746 = vector.broadcast %add3A_732 : i32 to vector<16xi32>
    %add3A_747 = arith.addi %add3A_746, %masked_cumsum3A_745 : vector<16xi32>
    %sub3A_748 = arith.constant 1 : i32
    %sub3A_749 = vector.broadcast %sub3A_748 : i32 to vector<16xi32>
    %sub3A_750 = arith.subi %add3A_747, %sub3A_749 : vector<16xi32>
    %max3A_751 = arith.constant 0 : i32
    %max3A_752 = vector.broadcast %max3A_751 : i32 to vector<16xi32>
    %max3A_753 = arith.maxsi %sub3A_750, %max3A_752 : vector<16xi32>
    %shift_right_arithmetic3A_754 = arith.constant 7 : i32
    %shift_right_arithmetic3A_755 = vector.broadcast %shift_right_arithmetic3A_754 : i32 to vector<16xi32>
    %shift_right_arithmetic3A_756 = arith.shrsi %max3A_753, %shift_right_arithmetic3A_755 : vector<16xi32>
    %and3A_757 = arith.constant 127 : i32
    %and3A_758 = vector.broadcast %and3A_757 : i32 to vector<16xi32>
    %and3A_759 = arith.andi %max3A_753, %and3A_758 : vector<16xi32>
    %sub3A_760 = arith.constant 1 : i32
    %sub3A_761 = vector.broadcast %sub3A_760 : i32 to vector<16xi32>
    %sub3A_762 = arith.subi %get3A_734, %sub3A_761 : vector<16xi32>
    tpu.vector_store_idx %arg12[%shift_right_arithmetic3A_756, %and3A_759], %sub3A_762 masked %gt3A_737 : memref<4x128xi32, #tpu.memory_space<vmem>>[vector<16xi32>, vector<16xi32>], vector<16xi32>, vector<16xi1>
    %mul3A_763 = arith.constant 512 : i32
    %mul3A_764 = arith.muli %add3A, %mul3A_763 : i32
    %add3A_765 = arith.constant 176 : i32
    %add3A_766 = arith.addi %mul3A_764, %add3A_765 : i32
    %add3A_767 = vector.broadcast %add3A_766 : i32 to vector<16xi32>
    %add3A_768 = arith.addi %iota3A, %add3A_767 : vector<16xi32>
    tpu.vector_store_idx %arg13[%shift_right_arithmetic3A_756, %and3A_759], %add3A_768 masked %gt3A_737 : memref<4x128xi32, #tpu.memory_space<vmem>>[vector<16xi32>, vector<16xi32>], vector<16xi32>, vector<16xi1>
    %jit3A_769 = arith.constant 1 : i32
    %jit3A_770 = arith.constant 0 : i32
    %broadcast_in_dim3A_771 = vector.broadcast %jit3A_769 : i32 to vector<16xi32>
    %broadcast_in_dim3A_772 = vector.broadcast %jit3A_770 : i32 to vector<16xi32>
    %select_n3A_773 = arith.select %gt3A_737, %broadcast_in_dim3A_771, %broadcast_in_dim3A_772 : vector<16xi1>, vector<16xi32>
    %reduce_sum3A_774 = arith.constant true
    %reduce_sum3A_775 = vector.broadcast %reduce_sum3A_774 : i1 to vector<16xi1>
    %reduce_sum3A_776 = tpu.scan <sum>, %select_n3A_773 masked %reduce_sum3A_775 : vector<16xi32>, vector<16xi1> -> vector<16xi32>
    %reduce_sum3A_777 = vector.extract %reduce_sum3A_776[15] : i32 from vector<16xi32>
    %add3A_778 = arith.addi %add3A_732, %reduce_sum3A_777 : i32
    %get3A_779 = arith.constant 192 : index
    %get3A_780 = tpu.vector_load %arg10[%get3A_779] {strides = array<i32>} : memref<512xi32, #tpu.memory_space<vmem>>, vector<16xi32>,
    %gt3A_781 = arith.constant 0 : i32
    %gt3A_782 = vector.broadcast %gt3A_781 : i32 to vector<16xi32>
    %gt3A_783 = arith.cmpi sgt, %get3A_780, %gt3A_782 : vector<16xi32>
    %jit3A_784 = arith.constant 1 : i32
    %jit3A_785 = arith.constant 0 : i32
    %broadcast_in_dim3A_786 = vector.broadcast %jit3A_784 : i32 to vector<16xi32>
    %broadcast_in_dim3A_787 = vector.broadcast %jit3A_785 : i32 to vector<16xi32>
    %select_n3A_788 = arith.select %gt3A_783, %broadcast_in_dim3A_786, %broadcast_in_dim3A_787 : vector<16xi1>, vector<16xi32>
    %broadcast_in_dim3A_789 = arith.constant true
    %broadcast_in_dim3A_790 = vector.broadcast %broadcast_in_dim3A_789 : i1 to vector<16xi1>
    %masked_cumsum3A_791 = tpu.scan <sum>, %select_n3A_788 masked %broadcast_in_dim3A_790 : vector<16xi32>, vector<16xi1> -> vector<16xi32>
    %add3A_792 = vector.broadcast %add3A_778 : i32 to vector<16xi32>
    %add3A_793 = arith.addi %add3A_792, %masked_cumsum3A_791 : vector<16xi32>
    %sub3A_794 = arith.constant 1 : i32
    %sub3A_795 = vector.broadcast %sub3A_794 : i32 to vector<16xi32>
    %sub3A_796 = arith.subi %add3A_793, %sub3A_795 : vector<16xi32>
    %max3A_797 = arith.constant 0 : i32
    %max3A_798 = vector.broadcast %max3A_797 : i32 to vector<16xi32>
    %max3A_799 = arith.maxsi %sub3A_796, %max3A_798 : vector<16xi32>
    %shift_right_arithmetic3A_800 = arith.constant 7 : i32
    %shift_right_arithmetic3A_801 = vector.broadcast %shift_right_arithmetic3A_800 : i32 to vector<16xi32>
    %shift_right_arithmetic3A_802 = arith.shrsi %max3A_799, %shift_right_arithmetic3A_801 : vector<16xi32>
    %and3A_803 = arith.constant 127 : i32
    %and3A_804 = vector.broadcast %and3A_803 : i32 to vector<16xi32>
    %and3A_805 = arith.andi %max3A_799, %and3A_804 : vector<16xi32>
    %sub3A_806 = arith.constant 1 : i32
    %sub3A_807 = vector.broadcast %sub3A_806 : i32 to vector<16xi32>
    %sub3A_808 = arith.subi %get3A_780, %sub3A_807 : vector<16xi32>
    tpu.vector_store_idx %arg12[%shift_right_arithmetic3A_802, %and3A_805], %sub3A_808 masked %gt3A_783 : memref<4x128xi32, #tpu.memory_space<vmem>>[vector<16xi32>, vector<16xi32>], vector<16xi32>, vector<16xi1>
    %mul3A_809 = arith.constant 512 : i32
    %mul3A_810 = arith.muli %add3A, %mul3A_809 : i32
    %add3A_811 = arith.constant 192 : i32
    %add3A_812 = arith.addi %mul3A_810, %add3A_811 : i32
    %add3A_813 = vector.broadcast %add3A_812 : i32 to vector<16xi32>
    %add3A_814 = arith.addi %iota3A, %add3A_813 : vector<16xi32>
    tpu.vector_store_idx %arg13[%shift_right_arithmetic3A_802, %and3A_805], %add3A_814 masked %gt3A_783 : memref<4x128xi32, #tpu.memory_space<vmem>>[vector<16xi32>, vector<16xi32>], vector<16xi32>, vector<16xi1>
    %jit3A_815 = arith.constant 1 : i32
    %jit3A_816 = arith.constant 0 : i32
    %broadcast_in_dim3A_817 = vector.broadcast %jit3A_815 : i32 to vector<16xi32>
    %broadcast_in_dim3A_818 = vector.broadcast %jit3A_816 : i32 to vector<16xi32>
    %select_n3A_819 = arith.select %gt3A_783, %broadcast_in_dim3A_817, %broadcast_in_dim3A_818 : vector<16xi1>, vector<16xi32>
    %reduce_sum3A_820 = arith.constant true
    %reduce_sum3A_821 = vector.broadcast %reduce_sum3A_820 : i1 to vector<16xi1>
    %reduce_sum3A_822 = tpu.scan <sum>, %select_n3A_819 masked %reduce_sum3A_821 : vector<16xi32>, vector<16xi1> -> vector<16xi32>
    %reduce_sum3A_823 = vector.extract %reduce_sum3A_822[15] : i32 from vector<16xi32>
    %add3A_824 = arith.addi %add3A_778, %reduce_sum3A_823 : i32
    %get3A_825 = arith.constant 208 : index
    %get3A_826 = tpu.vector_load %arg10[%get3A_825] {strides = array<i32>} : memref<512xi32, #tpu.memory_space<vmem>>, vector<16xi32>,
    %gt3A_827 = arith.constant 0 : i32
    %gt3A_828 = vector.broadcast %gt3A_827 : i32 to vector<16xi32>
    %gt3A_829 = arith.cmpi sgt, %get3A_826, %gt3A_828 : vector<16xi32>
    %jit3A_830 = arith.constant 1 : i32
    %jit3A_831 = arith.constant 0 : i32
    %broadcast_in_dim3A_832 = vector.broadcast %jit3A_830 : i32 to vector<16xi32>
    %broadcast_in_dim3A_833 = vector.broadcast %jit3A_831 : i32 to vector<16xi32>
    %select_n3A_834 = arith.select %gt3A_829, %broadcast_in_dim3A_832, %broadcast_in_dim3A_833 : vector<16xi1>, vector<16xi32>
    %broadcast_in_dim3A_835 = arith.constant true
    %broadcast_in_dim3A_836 = vector.broadcast %broadcast_in_dim3A_835 : i1 to vector<16xi1>
    %masked_cumsum3A_837 = tpu.scan <sum>, %select_n3A_834 masked %broadcast_in_dim3A_836 : vector<16xi32>, vector<16xi1> -> vector<16xi32>
    %add3A_838 = vector.broadcast %add3A_824 : i32 to vector<16xi32>
    %add3A_839 = arith.addi %add3A_838, %masked_cumsum3A_837 : vector<16xi32>
    %sub3A_840 = arith.constant 1 : i32
    %sub3A_841 = vector.broadcast %sub3A_840 : i32 to vector<16xi32>
    %sub3A_842 = arith.subi %add3A_839, %sub3A_841 : vector<16xi32>
    %max3A_843 = arith.constant 0 : i32
    %max3A_844 = vector.broadcast %max3A_843 : i32 to vector<16xi32>
    %max3A_845 = arith.maxsi %sub3A_842, %max3A_844 : vector<16xi32>
    %shift_right_arithmetic3A_846 = arith.constant 7 : i32
    %shift_right_arithmetic3A_847 = vector.broadcast %shift_right_arithmetic3A_846 : i32 to vector<16xi32>
    %shift_right_arithmetic3A_848 = arith.shrsi %max3A_845, %shift_right_arithmetic3A_847 : vector<16xi32>
    %and3A_849 = arith.constant 127 : i32
    %and3A_850 = vector.broadcast %and3A_849 : i32 to vector<16xi32>
    %and3A_851 = arith.andi %max3A_845, %and3A_850 : vector<16xi32>
    %sub3A_852 = arith.constant 1 : i32
    %sub3A_853 = vector.broadcast %sub3A_852 : i32 to vector<16xi32>
    %sub3A_854 = arith.subi %get3A_826, %sub3A_853 : vector<16xi32>
    tpu.vector_store_idx %arg12[%shift_right_arithmetic3A_848, %and3A_851], %sub3A_854 masked %gt3A_829 : memref<4x128xi32, #tpu.memory_space<vmem>>[vector<16xi32>, vector<16xi32>], vector<16xi32>, vector<16xi1>
    %mul3A_855 = arith.constant 512 : i32
    %mul3A_856 = arith.muli %add3A, %mul3A_855 : i32
    %add3A_857 = arith.constant 208 : i32
    %add3A_858 = arith.addi %mul3A_856, %add3A_857 : i32
    %add3A_859 = vector.broadcast %add3A_858 : i32 to vector<16xi32>
    %add3A_860 = arith.addi %iota3A, %add3A_859 : vector<16xi32>
    tpu.vector_store_idx %arg13[%shift_right_arithmetic3A_848, %and3A_851], %add3A_860 masked %gt3A_829 : memref<4x128xi32, #tpu.memory_space<vmem>>[vector<16xi32>, vector<16xi32>], vector<16xi32>, vector<16xi1>
    %jit3A_861 = arith.constant 1 : i32
    %jit3A_862 = arith.constant 0 : i32
    %broadcast_in_dim3A_863 = vector.broadcast %jit3A_861 : i32 to vector<16xi32>
    %broadcast_in_dim3A_864 = vector.broadcast %jit3A_862 : i32 to vector<16xi32>
    %select_n3A_865 = arith.select %gt3A_829, %broadcast_in_dim3A_863, %broadcast_in_dim3A_864 : vector<16xi1>, vector<16xi32>
    %reduce_sum3A_866 = arith.constant true
    %reduce_sum3A_867 = vector.broadcast %reduce_sum3A_866 : i1 to vector<16xi1>
    %reduce_sum3A_868 = tpu.scan <sum>, %select_n3A_865 masked %reduce_sum3A_867 : vector<16xi32>, vector<16xi1> -> vector<16xi32>
    %reduce_sum3A_869 = vector.extract %reduce_sum3A_868[15] : i32 from vector<16xi32>
    %add3A_870 = arith.addi %add3A_824, %reduce_sum3A_869 : i32
    %get3A_871 = arith.constant 224 : index
    %get3A_872 = tpu.vector_load %arg10[%get3A_871] {strides = array<i32>} : memref<512xi32, #tpu.memory_space<vmem>>, vector<16xi32>,
    %gt3A_873 = arith.constant 0 : i32
    %gt3A_874 = vector.broadcast %gt3A_873 : i32 to vector<16xi32>
    %gt3A_875 = arith.cmpi sgt, %get3A_872, %gt3A_874 : vector<16xi32>
    %jit3A_876 = arith.constant 1 : i32
    %jit3A_877 = arith.constant 0 : i32
    %broadcast_in_dim3A_878 = vector.broadcast %jit3A_876 : i32 to vector<16xi32>
    %broadcast_in_dim3A_879 = vector.broadcast %jit3A_877 : i32 to vector<16xi32>
    %select_n3A_880 = arith.select %gt3A_875, %broadcast_in_dim3A_878, %broadcast_in_dim3A_879 : vector<16xi1>, vector<16xi32>
    %broadcast_in_dim3A_881 = arith.constant true
    %broadcast_in_dim3A_882 = vector.broadcast %broadcast_in_dim3A_881 : i1 to vector<16xi1>
    %masked_cumsum3A_883 = tpu.scan <sum>, %select_n3A_880 masked %broadcast_in_dim3A_882 : vector<16xi32>, vector<16xi1> -> vector<16xi32>
    %add3A_884 = vector.broadcast %add3A_870 : i32 to vector<16xi32>
    %add3A_885 = arith.addi %add3A_884, %masked_cumsum3A_883 : vector<16xi32>
    %sub3A_886 = arith.constant 1 : i32
    %sub3A_887 = vector.broadcast %sub3A_886 : i32 to vector<16xi32>
    %sub3A_888 = arith.subi %add3A_885, %sub3A_887 : vector<16xi32>
    %max3A_889 = arith.constant 0 : i32
    %max3A_890 = vector.broadcast %max3A_889 : i32 to vector<16xi32>
    %max3A_891 = arith.maxsi %sub3A_888, %max3A_890 : vector<16xi32>
    %shift_right_arithmetic3A_892 = arith.constant 7 : i32
    %shift_right_arithmetic3A_893 = vector.broadcast %shift_right_arithmetic3A_892 : i32 to vector<16xi32>
    %shift_right_arithmetic3A_894 = arith.shrsi %max3A_891, %shift_right_arithmetic3A_893 : vector<16xi32>
    %and3A_895 = arith.constant 127 : i32
    %and3A_896 = vector.broadcast %and3A_895 : i32 to vector<16xi32>
    %and3A_897 = arith.andi %max3A_891, %and3A_896 : vector<16xi32>
    %sub3A_898 = arith.constant 1 : i32
    %sub3A_899 = vector.broadcast %sub3A_898 : i32 to vector<16xi32>
    %sub3A_900 = arith.subi %get3A_872, %sub3A_899 : vector<16xi32>
    tpu.vector_store_idx %arg12[%shift_right_arithmetic3A_894, %and3A_897], %sub3A_900 masked %gt3A_875 : memref<4x128xi32, #tpu.memory_space<vmem>>[vector<16xi32>, vector<16xi32>], vector<16xi32>, vector<16xi1>
    %mul3A_901 = arith.constant 512 : i32
    %mul3A_902 = arith.muli %add3A, %mul3A_901 : i32
    %add3A_903 = arith.constant 224 : i32
    %add3A_904 = arith.addi %mul3A_902, %add3A_903 : i32
    %add3A_905 = vector.broadcast %add3A_904 : i32 to vector<16xi32>
    %add3A_906 = arith.addi %iota3A, %add3A_905 : vector<16xi32>
    tpu.vector_store_idx %arg13[%shift_right_arithmetic3A_894, %and3A_897], %add3A_906 masked %gt3A_875 : memref<4x128xi32, #tpu.memory_space<vmem>>[vector<16xi32>, vector<16xi32>], vector<16xi32>, vector<16xi1>
    %jit3A_907 = arith.constant 1 : i32
    %jit3A_908 = arith.constant 0 : i32
    %broadcast_in_dim3A_909 = vector.broadcast %jit3A_907 : i32 to vector<16xi32>
    %broadcast_in_dim3A_910 = vector.broadcast %jit3A_908 : i32 to vector<16xi32>
    %select_n3A_911 = arith.select %gt3A_875, %broadcast_in_dim3A_909, %broadcast_in_dim3A_910 : vector<16xi1>, vector<16xi32>
    %reduce_sum3A_912 = arith.constant true
    %reduce_sum3A_913 = vector.broadcast %reduce_sum3A_912 : i1 to vector<16xi1>
    %reduce_sum3A_914 = tpu.scan <sum>, %select_n3A_911 masked %reduce_sum3A_913 : vector<16xi32>, vector<16xi1> -> vector<16xi32>
    %reduce_sum3A_915 = vector.extract %reduce_sum3A_914[15] : i32 from vector<16xi32>
    %add3A_916 = arith.addi %add3A_870, %reduce_sum3A_915 : i32
    %get3A_917 = arith.constant 240 : index
    %get3A_918 = tpu.vector_load %arg10[%get3A_917] {strides = array<i32>} : memref<512xi32, #tpu.memory_space<vmem>>, vector<16xi32>,
    %gt3A_919 = arith.constant 0 : i32
    %gt3A_920 = vector.broadcast %gt3A_919 : i32 to vector<16xi32>
    %gt3A_921 = arith.cmpi sgt, %get3A_918, %gt3A_920 : vector<16xi32>
    %jit3A_922 = arith.constant 1 : i32
    %jit3A_923 = arith.constant 0 : i32
    %broadcast_in_dim3A_924 = vector.broadcast %jit3A_922 : i32 to vector<16xi32>
    %broadcast_in_dim3A_925 = vector.broadcast %jit3A_923 : i32 to vector<16xi32>
    %select_n3A_926 = arith.select %gt3A_921, %broadcast_in_dim3A_924, %broadcast_in_dim3A_925 : vector<16xi1>, vector<16xi32>
    %broadcast_in_dim3A_927 = arith.constant true
    %broadcast_in_dim3A_928 = vector.broadcast %broadcast_in_dim3A_927 : i1 to vector<16xi1>
    %masked_cumsum3A_929 = tpu.scan <sum>, %select_n3A_926 masked %broadcast_in_dim3A_928 : vector<16xi32>, vector<16xi1> -> vector<16xi32>
    %add3A_930 = vector.broadcast %add3A_916 : i32 to vector<16xi32>
    %add3A_931 = arith.addi %add3A_930, %masked_cumsum3A_929 : vector<16xi32>
    %sub3A_932 = arith.constant 1 : i32
    %sub3A_933 = vector.broadcast %sub3A_932 : i32 to vector<16xi32>
    %sub3A_934 = arith.subi %add3A_931, %sub3A_933 : vector<16xi32>
    %max3A_935 = arith.constant 0 : i32
    %max3A_936 = vector.broadcast %max3A_935 : i32 to vector<16xi32>
    %max3A_937 = arith.maxsi %sub3A_934, %max3A_936 : vector<16xi32>
    %shift_right_arithmetic3A_938 = arith.constant 7 : i32
    %shift_right_arithmetic3A_939 = vector.broadcast %shift_right_arithmetic3A_938 : i32 to vector<16xi32>
    %shift_right_arithmetic3A_940 = arith.shrsi %max3A_937, %shift_right_arithmetic3A_939 : vector<16xi32>
    %and3A_941 = arith.constant 127 : i32
    %and3A_942 = vector.broadcast %and3A_941 : i32 to vector<16xi32>
    %and3A_943 = arith.andi %max3A_937, %and3A_942 : vector<16xi32>
    %sub3A_944 = arith.constant 1 : i32
    %sub3A_945 = vector.broadcast %sub3A_944 : i32 to vector<16xi32>
    %sub3A_946 = arith.subi %get3A_918, %sub3A_945 : vector<16xi32>
    tpu.vector_store_idx %arg12[%shift_right_arithmetic3A_940, %and3A_943], %sub3A_946 masked %gt3A_921 : memref<4x128xi32, #tpu.memory_space<vmem>>[vector<16xi32>, vector<16xi32>], vector<16xi32>, vector<16xi1>
    %mul3A_947 = arith.constant 512 : i32
    %mul3A_948 = arith.muli %add3A, %mul3A_947 : i32
    %add3A_949 = arith.constant 240 : i32
    %add3A_950 = arith.addi %mul3A_948, %add3A_949 : i32
    %add3A_951 = vector.broadcast %add3A_950 : i32 to vector<16xi32>
    %add3A_952 = arith.addi %iota3A, %add3A_951 : vector<16xi32>
    tpu.vector_store_idx %arg13[%shift_right_arithmetic3A_940, %and3A_943], %add3A_952 masked %gt3A_921 : memref<4x128xi32, #tpu.memory_space<vmem>>[vector<16xi32>, vector<16xi32>], vector<16xi32>, vector<16xi1>
    %jit3A_953 = arith.constant 1 : i32
    %jit3A_954 = arith.constant 0 : i32
    %broadcast_in_dim3A_955 = vector.broadcast %jit3A_953 : i32 to vector<16xi32>
    %broadcast_in_dim3A_956 = vector.broadcast %jit3A_954 : i32 to vector<16xi32>
    %select_n3A_957 = arith.select %gt3A_921, %broadcast_in_dim3A_955, %broadcast_in_dim3A_956 : vector<16xi1>, vector<16xi32>
    %reduce_sum3A_958 = arith.constant true
    %reduce_sum3A_959 = vector.broadcast %reduce_sum3A_958 : i1 to vector<16xi1>
    %reduce_sum3A_960 = tpu.scan <sum>, %select_n3A_957 masked %reduce_sum3A_959 : vector<16xi32>, vector<16xi1> -> vector<16xi32>
    %reduce_sum3A_961 = vector.extract %reduce_sum3A_960[15] : i32 from vector<16xi32>
    %add3A_962 = arith.addi %add3A_916, %reduce_sum3A_961 : i32
    %get3A_963 = arith.constant 256 : index
    %get3A_964 = tpu.vector_load %arg10[%get3A_963] {strides = array<i32>} : memref<512xi32, #tpu.memory_space<vmem>>, vector<16xi32>,
    %gt3A_965 = arith.constant 0 : i32
    %gt3A_966 = vector.broadcast %gt3A_965 : i32 to vector<16xi32>
    %gt3A_967 = arith.cmpi sgt, %get3A_964, %gt3A_966 : vector<16xi32>
    %jit3A_968 = arith.constant 1 : i32
    %jit3A_969 = arith.constant 0 : i32
    %broadcast_in_dim3A_970 = vector.broadcast %jit3A_968 : i32 to vector<16xi32>
    %broadcast_in_dim3A_971 = vector.broadcast %jit3A_969 : i32 to vector<16xi32>
    %select_n3A_972 = arith.select %gt3A_967, %broadcast_in_dim3A_970, %broadcast_in_dim3A_971 : vector<16xi1>, vector<16xi32>
    %broadcast_in_dim3A_973 = arith.constant true
    %broadcast_in_dim3A_974 = vector.broadcast %broadcast_in_dim3A_973 : i1 to vector<16xi1>
    %masked_cumsum3A_975 = tpu.scan <sum>, %select_n3A_972 masked %broadcast_in_dim3A_974 : vector<16xi32>, vector<16xi1> -> vector<16xi32>
    %add3A_976 = vector.broadcast %add3A_962 : i32 to vector<16xi32>
    %add3A_977 = arith.addi %add3A_976, %masked_cumsum3A_975 : vector<16xi32>
    %sub3A_978 = arith.constant 1 : i32
    %sub3A_979 = vector.broadcast %sub3A_978 : i32 to vector<16xi32>
    %sub3A_980 = arith.subi %add3A_977, %sub3A_979 : vector<16xi32>
    %max3A_981 = arith.constant 0 : i32
    %max3A_982 = vector.broadcast %max3A_981 : i32 to vector<16xi32>
    %max3A_983 = arith.maxsi %sub3A_980, %max3A_982 : vector<16xi32>
    %shift_right_arithmetic3A_984 = arith.constant 7 : i32
    %shift_right_arithmetic3A_985 = vector.broadcast %shift_right_arithmetic3A_984 : i32 to vector<16xi32>
    %shift_right_arithmetic3A_986 = arith.shrsi %max3A_983, %shift_right_arithmetic3A_985 : vector<16xi32>
    %and3A_987 = arith.constant 127 : i32
    %and3A_988 = vector.broadcast %and3A_987 : i32 to vector<16xi32>
    %and3A_989 = arith.andi %max3A_983, %and3A_988 : vector<16xi32>
    %sub3A_990 = arith.constant 1 : i32
    %sub3A_991 = vector.broadcast %sub3A_990 : i32 to vector<16xi32>
    %sub3A_992 = arith.subi %get3A_964, %sub3A_991 : vector<16xi32>
    tpu.vector_store_idx %arg12[%shift_right_arithmetic3A_986, %and3A_989], %sub3A_992 masked %gt3A_967 : memref<4x128xi32, #tpu.memory_space<vmem>>[vector<16xi32>, vector<16xi32>], vector<16xi32>, vector<16xi1>
    %mul3A_993 = arith.constant 512 : i32
    %mul3A_994 = arith.muli %add3A, %mul3A_993 : i32
    %add3A_995 = arith.constant 256 : i32
    %add3A_996 = arith.addi %mul3A_994, %add3A_995 : i32
    %add3A_997 = vector.broadcast %add3A_996 : i32 to vector<16xi32>
    %add3A_998 = arith.addi %iota3A, %add3A_997 : vector<16xi32>
    tpu.vector_store_idx %arg13[%shift_right_arithmetic3A_986, %and3A_989], %add3A_998 masked %gt3A_967 : memref<4x128xi32, #tpu.memory_space<vmem>>[vector<16xi32>, vector<16xi32>], vector<16xi32>, vector<16xi1>
    %jit3A_999 = arith.constant 1 : i32
    %jit3A_1000 = arith.constant 0 : i32
    %broadcast_in_dim3A_1001 = vector.broadcast %jit3A_999 : i32 to vector<16xi32>
    %broadcast_in_dim3A_1002 = vector.broadcast %jit3A_1000 : i32 to vector<16xi32>
    %select_n3A_1003 = arith.select %gt3A_967, %broadcast_in_dim3A_1001, %broadcast_in_dim3A_1002 : vector<16xi1>, vector<16xi32>
    %reduce_sum3A_1004 = arith.constant true
    %reduce_sum3A_1005 = vector.broadcast %reduce_sum3A_1004 : i1 to vector<16xi1>
    %reduce_sum3A_1006 = tpu.scan <sum>, %select_n3A_1003 masked %reduce_sum3A_1005 : vector<16xi32>, vector<16xi1> -> vector<16xi32>
    %reduce_sum3A_1007 = vector.extract %reduce_sum3A_1006[15] : i32 from vector<16xi32>
    %add3A_1008 = arith.addi %add3A_962, %reduce_sum3A_1007 : i32
    %get3A_1009 = arith.constant 272 : index
    %get3A_1010 = tpu.vector_load %arg10[%get3A_1009] {strides = array<i32>} : memref<512xi32, #tpu.memory_space<vmem>>, vector<16xi32>,
    %gt3A_1011 = arith.constant 0 : i32
    %gt3A_1012 = vector.broadcast %gt3A_1011 : i32 to vector<16xi32>
    %gt3A_1013 = arith.cmpi sgt, %get3A_1010, %gt3A_1012 : vector<16xi32>
    %jit3A_1014 = arith.constant 1 : i32
    %jit3A_1015 = arith.constant 0 : i32
    %broadcast_in_dim3A_1016 = vector.broadcast %jit3A_1014 : i32 to vector<16xi32>
    %broadcast_in_dim3A_1017 = vector.broadcast %jit3A_1015 : i32 to vector<16xi32>
    %select_n3A_1018 = arith.select %gt3A_1013, %broadcast_in_dim3A_1016, %broadcast_in_dim3A_1017 : vector<16xi1>, vector<16xi32>
    %broadcast_in_dim3A_1019 = arith.constant true
    %broadcast_in_dim3A_1020 = vector.broadcast %broadcast_in_dim3A_1019 : i1 to vector<16xi1>
    %masked_cumsum3A_1021 = tpu.scan <sum>, %select_n3A_1018 masked %broadcast_in_dim3A_1020 : vector<16xi32>, vector<16xi1> -> vector<16xi32>
    %add3A_1022 = vector.broadcast %add3A_1008 : i32 to vector<16xi32>
    %add3A_1023 = arith.addi %add3A_1022, %masked_cumsum3A_1021 : vector<16xi32>
    %sub3A_1024 = arith.constant 1 : i32
    %sub3A_1025 = vector.broadcast %sub3A_1024 : i32 to vector<16xi32>
    %sub3A_1026 = arith.subi %add3A_1023, %sub3A_1025 : vector<16xi32>
    %max3A_1027 = arith.constant 0 : i32
    %max3A_1028 = vector.broadcast %max3A_1027 : i32 to vector<16xi32>
    %max3A_1029 = arith.maxsi %sub3A_1026, %max3A_1028 : vector<16xi32>
    %shift_right_arithmetic3A_1030 = arith.constant 7 : i32
    %shift_right_arithmetic3A_1031 = vector.broadcast %shift_right_arithmetic3A_1030 : i32 to vector<16xi32>
    %shift_right_arithmetic3A_1032 = arith.shrsi %max3A_1029, %shift_right_arithmetic3A_1031 : vector<16xi32>
    %and3A_1033 = arith.constant 127 : i32
    %and3A_1034 = vector.broadcast %and3A_1033 : i32 to vector<16xi32>
    %and3A_1035 = arith.andi %max3A_1029, %and3A_1034 : vector<16xi32>
    %sub3A_1036 = arith.constant 1 : i32
    %sub3A_1037 = vector.broadcast %sub3A_1036 : i32 to vector<16xi32>
    %sub3A_1038 = arith.subi %get3A_1010, %sub3A_1037 : vector<16xi32>
    tpu.vector_store_idx %arg12[%shift_right_arithmetic3A_1032, %and3A_1035], %sub3A_1038 masked %gt3A_1013 : memref<4x128xi32, #tpu.memory_space<vmem>>[vector<16xi32>, vector<16xi32>], vector<16xi32>, vector<16xi1>
    %mul3A_1039 = arith.constant 512 : i32
    %mul3A_1040 = arith.muli %add3A, %mul3A_1039 : i32
    %add3A_1041 = arith.constant 272 : i32
    %add3A_1042 = arith.addi %mul3A_1040, %add3A_1041 : i32
    %add3A_1043 = vector.broadcast %add3A_1042 : i32 to vector<16xi32>
    %add3A_1044 = arith.addi %iota3A, %add3A_1043 : vector<16xi32>
    tpu.vector_store_idx %arg13[%shift_right_arithmetic3A_1032, %and3A_1035], %add3A_1044 masked %gt3A_1013 : memref<4x128xi32, #tpu.memory_space<vmem>>[vector<16xi32>, vector<16xi32>], vector<16xi32>, vector<16xi1>
    %jit3A_1045 = arith.constant 1 : i32
    %jit3A_1046 = arith.constant 0 : i32
    %broadcast_in_dim3A_1047 = vector.broadcast %jit3A_1045 : i32 to vector<16xi32>
    %broadcast_in_dim3A_1048 = vector.broadcast %jit3A_1046 : i32 to vector<16xi32>
    %select_n3A_1049 = arith.select %gt3A_1013, %broadcast_in_dim3A_1047, %broadcast_in_dim3A_1048 : vector<16xi1>, vector<16xi32>
    %reduce_sum3A_1050 = arith.constant true
    %reduce_sum3A_1051 = vector.broadcast %reduce_sum3A_1050 : i1 to vector<16xi1>
    %reduce_sum3A_1052 = tpu.scan <sum>, %select_n3A_1049 masked %reduce_sum3A_1051 : vector<16xi32>, vector<16xi1> -> vector<16xi32>
    %reduce_sum3A_1053 = vector.extract %reduce_sum3A_1052[15] : i32 from vector<16xi32>
    %add3A_1054 = arith.addi %add3A_1008, %reduce_sum3A_1053 : i32
    %get3A_1055 = arith.constant 288 : index
    %get3A_1056 = tpu.vector_load %arg10[%get3A_1055] {strides = array<i32>} : memref<512xi32, #tpu.memory_space<vmem>>, vector<16xi32>,
    %gt3A_1057 = arith.constant 0 : i32
    %gt3A_1058 = vector.broadcast %gt3A_1057 : i32 to vector<16xi32>
    %gt3A_1059 = arith.cmpi sgt, %get3A_1056, %gt3A_1058 : vector<16xi32>
    %jit3A_1060 = arith.constant 1 : i32
    %jit3A_1061 = arith.constant 0 : i32
    %broadcast_in_dim3A_1062 = vector.broadcast %jit3A_1060 : i32 to vector<16xi32>
    %broadcast_in_dim3A_1063 = vector.broadcast %jit3A_1061 : i32 to vector<16xi32>
    %select_n3A_1064 = arith.select %gt3A_1059, %broadcast_in_dim3A_1062, %broadcast_in_dim3A_1063 : vector<16xi1>, vector<16xi32>
    %broadcast_in_dim3A_1065 = arith.constant true
    %broadcast_in_dim3A_1066 = vector.broadcast %broadcast_in_dim3A_1065 : i1 to vector<16xi1>
    %masked_cumsum3A_1067 = tpu.scan <sum>, %select_n3A_1064 masked %broadcast_in_dim3A_1066 : vector<16xi32>, vector<16xi1> -> vector<16xi32>
    %add3A_1068 = vector.broadcast %add3A_1054 : i32 to vector<16xi32>
    %add3A_1069 = arith.addi %add3A_1068, %masked_cumsum3A_1067 : vector<16xi32>
    %sub3A_1070 = arith.constant 1 : i32
    %sub3A_1071 = vector.broadcast %sub3A_1070 : i32 to vector<16xi32>
    %sub3A_1072 = arith.subi %add3A_1069, %sub3A_1071 : vector<16xi32>
    %max3A_1073 = arith.constant 0 : i32
    %max3A_1074 = vector.broadcast %max3A_1073 : i32 to vector<16xi32>
    %max3A_1075 = arith.maxsi %sub3A_1072, %max3A_1074 : vector<16xi32>
    %shift_right_arithmetic3A_1076 = arith.constant 7 : i32
    %shift_right_arithmetic3A_1077 = vector.broadcast %shift_right_arithmetic3A_1076 : i32 to vector<16xi32>
    %shift_right_arithmetic3A_1078 = arith.shrsi %max3A_1075, %shift_right_arithmetic3A_1077 : vector<16xi32>
    %and3A_1079 = arith.constant 127 : i32
    %and3A_1080 = vector.broadcast %and3A_1079 : i32 to vector<16xi32>
    %and3A_1081 = arith.andi %max3A_1075, %and3A_1080 : vector<16xi32>
    %sub3A_1082 = arith.constant 1 : i32
    %sub3A_1083 = vector.broadcast %sub3A_1082 : i32 to vector<16xi32>
    %sub3A_1084 = arith.subi %get3A_1056, %sub3A_1083 : vector<16xi32>
    tpu.vector_store_idx %arg12[%shift_right_arithmetic3A_1078, %and3A_1081], %sub3A_1084 masked %gt3A_1059 : memref<4x128xi32, #tpu.memory_space<vmem>>[vector<16xi32>, vector<16xi32>], vector<16xi32>, vector<16xi1>
    %mul3A_1085 = arith.constant 512 : i32
    %mul3A_1086 = arith.muli %add3A, %mul3A_1085 : i32
    %add3A_1087 = arith.constant 288 : i32
    %add3A_1088 = arith.addi %mul3A_1086, %add3A_1087 : i32
    %add3A_1089 = vector.broadcast %add3A_1088 : i32 to vector<16xi32>
    %add3A_1090 = arith.addi %iota3A, %add3A_1089 : vector<16xi32>
    tpu.vector_store_idx %arg13[%shift_right_arithmetic3A_1078, %and3A_1081], %add3A_1090 masked %gt3A_1059 : memref<4x128xi32, #tpu.memory_space<vmem>>[vector<16xi32>, vector<16xi32>], vector<16xi32>, vector<16xi1>
    %jit3A_1091 = arith.constant 1 : i32
    %jit3A_1092 = arith.constant 0 : i32
    %broadcast_in_dim3A_1093 = vector.broadcast %jit3A_1091 : i32 to vector<16xi32>
    %broadcast_in_dim3A_1094 = vector.broadcast %jit3A_1092 : i32 to vector<16xi32>
    %select_n3A_1095 = arith.select %gt3A_1059, %broadcast_in_dim3A_1093, %broadcast_in_dim3A_1094 : vector<16xi1>, vector<16xi32>
    %reduce_sum3A_1096 = arith.constant true
    %reduce_sum3A_1097 = vector.broadcast %reduce_sum3A_1096 : i1 to vector<16xi1>
    %reduce_sum3A_1098 = tpu.scan <sum>, %select_n3A_1095 masked %reduce_sum3A_1097 : vector<16xi32>, vector<16xi1> -> vector<16xi32>
    %reduce_sum3A_1099 = vector.extract %reduce_sum3A_1098[15] : i32 from vector<16xi32>
    %add3A_1100 = arith.addi %add3A_1054, %reduce_sum3A_1099 : i32
    %get3A_1101 = arith.constant 304 : index
    %get3A_1102 = tpu.vector_load %arg10[%get3A_1101] {strides = array<i32>} : memref<512xi32, #tpu.memory_space<vmem>>, vector<16xi32>,
    %gt3A_1103 = arith.constant 0 : i32
    %gt3A_1104 = vector.broadcast %gt3A_1103 : i32 to vector<16xi32>
    %gt3A_1105 = arith.cmpi sgt, %get3A_1102, %gt3A_1104 : vector<16xi32>
    %jit3A_1106 = arith.constant 1 : i32
    %jit3A_1107 = arith.constant 0 : i32
    %broadcast_in_dim3A_1108 = vector.broadcast %jit3A_1106 : i32 to vector<16xi32>
    %broadcast_in_dim3A_1109 = vector.broadcast %jit3A_1107 : i32 to vector<16xi32>
    %select_n3A_1110 = arith.select %gt3A_1105, %broadcast_in_dim3A_1108, %broadcast_in_dim3A_1109 : vector<16xi1>, vector<16xi32>
    %broadcast_in_dim3A_1111 = arith.constant true
    %broadcast_in_dim3A_1112 = vector.broadcast %broadcast_in_dim3A_1111 : i1 to vector<16xi1>
    %masked_cumsum3A_1113 = tpu.scan <sum>, %select_n3A_1110 masked %broadcast_in_dim3A_1112 : vector<16xi32>, vector<16xi1> -> vector<16xi32>
    %add3A_1114 = vector.broadcast %add3A_1100 : i32 to vector<16xi32>
    %add3A_1115 = arith.addi %add3A_1114, %masked_cumsum3A_1113 : vector<16xi32>
    %sub3A_1116 = arith.constant 1 : i32
    %sub3A_1117 = vector.broadcast %sub3A_1116 : i32 to vector<16xi32>
    %sub3A_1118 = arith.subi %add3A_1115, %sub3A_1117 : vector<16xi32>
    %max3A_1119 = arith.constant 0 : i32
    %max3A_1120 = vector.broadcast %max3A_1119 : i32 to vector<16xi32>
    %max3A_1121 = arith.maxsi %sub3A_1118, %max3A_1120 : vector<16xi32>
    %shift_right_arithmetic3A_1122 = arith.constant 7 : i32
    %shift_right_arithmetic3A_1123 = vector.broadcast %shift_right_arithmetic3A_1122 : i32 to vector<16xi32>
    %shift_right_arithmetic3A_1124 = arith.shrsi %max3A_1121, %shift_right_arithmetic3A_1123 : vector<16xi32>
    %and3A_1125 = arith.constant 127 : i32
    %and3A_1126 = vector.broadcast %and3A_1125 : i32 to vector<16xi32>
    %and3A_1127 = arith.andi %max3A_1121, %and3A_1126 : vector<16xi32>
    %sub3A_1128 = arith.constant 1 : i32
    %sub3A_1129 = vector.broadcast %sub3A_1128 : i32 to vector<16xi32>
    %sub3A_1130 = arith.subi %get3A_1102, %sub3A_1129 : vector<16xi32>
    tpu.vector_store_idx %arg12[%shift_right_arithmetic3A_1124, %and3A_1127], %sub3A_1130 masked %gt3A_1105 : memref<4x128xi32, #tpu.memory_space<vmem>>[vector<16xi32>, vector<16xi32>], vector<16xi32>, vector<16xi1>
    %mul3A_1131 = arith.constant 512 : i32
    %mul3A_1132 = arith.muli %add3A, %mul3A_1131 : i32
    %add3A_1133 = arith.constant 304 : i32
    %add3A_1134 = arith.addi %mul3A_1132, %add3A_1133 : i32
    %add3A_1135 = vector.broadcast %add3A_1134 : i32 to vector<16xi32>
    %add3A_1136 = arith.addi %iota3A, %add3A_1135 : vector<16xi32>
    tpu.vector_store_idx %arg13[%shift_right_arithmetic3A_1124, %and3A_1127], %add3A_1136 masked %gt3A_1105 : memref<4x128xi32, #tpu.memory_space<vmem>>[vector<16xi32>, vector<16xi32>], vector<16xi32>, vector<16xi1>
    %jit3A_1137 = arith.constant 1 : i32
    %jit3A_1138 = arith.constant 0 : i32
    %broadcast_in_dim3A_1139 = vector.broadcast %jit3A_1137 : i32 to vector<16xi32>
    %broadcast_in_dim3A_1140 = vector.broadcast %jit3A_1138 : i32 to vector<16xi32>
    %select_n3A_1141 = arith.select %gt3A_1105, %broadcast_in_dim3A_1139, %broadcast_in_dim3A_1140 : vector<16xi1>, vector<16xi32>
    %reduce_sum3A_1142 = arith.constant true
    %reduce_sum3A_1143 = vector.broadcast %reduce_sum3A_1142 : i1 to vector<16xi1>
    %reduce_sum3A_1144 = tpu.scan <sum>, %select_n3A_1141 masked %reduce_sum3A_1143 : vector<16xi32>, vector<16xi1> -> vector<16xi32>
    %reduce_sum3A_1145 = vector.extract %reduce_sum3A_1144[15] : i32 from vector<16xi32>
    %add3A_1146 = arith.addi %add3A_1100, %reduce_sum3A_1145 : i32
    %get3A_1147 = arith.constant 320 : index
    %get3A_1148 = tpu.vector_load %arg10[%get3A_1147] {strides = array<i32>} : memref<512xi32, #tpu.memory_space<vmem>>, vector<16xi32>,
    %gt3A_1149 = arith.constant 0 : i32
    %gt3A_1150 = vector.broadcast %gt3A_1149 : i32 to vector<16xi32>
    %gt3A_1151 = arith.cmpi sgt, %get3A_1148, %gt3A_1150 : vector<16xi32>
    %jit3A_1152 = arith.constant 1 : i32
    %jit3A_1153 = arith.constant 0 : i32
    %broadcast_in_dim3A_1154 = vector.broadcast %jit3A_1152 : i32 to vector<16xi32>
    %broadcast_in_dim3A_1155 = vector.broadcast %jit3A_1153 : i32 to vector<16xi32>
    %select_n3A_1156 = arith.select %gt3A_1151, %broadcast_in_dim3A_1154, %broadcast_in_dim3A_1155 : vector<16xi1>, vector<16xi32>
    %broadcast_in_dim3A_1157 = arith.constant true
    %broadcast_in_dim3A_1158 = vector.broadcast %broadcast_in_dim3A_1157 : i1 to vector<16xi1>
    %masked_cumsum3A_1159 = tpu.scan <sum>, %select_n3A_1156 masked %broadcast_in_dim3A_1158 : vector<16xi32>, vector<16xi1> -> vector<16xi32>
    %add3A_1160 = vector.broadcast %add3A_1146 : i32 to vector<16xi32>
    %add3A_1161 = arith.addi %add3A_1160, %masked_cumsum3A_1159 : vector<16xi32>
    %sub3A_1162 = arith.constant 1 : i32
    %sub3A_1163 = vector.broadcast %sub3A_1162 : i32 to vector<16xi32>
    %sub3A_1164 = arith.subi %add3A_1161, %sub3A_1163 : vector<16xi32>
    %max3A_1165 = arith.constant 0 : i32
    %max3A_1166 = vector.broadcast %max3A_1165 : i32 to vector<16xi32>
    %max3A_1167 = arith.maxsi %sub3A_1164, %max3A_1166 : vector<16xi32>
    %shift_right_arithmetic3A_1168 = arith.constant 7 : i32
    %shift_right_arithmetic3A_1169 = vector.broadcast %shift_right_arithmetic3A_1168 : i32 to vector<16xi32>
    %shift_right_arithmetic3A_1170 = arith.shrsi %max3A_1167, %shift_right_arithmetic3A_1169 : vector<16xi32>
    %and3A_1171 = arith.constant 127 : i32
    %and3A_1172 = vector.broadcast %and3A_1171 : i32 to vector<16xi32>
    %and3A_1173 = arith.andi %max3A_1167, %and3A_1172 : vector<16xi32>
    %sub3A_1174 = arith.constant 1 : i32
    %sub3A_1175 = vector.broadcast %sub3A_1174 : i32 to vector<16xi32>
    %sub3A_1176 = arith.subi %get3A_1148, %sub3A_1175 : vector<16xi32>
    tpu.vector_store_idx %arg12[%shift_right_arithmetic3A_1170, %and3A_1173], %sub3A_1176 masked %gt3A_1151 : memref<4x128xi32, #tpu.memory_space<vmem>>[vector<16xi32>, vector<16xi32>], vector<16xi32>, vector<16xi1>
    %mul3A_1177 = arith.constant 512 : i32
    %mul3A_1178 = arith.muli %add3A, %mul3A_1177 : i32
    %add3A_1179 = arith.constant 320 : i32
    %add3A_1180 = arith.addi %mul3A_1178, %add3A_1179 : i32
    %add3A_1181 = vector.broadcast %add3A_1180 : i32 to vector<16xi32>
    %add3A_1182 = arith.addi %iota3A, %add3A_1181 : vector<16xi32>
    tpu.vector_store_idx %arg13[%shift_right_arithmetic3A_1170, %and3A_1173], %add3A_1182 masked %gt3A_1151 : memref<4x128xi32, #tpu.memory_space<vmem>>[vector<16xi32>, vector<16xi32>], vector<16xi32>, vector<16xi1>
    %jit3A_1183 = arith.constant 1 : i32
    %jit3A_1184 = arith.constant 0 : i32
    %broadcast_in_dim3A_1185 = vector.broadcast %jit3A_1183 : i32 to vector<16xi32>
    %broadcast_in_dim3A_1186 = vector.broadcast %jit3A_1184 : i32 to vector<16xi32>
    %select_n3A_1187 = arith.select %gt3A_1151, %broadcast_in_dim3A_1185, %broadcast_in_dim3A_1186 : vector<16xi1>, vector<16xi32>
    %reduce_sum3A_1188 = arith.constant true
    %reduce_sum3A_1189 = vector.broadcast %reduce_sum3A_1188 : i1 to vector<16xi1>
    %reduce_sum3A_1190 = tpu.scan <sum>, %select_n3A_1187 masked %reduce_sum3A_1189 : vector<16xi32>, vector<16xi1> -> vector<16xi32>
    %reduce_sum3A_1191 = vector.extract %reduce_sum3A_1190[15] : i32 from vector<16xi32>
    %add3A_1192 = arith.addi %add3A_1146, %reduce_sum3A_1191 : i32
    %get3A_1193 = arith.constant 336 : index
    %get3A_1194 = tpu.vector_load %arg10[%get3A_1193] {strides = array<i32>} : memref<512xi32, #tpu.memory_space<vmem>>, vector<16xi32>,
    %gt3A_1195 = arith.constant 0 : i32
    %gt3A_1196 = vector.broadcast %gt3A_1195 : i32 to vector<16xi32>
    %gt3A_1197 = arith.cmpi sgt, %get3A_1194, %gt3A_1196 : vector<16xi32>
    %jit3A_1198 = arith.constant 1 : i32
    %jit3A_1199 = arith.constant 0 : i32
    %broadcast_in_dim3A_1200 = vector.broadcast %jit3A_1198 : i32 to vector<16xi32>
    %broadcast_in_dim3A_1201 = vector.broadcast %jit3A_1199 : i32 to vector<16xi32>
    %select_n3A_1202 = arith.select %gt3A_1197, %broadcast_in_dim3A_1200, %broadcast_in_dim3A_1201 : vector<16xi1>, vector<16xi32>
    %broadcast_in_dim3A_1203 = arith.constant true
    %broadcast_in_dim3A_1204 = vector.broadcast %broadcast_in_dim3A_1203 : i1 to vector<16xi1>
    %masked_cumsum3A_1205 = tpu.scan <sum>, %select_n3A_1202 masked %broadcast_in_dim3A_1204 : vector<16xi32>, vector<16xi1> -> vector<16xi32>
    %add3A_1206 = vector.broadcast %add3A_1192 : i32 to vector<16xi32>
    %add3A_1207 = arith.addi %add3A_1206, %masked_cumsum3A_1205 : vector<16xi32>
    %sub3A_1208 = arith.constant 1 : i32
    %sub3A_1209 = vector.broadcast %sub3A_1208 : i32 to vector<16xi32>
    %sub3A_1210 = arith.subi %add3A_1207, %sub3A_1209 : vector<16xi32>
    %max3A_1211 = arith.constant 0 : i32
    %max3A_1212 = vector.broadcast %max3A_1211 : i32 to vector<16xi32>
    %max3A_1213 = arith.maxsi %sub3A_1210, %max3A_1212 : vector<16xi32>
    %shift_right_arithmetic3A_1214 = arith.constant 7 : i32
    %shift_right_arithmetic3A_1215 = vector.broadcast %shift_right_arithmetic3A_1214 : i32 to vector<16xi32>
    %shift_right_arithmetic3A_1216 = arith.shrsi %max3A_1213, %shift_right_arithmetic3A_1215 : vector<16xi32>
    %and3A_1217 = arith.constant 127 : i32
    %and3A_1218 = vector.broadcast %and3A_1217 : i32 to vector<16xi32>
    %and3A_1219 = arith.andi %max3A_1213, %and3A_1218 : vector<16xi32>
    %sub3A_1220 = arith.constant 1 : i32
    %sub3A_1221 = vector.broadcast %sub3A_1220 : i32 to vector<16xi32>
    %sub3A_1222 = arith.subi %get3A_1194, %sub3A_1221 : vector<16xi32>
    tpu.vector_store_idx %arg12[%shift_right_arithmetic3A_1216, %and3A_1219], %sub3A_1222 masked %gt3A_1197 : memref<4x128xi32, #tpu.memory_space<vmem>>[vector<16xi32>, vector<16xi32>], vector<16xi32>, vector<16xi1>
    %mul3A_1223 = arith.constant 512 : i32
    %mul3A_1224 = arith.muli %add3A, %mul3A_1223 : i32
    %add3A_1225 = arith.constant 336 : i32
    %add3A_1226 = arith.addi %mul3A_1224, %add3A_1225 : i32
    %add3A_1227 = vector.broadcast %add3A_1226 : i32 to vector<16xi32>
    %add3A_1228 = arith.addi %iota3A, %add3A_1227 : vector<16xi32>
    tpu.vector_store_idx %arg13[%shift_right_arithmetic3A_1216, %and3A_1219], %add3A_1228 masked %gt3A_1197 : memref<4x128xi32, #tpu.memory_space<vmem>>[vector<16xi32>, vector<16xi32>], vector<16xi32>, vector<16xi1>
    %jit3A_1229 = arith.constant 1 : i32
    %jit3A_1230 = arith.constant 0 : i32
    %broadcast_in_dim3A_1231 = vector.broadcast %jit3A_1229 : i32 to vector<16xi32>
    %broadcast_in_dim3A_1232 = vector.broadcast %jit3A_1230 : i32 to vector<16xi32>
    %select_n3A_1233 = arith.select %gt3A_1197, %broadcast_in_dim3A_1231, %broadcast_in_dim3A_1232 : vector<16xi1>, vector<16xi32>
    %reduce_sum3A_1234 = arith.constant true
    %reduce_sum3A_1235 = vector.broadcast %reduce_sum3A_1234 : i1 to vector<16xi1>
    %reduce_sum3A_1236 = tpu.scan <sum>, %select_n3A_1233 masked %reduce_sum3A_1235 : vector<16xi32>, vector<16xi1> -> vector<16xi32>
    %reduce_sum3A_1237 = vector.extract %reduce_sum3A_1236[15] : i32 from vector<16xi32>
    %add3A_1238 = arith.addi %add3A_1192, %reduce_sum3A_1237 : i32
    %get3A_1239 = arith.constant 352 : index
    %get3A_1240 = tpu.vector_load %arg10[%get3A_1239] {strides = array<i32>} : memref<512xi32, #tpu.memory_space<vmem>>, vector<16xi32>,
    %gt3A_1241 = arith.constant 0 : i32
    %gt3A_1242 = vector.broadcast %gt3A_1241 : i32 to vector<16xi32>
    %gt3A_1243 = arith.cmpi sgt, %get3A_1240, %gt3A_1242 : vector<16xi32>
    %jit3A_1244 = arith.constant 1 : i32
    %jit3A_1245 = arith.constant 0 : i32
    %broadcast_in_dim3A_1246 = vector.broadcast %jit3A_1244 : i32 to vector<16xi32>
    %broadcast_in_dim3A_1247 = vector.broadcast %jit3A_1245 : i32 to vector<16xi32>
    %select_n3A_1248 = arith.select %gt3A_1243, %broadcast_in_dim3A_1246, %broadcast_in_dim3A_1247 : vector<16xi1>, vector<16xi32>
    %broadcast_in_dim3A_1249 = arith.constant true
    %broadcast_in_dim3A_1250 = vector.broadcast %broadcast_in_dim3A_1249 : i1 to vector<16xi1>
    %masked_cumsum3A_1251 = tpu.scan <sum>, %select_n3A_1248 masked %broadcast_in_dim3A_1250 : vector<16xi32>, vector<16xi1> -> vector<16xi32>
    %add3A_1252 = vector.broadcast %add3A_1238 : i32 to vector<16xi32>
    %add3A_1253 = arith.addi %add3A_1252, %masked_cumsum3A_1251 : vector<16xi32>
    %sub3A_1254 = arith.constant 1 : i32
    %sub3A_1255 = vector.broadcast %sub3A_1254 : i32 to vector<16xi32>
    %sub3A_1256 = arith.subi %add3A_1253, %sub3A_1255 : vector<16xi32>
    %max3A_1257 = arith.constant 0 : i32
    %max3A_1258 = vector.broadcast %max3A_1257 : i32 to vector<16xi32>
    %max3A_1259 = arith.maxsi %sub3A_1256, %max3A_1258 : vector<16xi32>
    %shift_right_arithmetic3A_1260 = arith.constant 7 : i32
    %shift_right_arithmetic3A_1261 = vector.broadcast %shift_right_arithmetic3A_1260 : i32 to vector<16xi32>
    %shift_right_arithmetic3A_1262 = arith.shrsi %max3A_1259, %shift_right_arithmetic3A_1261 : vector<16xi32>
    %and3A_1263 = arith.constant 127 : i32
    %and3A_1264 = vector.broadcast %and3A_1263 : i32 to vector<16xi32>
    %and3A_1265 = arith.andi %max3A_1259, %and3A_1264 : vector<16xi32>
    %sub3A_1266 = arith.constant 1 : i32
    %sub3A_1267 = vector.broadcast %sub3A_1266 : i32 to vector<16xi32>
    %sub3A_1268 = arith.subi %get3A_1240, %sub3A_1267 : vector<16xi32>
    tpu.vector_store_idx %arg12[%shift_right_arithmetic3A_1262, %and3A_1265], %sub3A_1268 masked %gt3A_1243 : memref<4x128xi32, #tpu.memory_space<vmem>>[vector<16xi32>, vector<16xi32>], vector<16xi32>, vector<16xi1>
    %mul3A_1269 = arith.constant 512 : i32
    %mul3A_1270 = arith.muli %add3A, %mul3A_1269 : i32
    %add3A_1271 = arith.constant 352 : i32
    %add3A_1272 = arith.addi %mul3A_1270, %add3A_1271 : i32
    %add3A_1273 = vector.broadcast %add3A_1272 : i32 to vector<16xi32>
    %add3A_1274 = arith.addi %iota3A, %add3A_1273 : vector<16xi32>
    tpu.vector_store_idx %arg13[%shift_right_arithmetic3A_1262, %and3A_1265], %add3A_1274 masked %gt3A_1243 : memref<4x128xi32, #tpu.memory_space<vmem>>[vector<16xi32>, vector<16xi32>], vector<16xi32>, vector<16xi1>
    %jit3A_1275 = arith.constant 1 : i32
    %jit3A_1276 = arith.constant 0 : i32
    %broadcast_in_dim3A_1277 = vector.broadcast %jit3A_1275 : i32 to vector<16xi32>
    %broadcast_in_dim3A_1278 = vector.broadcast %jit3A_1276 : i32 to vector<16xi32>
    %select_n3A_1279 = arith.select %gt3A_1243, %broadcast_in_dim3A_1277, %broadcast_in_dim3A_1278 : vector<16xi1>, vector<16xi32>
    %reduce_sum3A_1280 = arith.constant true
    %reduce_sum3A_1281 = vector.broadcast %reduce_sum3A_1280 : i1 to vector<16xi1>
    %reduce_sum3A_1282 = tpu.scan <sum>, %select_n3A_1279 masked %reduce_sum3A_1281 : vector<16xi32>, vector<16xi1> -> vector<16xi32>
    %reduce_sum3A_1283 = vector.extract %reduce_sum3A_1282[15] : i32 from vector<16xi32>
    %add3A_1284 = arith.addi %add3A_1238, %reduce_sum3A_1283 : i32
    %get3A_1285 = arith.constant 368 : index
    %get3A_1286 = tpu.vector_load %arg10[%get3A_1285] {strides = array<i32>} : memref<512xi32, #tpu.memory_space<vmem>>, vector<16xi32>,
    %gt3A_1287 = arith.constant 0 : i32
    %gt3A_1288 = vector.broadcast %gt3A_1287 : i32 to vector<16xi32>
    %gt3A_1289 = arith.cmpi sgt, %get3A_1286, %gt3A_1288 : vector<16xi32>
    %jit3A_1290 = arith.constant 1 : i32
    %jit3A_1291 = arith.constant 0 : i32
    %broadcast_in_dim3A_1292 = vector.broadcast %jit3A_1290 : i32 to vector<16xi32>
    %broadcast_in_dim3A_1293 = vector.broadcast %jit3A_1291 : i32 to vector<16xi32>
    %select_n3A_1294 = arith.select %gt3A_1289, %broadcast_in_dim3A_1292, %broadcast_in_dim3A_1293 : vector<16xi1>, vector<16xi32>
    %broadcast_in_dim3A_1295 = arith.constant true
    %broadcast_in_dim3A_1296 = vector.broadcast %broadcast_in_dim3A_1295 : i1 to vector<16xi1>
    %masked_cumsum3A_1297 = tpu.scan <sum>, %select_n3A_1294 masked %broadcast_in_dim3A_1296 : vector<16xi32>, vector<16xi1> -> vector<16xi32>
    %add3A_1298 = vector.broadcast %add3A_1284 : i32 to vector<16xi32>
    %add3A_1299 = arith.addi %add3A_1298, %masked_cumsum3A_1297 : vector<16xi32>
    %sub3A_1300 = arith.constant 1 : i32
    %sub3A_1301 = vector.broadcast %sub3A_1300 : i32 to vector<16xi32>
    %sub3A_1302 = arith.subi %add3A_1299, %sub3A_1301 : vector<16xi32>
    %max3A_1303 = arith.constant 0 : i32
    %max3A_1304 = vector.broadcast %max3A_1303 : i32 to vector<16xi32>
    %max3A_1305 = arith.maxsi %sub3A_1302, %max3A_1304 : vector<16xi32>
    %shift_right_arithmetic3A_1306 = arith.constant 7 : i32
    %shift_right_arithmetic3A_1307 = vector.broadcast %shift_right_arithmetic3A_1306 : i32 to vector<16xi32>
    %shift_right_arithmetic3A_1308 = arith.shrsi %max3A_1305, %shift_right_arithmetic3A_1307 : vector<16xi32>
    %and3A_1309 = arith.constant 127 : i32
    %and3A_1310 = vector.broadcast %and3A_1309 : i32 to vector<16xi32>
    %and3A_1311 = arith.andi %max3A_1305, %and3A_1310 : vector<16xi32>
    %sub3A_1312 = arith.constant 1 : i32
    %sub3A_1313 = vector.broadcast %sub3A_1312 : i32 to vector<16xi32>
    %sub3A_1314 = arith.subi %get3A_1286, %sub3A_1313 : vector<16xi32>
    tpu.vector_store_idx %arg12[%shift_right_arithmetic3A_1308, %and3A_1311], %sub3A_1314 masked %gt3A_1289 : memref<4x128xi32, #tpu.memory_space<vmem>>[vector<16xi32>, vector<16xi32>], vector<16xi32>, vector<16xi1>
    %mul3A_1315 = arith.constant 512 : i32
    %mul3A_1316 = arith.muli %add3A, %mul3A_1315 : i32
    %add3A_1317 = arith.constant 368 : i32
    %add3A_1318 = arith.addi %mul3A_1316, %add3A_1317 : i32
    %add3A_1319 = vector.broadcast %add3A_1318 : i32 to vector<16xi32>
    %add3A_1320 = arith.addi %iota3A, %add3A_1319 : vector<16xi32>
    tpu.vector_store_idx %arg13[%shift_right_arithmetic3A_1308, %and3A_1311], %add3A_1320 masked %gt3A_1289 : memref<4x128xi32, #tpu.memory_space<vmem>>[vector<16xi32>, vector<16xi32>], vector<16xi32>, vector<16xi1>
    %jit3A_1321 = arith.constant 1 : i32
    %jit3A_1322 = arith.constant 0 : i32
    %broadcast_in_dim3A_1323 = vector.broadcast %jit3A_1321 : i32 to vector<16xi32>
    %broadcast_in_dim3A_1324 = vector.broadcast %jit3A_1322 : i32 to vector<16xi32>
    %select_n3A_1325 = arith.select %gt3A_1289, %broadcast_in_dim3A_1323, %broadcast_in_dim3A_1324 : vector<16xi1>, vector<16xi32>
    %reduce_sum3A_1326 = arith.constant true
    %reduce_sum3A_1327 = vector.broadcast %reduce_sum3A_1326 : i1 to vector<16xi1>
    %reduce_sum3A_1328 = tpu.scan <sum>, %select_n3A_1325 masked %reduce_sum3A_1327 : vector<16xi32>, vector<16xi1> -> vector<16xi32>
    %reduce_sum3A_1329 = vector.extract %reduce_sum3A_1328[15] : i32 from vector<16xi32>
    %add3A_1330 = arith.addi %add3A_1284, %reduce_sum3A_1329 : i32
    %get3A_1331 = arith.constant 384 : index
    %get3A_1332 = tpu.vector_load %arg10[%get3A_1331] {strides = array<i32>} : memref<512xi32, #tpu.memory_space<vmem>>, vector<16xi32>,
    %gt3A_1333 = arith.constant 0 : i32
    %gt3A_1334 = vector.broadcast %gt3A_1333 : i32 to vector<16xi32>
    %gt3A_1335 = arith.cmpi sgt, %get3A_1332, %gt3A_1334 : vector<16xi32>
    %jit3A_1336 = arith.constant 1 : i32
    %jit3A_1337 = arith.constant 0 : i32
    %broadcast_in_dim3A_1338 = vector.broadcast %jit3A_1336 : i32 to vector<16xi32>
    %broadcast_in_dim3A_1339 = vector.broadcast %jit3A_1337 : i32 to vector<16xi32>
    %select_n3A_1340 = arith.select %gt3A_1335, %broadcast_in_dim3A_1338, %broadcast_in_dim3A_1339 : vector<16xi1>, vector<16xi32>
    %broadcast_in_dim3A_1341 = arith.constant true
    %broadcast_in_dim3A_1342 = vector.broadcast %broadcast_in_dim3A_1341 : i1 to vector<16xi1>
    %masked_cumsum3A_1343 = tpu.scan <sum>, %select_n3A_1340 masked %broadcast_in_dim3A_1342 : vector<16xi32>, vector<16xi1> -> vector<16xi32>
    %add3A_1344 = vector.broadcast %add3A_1330 : i32 to vector<16xi32>
    %add3A_1345 = arith.addi %add3A_1344, %masked_cumsum3A_1343 : vector<16xi32>
    %sub3A_1346 = arith.constant 1 : i32
    %sub3A_1347 = vector.broadcast %sub3A_1346 : i32 to vector<16xi32>
    %sub3A_1348 = arith.subi %add3A_1345, %sub3A_1347 : vector<16xi32>
    %max3A_1349 = arith.constant 0 : i32
    %max3A_1350 = vector.broadcast %max3A_1349 : i32 to vector<16xi32>
    %max3A_1351 = arith.maxsi %sub3A_1348, %max3A_1350 : vector<16xi32>
    %shift_right_arithmetic3A_1352 = arith.constant 7 : i32
    %shift_right_arithmetic3A_1353 = vector.broadcast %shift_right_arithmetic3A_1352 : i32 to vector<16xi32>
    %shift_right_arithmetic3A_1354 = arith.shrsi %max3A_1351, %shift_right_arithmetic3A_1353 : vector<16xi32>
    %and3A_1355 = arith.constant 127 : i32
    %and3A_1356 = vector.broadcast %and3A_1355 : i32 to vector<16xi32>
    %and3A_1357 = arith.andi %max3A_1351, %and3A_1356 : vector<16xi32>
    %sub3A_1358 = arith.constant 1 : i32
    %sub3A_1359 = vector.broadcast %sub3A_1358 : i32 to vector<16xi32>
    %sub3A_1360 = arith.subi %get3A_1332, %sub3A_1359 : vector<16xi32>
    tpu.vector_store_idx %arg12[%shift_right_arithmetic3A_1354, %and3A_1357], %sub3A_1360 masked %gt3A_1335 : memref<4x128xi32, #tpu.memory_space<vmem>>[vector<16xi32>, vector<16xi32>], vector<16xi32>, vector<16xi1>
    %mul3A_1361 = arith.constant 512 : i32
    %mul3A_1362 = arith.muli %add3A, %mul3A_1361 : i32
    %add3A_1363 = arith.constant 384 : i32
    %add3A_1364 = arith.addi %mul3A_1362, %add3A_1363 : i32
    %add3A_1365 = vector.broadcast %add3A_1364 : i32 to vector<16xi32>
    %add3A_1366 = arith.addi %iota3A, %add3A_1365 : vector<16xi32>
    tpu.vector_store_idx %arg13[%shift_right_arithmetic3A_1354, %and3A_1357], %add3A_1366 masked %gt3A_1335 : memref<4x128xi32, #tpu.memory_space<vmem>>[vector<16xi32>, vector<16xi32>], vector<16xi32>, vector<16xi1>
    %jit3A_1367 = arith.constant 1 : i32
    %jit3A_1368 = arith.constant 0 : i32
    %broadcast_in_dim3A_1369 = vector.broadcast %jit3A_1367 : i32 to vector<16xi32>
    %broadcast_in_dim3A_1370 = vector.broadcast %jit3A_1368 : i32 to vector<16xi32>
    %select_n3A_1371 = arith.select %gt3A_1335, %broadcast_in_dim3A_1369, %broadcast_in_dim3A_1370 : vector<16xi1>, vector<16xi32>
    %reduce_sum3A_1372 = arith.constant true
    %reduce_sum3A_1373 = vector.broadcast %reduce_sum3A_1372 : i1 to vector<16xi1>
    %reduce_sum3A_1374 = tpu.scan <sum>, %select_n3A_1371 masked %reduce_sum3A_1373 : vector<16xi32>, vector<16xi1> -> vector<16xi32>
    %reduce_sum3A_1375 = vector.extract %reduce_sum3A_1374[15] : i32 from vector<16xi32>
    %add3A_1376 = arith.addi %add3A_1330, %reduce_sum3A_1375 : i32
    %get3A_1377 = arith.constant 400 : index
    %get3A_1378 = tpu.vector_load %arg10[%get3A_1377] {strides = array<i32>} : memref<512xi32, #tpu.memory_space<vmem>>, vector<16xi32>,
    %gt3A_1379 = arith.constant 0 : i32
    %gt3A_1380 = vector.broadcast %gt3A_1379 : i32 to vector<16xi32>
    %gt3A_1381 = arith.cmpi sgt, %get3A_1378, %gt3A_1380 : vector<16xi32>
    %jit3A_1382 = arith.constant 1 : i32
    %jit3A_1383 = arith.constant 0 : i32
    %broadcast_in_dim3A_1384 = vector.broadcast %jit3A_1382 : i32 to vector<16xi32>
    %broadcast_in_dim3A_1385 = vector.broadcast %jit3A_1383 : i32 to vector<16xi32>
    %select_n3A_1386 = arith.select %gt3A_1381, %broadcast_in_dim3A_1384, %broadcast_in_dim3A_1385 : vector<16xi1>, vector<16xi32>
    %broadcast_in_dim3A_1387 = arith.constant true
    %broadcast_in_dim3A_1388 = vector.broadcast %broadcast_in_dim3A_1387 : i1 to vector<16xi1>
    %masked_cumsum3A_1389 = tpu.scan <sum>, %select_n3A_1386 masked %broadcast_in_dim3A_1388 : vector<16xi32>, vector<16xi1> -> vector<16xi32>
    %add3A_1390 = vector.broadcast %add3A_1376 : i32 to vector<16xi32>
    %add3A_1391 = arith.addi %add3A_1390, %masked_cumsum3A_1389 : vector<16xi32>
    %sub3A_1392 = arith.constant 1 : i32
    %sub3A_1393 = vector.broadcast %sub3A_1392 : i32 to vector<16xi32>
    %sub3A_1394 = arith.subi %add3A_1391, %sub3A_1393 : vector<16xi32>
    %max3A_1395 = arith.constant 0 : i32
    %max3A_1396 = vector.broadcast %max3A_1395 : i32 to vector<16xi32>
    %max3A_1397 = arith.maxsi %sub3A_1394, %max3A_1396 : vector<16xi32>
    %shift_right_arithmetic3A_1398 = arith.constant 7 : i32
    %shift_right_arithmetic3A_1399 = vector.broadcast %shift_right_arithmetic3A_1398 : i32 to vector<16xi32>
    %shift_right_arithmetic3A_1400 = arith.shrsi %max3A_1397, %shift_right_arithmetic3A_1399 : vector<16xi32>
    %and3A_1401 = arith.constant 127 : i32
    %and3A_1402 = vector.broadcast %and3A_1401 : i32 to vector<16xi32>
    %and3A_1403 = arith.andi %max3A_1397, %and3A_1402 : vector<16xi32>
    %sub3A_1404 = arith.constant 1 : i32
    %sub3A_1405 = vector.broadcast %sub3A_1404 : i32 to vector<16xi32>
    %sub3A_1406 = arith.subi %get3A_1378, %sub3A_1405 : vector<16xi32>
    tpu.vector_store_idx %arg12[%shift_right_arithmetic3A_1400, %and3A_1403], %sub3A_1406 masked %gt3A_1381 : memref<4x128xi32, #tpu.memory_space<vmem>>[vector<16xi32>, vector<16xi32>], vector<16xi32>, vector<16xi1>
    %mul3A_1407 = arith.constant 512 : i32
    %mul3A_1408 = arith.muli %add3A, %mul3A_1407 : i32
    %add3A_1409 = arith.constant 400 : i32
    %add3A_1410 = arith.addi %mul3A_1408, %add3A_1409 : i32
    %add3A_1411 = vector.broadcast %add3A_1410 : i32 to vector<16xi32>
    %add3A_1412 = arith.addi %iota3A, %add3A_1411 : vector<16xi32>
    tpu.vector_store_idx %arg13[%shift_right_arithmetic3A_1400, %and3A_1403], %add3A_1412 masked %gt3A_1381 : memref<4x128xi32, #tpu.memory_space<vmem>>[vector<16xi32>, vector<16xi32>], vector<16xi32>, vector<16xi1>
    %jit3A_1413 = arith.constant 1 : i32
    %jit3A_1414 = arith.constant 0 : i32
    %broadcast_in_dim3A_1415 = vector.broadcast %jit3A_1413 : i32 to vector<16xi32>
    %broadcast_in_dim3A_1416 = vector.broadcast %jit3A_1414 : i32 to vector<16xi32>
    %select_n3A_1417 = arith.select %gt3A_1381, %broadcast_in_dim3A_1415, %broadcast_in_dim3A_1416 : vector<16xi1>, vector<16xi32>
    %reduce_sum3A_1418 = arith.constant true
    %reduce_sum3A_1419 = vector.broadcast %reduce_sum3A_1418 : i1 to vector<16xi1>
    %reduce_sum3A_1420 = tpu.scan <sum>, %select_n3A_1417 masked %reduce_sum3A_1419 : vector<16xi32>, vector<16xi1> -> vector<16xi32>
    %reduce_sum3A_1421 = vector.extract %reduce_sum3A_1420[15] : i32 from vector<16xi32>
    %add3A_1422 = arith.addi %add3A_1376, %reduce_sum3A_1421 : i32
    %get3A_1423 = arith.constant 416 : index
    %get3A_1424 = tpu.vector_load %arg10[%get3A_1423] {strides = array<i32>} : memref<512xi32, #tpu.memory_space<vmem>>, vector<16xi32>,
    %gt3A_1425 = arith.constant 0 : i32
    %gt3A_1426 = vector.broadcast %gt3A_1425 : i32 to vector<16xi32>
    %gt3A_1427 = arith.cmpi sgt, %get3A_1424, %gt3A_1426 : vector<16xi32>
    %jit3A_1428 = arith.constant 1 : i32
    %jit3A_1429 = arith.constant 0 : i32
    %broadcast_in_dim3A_1430 = vector.broadcast %jit3A_1428 : i32 to vector<16xi32>
    %broadcast_in_dim3A_1431 = vector.broadcast %jit3A_1429 : i32 to vector<16xi32>
    %select_n3A_1432 = arith.select %gt3A_1427, %broadcast_in_dim3A_1430, %broadcast_in_dim3A_1431 : vector<16xi1>, vector<16xi32>
    %broadcast_in_dim3A_1433 = arith.constant true
    %broadcast_in_dim3A_1434 = vector.broadcast %broadcast_in_dim3A_1433 : i1 to vector<16xi1>
    %masked_cumsum3A_1435 = tpu.scan <sum>, %select_n3A_1432 masked %broadcast_in_dim3A_1434 : vector<16xi32>, vector<16xi1> -> vector<16xi32>
    %add3A_1436 = vector.broadcast %add3A_1422 : i32 to vector<16xi32>
    %add3A_1437 = arith.addi %add3A_1436, %masked_cumsum3A_1435 : vector<16xi32>
    %sub3A_1438 = arith.constant 1 : i32
    %sub3A_1439 = vector.broadcast %sub3A_1438 : i32 to vector<16xi32>
    %sub3A_1440 = arith.subi %add3A_1437, %sub3A_1439 : vector<16xi32>
    %max3A_1441 = arith.constant 0 : i32
    %max3A_1442 = vector.broadcast %max3A_1441 : i32 to vector<16xi32>
    %max3A_1443 = arith.maxsi %sub3A_1440, %max3A_1442 : vector<16xi32>
    %shift_right_arithmetic3A_1444 = arith.constant 7 : i32
    %shift_right_arithmetic3A_1445 = vector.broadcast %shift_right_arithmetic3A_1444 : i32 to vector<16xi32>
    %shift_right_arithmetic3A_1446 = arith.shrsi %max3A_1443, %shift_right_arithmetic3A_1445 : vector<16xi32>
    %and3A_1447 = arith.constant 127 : i32
    %and3A_1448 = vector.broadcast %and3A_1447 : i32 to vector<16xi32>
    %and3A_1449 = arith.andi %max3A_1443, %and3A_1448 : vector<16xi32>
    %sub3A_1450 = arith.constant 1 : i32
    %sub3A_1451 = vector.broadcast %sub3A_1450 : i32 to vector<16xi32>
    %sub3A_1452 = arith.subi %get3A_1424, %sub3A_1451 : vector<16xi32>
    tpu.vector_store_idx %arg12[%shift_right_arithmetic3A_1446, %and3A_1449], %sub3A_1452 masked %gt3A_1427 : memref<4x128xi32, #tpu.memory_space<vmem>>[vector<16xi32>, vector<16xi32>], vector<16xi32>, vector<16xi1>
    %mul3A_1453 = arith.constant 512 : i32
    %mul3A_1454 = arith.muli %add3A, %mul3A_1453 : i32
    %add3A_1455 = arith.constant 416 : i32
    %add3A_1456 = arith.addi %mul3A_1454, %add3A_1455 : i32
    %add3A_1457 = vector.broadcast %add3A_1456 : i32 to vector<16xi32>
    %add3A_1458 = arith.addi %iota3A, %add3A_1457 : vector<16xi32>
    tpu.vector_store_idx %arg13[%shift_right_arithmetic3A_1446, %and3A_1449], %add3A_1458 masked %gt3A_1427 : memref<4x128xi32, #tpu.memory_space<vmem>>[vector<16xi32>, vector<16xi32>], vector<16xi32>, vector<16xi1>
    %jit3A_1459 = arith.constant 1 : i32
    %jit3A_1460 = arith.constant 0 : i32
    %broadcast_in_dim3A_1461 = vector.broadcast %jit3A_1459 : i32 to vector<16xi32>
    %broadcast_in_dim3A_1462 = vector.broadcast %jit3A_1460 : i32 to vector<16xi32>
    %select_n3A_1463 = arith.select %gt3A_1427, %broadcast_in_dim3A_1461, %broadcast_in_dim3A_1462 : vector<16xi1>, vector<16xi32>
    %reduce_sum3A_1464 = arith.constant true
    %reduce_sum3A_1465 = vector.broadcast %reduce_sum3A_1464 : i1 to vector<16xi1>
    %reduce_sum3A_1466 = tpu.scan <sum>, %select_n3A_1463 masked %reduce_sum3A_1465 : vector<16xi32>, vector<16xi1> -> vector<16xi32>
    %reduce_sum3A_1467 = vector.extract %reduce_sum3A_1466[15] : i32 from vector<16xi32>
    %add3A_1468 = arith.addi %add3A_1422, %reduce_sum3A_1467 : i32
    %get3A_1469 = arith.constant 432 : index
    %get3A_1470 = tpu.vector_load %arg10[%get3A_1469] {strides = array<i32>} : memref<512xi32, #tpu.memory_space<vmem>>, vector<16xi32>,
    %gt3A_1471 = arith.constant 0 : i32
    %gt3A_1472 = vector.broadcast %gt3A_1471 : i32 to vector<16xi32>
    %gt3A_1473 = arith.cmpi sgt, %get3A_1470, %gt3A_1472 : vector<16xi32>
    %jit3A_1474 = arith.constant 1 : i32
    %jit3A_1475 = arith.constant 0 : i32
    %broadcast_in_dim3A_1476 = vector.broadcast %jit3A_1474 : i32 to vector<16xi32>
    %broadcast_in_dim3A_1477 = vector.broadcast %jit3A_1475 : i32 to vector<16xi32>
    %select_n3A_1478 = arith.select %gt3A_1473, %broadcast_in_dim3A_1476, %broadcast_in_dim3A_1477 : vector<16xi1>, vector<16xi32>
    %broadcast_in_dim3A_1479 = arith.constant true
    %broadcast_in_dim3A_1480 = vector.broadcast %broadcast_in_dim3A_1479 : i1 to vector<16xi1>
    %masked_cumsum3A_1481 = tpu.scan <sum>, %select_n3A_1478 masked %broadcast_in_dim3A_1480 : vector<16xi32>, vector<16xi1> -> vector<16xi32>
    %add3A_1482 = vector.broadcast %add3A_1468 : i32 to vector<16xi32>
    %add3A_1483 = arith.addi %add3A_1482, %masked_cumsum3A_1481 : vector<16xi32>
    %sub3A_1484 = arith.constant 1 : i32
    %sub3A_1485 = vector.broadcast %sub3A_1484 : i32 to vector<16xi32>
    %sub3A_1486 = arith.subi %add3A_1483, %sub3A_1485 : vector<16xi32>
    %max3A_1487 = arith.constant 0 : i32
    %max3A_1488 = vector.broadcast %max3A_1487 : i32 to vector<16xi32>
    %max3A_1489 = arith.maxsi %sub3A_1486, %max3A_1488 : vector<16xi32>
    %shift_right_arithmetic3A_1490 = arith.constant 7 : i32
    %shift_right_arithmetic3A_1491 = vector.broadcast %shift_right_arithmetic3A_1490 : i32 to vector<16xi32>
    %shift_right_arithmetic3A_1492 = arith.shrsi %max3A_1489, %shift_right_arithmetic3A_1491 : vector<16xi32>
    %and3A_1493 = arith.constant 127 : i32
    %and3A_1494 = vector.broadcast %and3A_1493 : i32 to vector<16xi32>
    %and3A_1495 = arith.andi %max3A_1489, %and3A_1494 : vector<16xi32>
    %sub3A_1496 = arith.constant 1 : i32
    %sub3A_1497 = vector.broadcast %sub3A_1496 : i32 to vector<16xi32>
    %sub3A_1498 = arith.subi %get3A_1470, %sub3A_1497 : vector<16xi32>
    tpu.vector_store_idx %arg12[%shift_right_arithmetic3A_1492, %and3A_1495], %sub3A_1498 masked %gt3A_1473 : memref<4x128xi32, #tpu.memory_space<vmem>>[vector<16xi32>, vector<16xi32>], vector<16xi32>, vector<16xi1>
    %mul3A_1499 = arith.constant 512 : i32
    %mul3A_1500 = arith.muli %add3A, %mul3A_1499 : i32
    %add3A_1501 = arith.constant 432 : i32
    %add3A_1502 = arith.addi %mul3A_1500, %add3A_1501 : i32
    %add3A_1503 = vector.broadcast %add3A_1502 : i32 to vector<16xi32>
    %add3A_1504 = arith.addi %iota3A, %add3A_1503 : vector<16xi32>
    tpu.vector_store_idx %arg13[%shift_right_arithmetic3A_1492, %and3A_1495], %add3A_1504 masked %gt3A_1473 : memref<4x128xi32, #tpu.memory_space<vmem>>[vector<16xi32>, vector<16xi32>], vector<16xi32>, vector<16xi1>
    %jit3A_1505 = arith.constant 1 : i32
    %jit3A_1506 = arith.constant 0 : i32
    %broadcast_in_dim3A_1507 = vector.broadcast %jit3A_1505 : i32 to vector<16xi32>
    %broadcast_in_dim3A_1508 = vector.broadcast %jit3A_1506 : i32 to vector<16xi32>
    %select_n3A_1509 = arith.select %gt3A_1473, %broadcast_in_dim3A_1507, %broadcast_in_dim3A_1508 : vector<16xi1>, vector<16xi32>
    %reduce_sum3A_1510 = arith.constant true
    %reduce_sum3A_1511 = vector.broadcast %reduce_sum3A_1510 : i1 to vector<16xi1>
    %reduce_sum3A_1512 = tpu.scan <sum>, %select_n3A_1509 masked %reduce_sum3A_1511 : vector<16xi32>, vector<16xi1> -> vector<16xi32>
    %reduce_sum3A_1513 = vector.extract %reduce_sum3A_1512[15] : i32 from vector<16xi32>
    %add3A_1514 = arith.addi %add3A_1468, %reduce_sum3A_1513 : i32
    %get3A_1515 = arith.constant 448 : index
    %get3A_1516 = tpu.vector_load %arg10[%get3A_1515] {strides = array<i32>} : memref<512xi32, #tpu.memory_space<vmem>>, vector<16xi32>,
    %gt3A_1517 = arith.constant 0 : i32
    %gt3A_1518 = vector.broadcast %gt3A_1517 : i32 to vector<16xi32>
    %gt3A_1519 = arith.cmpi sgt, %get3A_1516, %gt3A_1518 : vector<16xi32>
    %jit3A_1520 = arith.constant 1 : i32
    %jit3A_1521 = arith.constant 0 : i32
    %broadcast_in_dim3A_1522 = vector.broadcast %jit3A_1520 : i32 to vector<16xi32>
    %broadcast_in_dim3A_1523 = vector.broadcast %jit3A_1521 : i32 to vector<16xi32>
    %select_n3A_1524 = arith.select %gt3A_1519, %broadcast_in_dim3A_1522, %broadcast_in_dim3A_1523 : vector<16xi1>, vector<16xi32>
    %broadcast_in_dim3A_1525 = arith.constant true
    %broadcast_in_dim3A_1526 = vector.broadcast %broadcast_in_dim3A_1525 : i1 to vector<16xi1>
    %masked_cumsum3A_1527 = tpu.scan <sum>, %select_n3A_1524 masked %broadcast_in_dim3A_1526 : vector<16xi32>, vector<16xi1> -> vector<16xi32>
    %add3A_1528 = vector.broadcast %add3A_1514 : i32 to vector<16xi32>
    %add3A_1529 = arith.addi %add3A_1528, %masked_cumsum3A_1527 : vector<16xi32>
    %sub3A_1530 = arith.constant 1 : i32
    %sub3A_1531 = vector.broadcast %sub3A_1530 : i32 to vector<16xi32>
    %sub3A_1532 = arith.subi %add3A_1529, %sub3A_1531 : vector<16xi32>
    %max3A_1533 = arith.constant 0 : i32
    %max3A_1534 = vector.broadcast %max3A_1533 : i32 to vector<16xi32>
    %max3A_1535 = arith.maxsi %sub3A_1532, %max3A_1534 : vector<16xi32>
    %shift_right_arithmetic3A_1536 = arith.constant 7 : i32
    %shift_right_arithmetic3A_1537 = vector.broadcast %shift_right_arithmetic3A_1536 : i32 to vector<16xi32>
    %shift_right_arithmetic3A_1538 = arith.shrsi %max3A_1535, %shift_right_arithmetic3A_1537 : vector<16xi32>
    %and3A_1539 = arith.constant 127 : i32
    %and3A_1540 = vector.broadcast %and3A_1539 : i32 to vector<16xi32>
    %and3A_1541 = arith.andi %max3A_1535, %and3A_1540 : vector<16xi32>
    %sub3A_1542 = arith.constant 1 : i32
    %sub3A_1543 = vector.broadcast %sub3A_1542 : i32 to vector<16xi32>
    %sub3A_1544 = arith.subi %get3A_1516, %sub3A_1543 : vector<16xi32>
    tpu.vector_store_idx %arg12[%shift_right_arithmetic3A_1538, %and3A_1541], %sub3A_1544 masked %gt3A_1519 : memref<4x128xi32, #tpu.memory_space<vmem>>[vector<16xi32>, vector<16xi32>], vector<16xi32>, vector<16xi1>
    %mul3A_1545 = arith.constant 512 : i32
    %mul3A_1546 = arith.muli %add3A, %mul3A_1545 : i32
    %add3A_1547 = arith.constant 448 : i32
    %add3A_1548 = arith.addi %mul3A_1546, %add3A_1547 : i32
    %add3A_1549 = vector.broadcast %add3A_1548 : i32 to vector<16xi32>
    %add3A_1550 = arith.addi %iota3A, %add3A_1549 : vector<16xi32>
    tpu.vector_store_idx %arg13[%shift_right_arithmetic3A_1538, %and3A_1541], %add3A_1550 masked %gt3A_1519 : memref<4x128xi32, #tpu.memory_space<vmem>>[vector<16xi32>, vector<16xi32>], vector<16xi32>, vector<16xi1>
    %jit3A_1551 = arith.constant 1 : i32
    %jit3A_1552 = arith.constant 0 : i32
    %broadcast_in_dim3A_1553 = vector.broadcast %jit3A_1551 : i32 to vector<16xi32>
    %broadcast_in_dim3A_1554 = vector.broadcast %jit3A_1552 : i32 to vector<16xi32>
    %select_n3A_1555 = arith.select %gt3A_1519, %broadcast_in_dim3A_1553, %broadcast_in_dim3A_1554 : vector<16xi1>, vector<16xi32>
    %reduce_sum3A_1556 = arith.constant true
    %reduce_sum3A_1557 = vector.broadcast %reduce_sum3A_1556 : i1 to vector<16xi1>
    %reduce_sum3A_1558 = tpu.scan <sum>, %select_n3A_1555 masked %reduce_sum3A_1557 : vector<16xi32>, vector<16xi1> -> vector<16xi32>
    %reduce_sum3A_1559 = vector.extract %reduce_sum3A_1558[15] : i32 from vector<16xi32>
    %add3A_1560 = arith.addi %add3A_1514, %reduce_sum3A_1559 : i32
    %get3A_1561 = arith.constant 464 : index
    %get3A_1562 = tpu.vector_load %arg10[%get3A_1561] {strides = array<i32>} : memref<512xi32, #tpu.memory_space<vmem>>, vector<16xi32>,
    %gt3A_1563 = arith.constant 0 : i32
    %gt3A_1564 = vector.broadcast %gt3A_1563 : i32 to vector<16xi32>
    %gt3A_1565 = arith.cmpi sgt, %get3A_1562, %gt3A_1564 : vector<16xi32>
    %jit3A_1566 = arith.constant 1 : i32
    %jit3A_1567 = arith.constant 0 : i32
    %broadcast_in_dim3A_1568 = vector.broadcast %jit3A_1566 : i32 to vector<16xi32>
    %broadcast_in_dim3A_1569 = vector.broadcast %jit3A_1567 : i32 to vector<16xi32>
    %select_n3A_1570 = arith.select %gt3A_1565, %broadcast_in_dim3A_1568, %broadcast_in_dim3A_1569 : vector<16xi1>, vector<16xi32>
    %broadcast_in_dim3A_1571 = arith.constant true
    %broadcast_in_dim3A_1572 = vector.broadcast %broadcast_in_dim3A_1571 : i1 to vector<16xi1>
    %masked_cumsum3A_1573 = tpu.scan <sum>, %select_n3A_1570 masked %broadcast_in_dim3A_1572 : vector<16xi32>, vector<16xi1> -> vector<16xi32>
    %add3A_1574 = vector.broadcast %add3A_1560 : i32 to vector<16xi32>
    %add3A_1575 = arith.addi %add3A_1574, %masked_cumsum3A_1573 : vector<16xi32>
    %sub3A_1576 = arith.constant 1 : i32
    %sub3A_1577 = vector.broadcast %sub3A_1576 : i32 to vector<16xi32>
    %sub3A_1578 = arith.subi %add3A_1575, %sub3A_1577 : vector<16xi32>
    %max3A_1579 = arith.constant 0 : i32
    %max3A_1580 = vector.broadcast %max3A_1579 : i32 to vector<16xi32>
    %max3A_1581 = arith.maxsi %sub3A_1578, %max3A_1580 : vector<16xi32>
    %shift_right_arithmetic3A_1582 = arith.constant 7 : i32
    %shift_right_arithmetic3A_1583 = vector.broadcast %shift_right_arithmetic3A_1582 : i32 to vector<16xi32>
    %shift_right_arithmetic3A_1584 = arith.shrsi %max3A_1581, %shift_right_arithmetic3A_1583 : vector<16xi32>
    %and3A_1585 = arith.constant 127 : i32
    %and3A_1586 = vector.broadcast %and3A_1585 : i32 to vector<16xi32>
    %and3A_1587 = arith.andi %max3A_1581, %and3A_1586 : vector<16xi32>
    %sub3A_1588 = arith.constant 1 : i32
    %sub3A_1589 = vector.broadcast %sub3A_1588 : i32 to vector<16xi32>
    %sub3A_1590 = arith.subi %get3A_1562, %sub3A_1589 : vector<16xi32>
    tpu.vector_store_idx %arg12[%shift_right_arithmetic3A_1584, %and3A_1587], %sub3A_1590 masked %gt3A_1565 : memref<4x128xi32, #tpu.memory_space<vmem>>[vector<16xi32>, vector<16xi32>], vector<16xi32>, vector<16xi1>
    %mul3A_1591 = arith.constant 512 : i32
    %mul3A_1592 = arith.muli %add3A, %mul3A_1591 : i32
    %add3A_1593 = arith.constant 464 : i32
    %add3A_1594 = arith.addi %mul3A_1592, %add3A_1593 : i32
    %add3A_1595 = vector.broadcast %add3A_1594 : i32 to vector<16xi32>
    %add3A_1596 = arith.addi %iota3A, %add3A_1595 : vector<16xi32>
    tpu.vector_store_idx %arg13[%shift_right_arithmetic3A_1584, %and3A_1587], %add3A_1596 masked %gt3A_1565 : memref<4x128xi32, #tpu.memory_space<vmem>>[vector<16xi32>, vector<16xi32>], vector<16xi32>, vector<16xi1>
    %jit3A_1597 = arith.constant 1 : i32
    %jit3A_1598 = arith.constant 0 : i32
    %broadcast_in_dim3A_1599 = vector.broadcast %jit3A_1597 : i32 to vector<16xi32>
    %broadcast_in_dim3A_1600 = vector.broadcast %jit3A_1598 : i32 to vector<16xi32>
    %select_n3A_1601 = arith.select %gt3A_1565, %broadcast_in_dim3A_1599, %broadcast_in_dim3A_1600 : vector<16xi1>, vector<16xi32>
    %reduce_sum3A_1602 = arith.constant true
    %reduce_sum3A_1603 = vector.broadcast %reduce_sum3A_1602 : i1 to vector<16xi1>
    %reduce_sum3A_1604 = tpu.scan <sum>, %select_n3A_1601 masked %reduce_sum3A_1603 : vector<16xi32>, vector<16xi1> -> vector<16xi32>
    %reduce_sum3A_1605 = vector.extract %reduce_sum3A_1604[15] : i32 from vector<16xi32>
    %add3A_1606 = arith.addi %add3A_1560, %reduce_sum3A_1605 : i32
    %get3A_1607 = arith.constant 480 : index
    %get3A_1608 = tpu.vector_load %arg10[%get3A_1607] {strides = array<i32>} : memref<512xi32, #tpu.memory_space<vmem>>, vector<16xi32>,
    %gt3A_1609 = arith.constant 0 : i32
    %gt3A_1610 = vector.broadcast %gt3A_1609 : i32 to vector<16xi32>
    %gt3A_1611 = arith.cmpi sgt, %get3A_1608, %gt3A_1610 : vector<16xi32>
    %jit3A_1612 = arith.constant 1 : i32
    %jit3A_1613 = arith.constant 0 : i32
    %broadcast_in_dim3A_1614 = vector.broadcast %jit3A_1612 : i32 to vector<16xi32>
    %broadcast_in_dim3A_1615 = vector.broadcast %jit3A_1613 : i32 to vector<16xi32>
    %select_n3A_1616 = arith.select %gt3A_1611, %broadcast_in_dim3A_1614, %broadcast_in_dim3A_1615 : vector<16xi1>, vector<16xi32>
    %broadcast_in_dim3A_1617 = arith.constant true
    %broadcast_in_dim3A_1618 = vector.broadcast %broadcast_in_dim3A_1617 : i1 to vector<16xi1>
    %masked_cumsum3A_1619 = tpu.scan <sum>, %select_n3A_1616 masked %broadcast_in_dim3A_1618 : vector<16xi32>, vector<16xi1> -> vector<16xi32>
    %add3A_1620 = vector.broadcast %add3A_1606 : i32 to vector<16xi32>
    %add3A_1621 = arith.addi %add3A_1620, %masked_cumsum3A_1619 : vector<16xi32>
    %sub3A_1622 = arith.constant 1 : i32
    %sub3A_1623 = vector.broadcast %sub3A_1622 : i32 to vector<16xi32>
    %sub3A_1624 = arith.subi %add3A_1621, %sub3A_1623 : vector<16xi32>
    %max3A_1625 = arith.constant 0 : i32
    %max3A_1626 = vector.broadcast %max3A_1625 : i32 to vector<16xi32>
    %max3A_1627 = arith.maxsi %sub3A_1624, %max3A_1626 : vector<16xi32>
    %shift_right_arithmetic3A_1628 = arith.constant 7 : i32
    %shift_right_arithmetic3A_1629 = vector.broadcast %shift_right_arithmetic3A_1628 : i32 to vector<16xi32>
    %shift_right_arithmetic3A_1630 = arith.shrsi %max3A_1627, %shift_right_arithmetic3A_1629 : vector<16xi32>
    %and3A_1631 = arith.constant 127 : i32
    %and3A_1632 = vector.broadcast %and3A_1631 : i32 to vector<16xi32>
    %and3A_1633 = arith.andi %max3A_1627, %and3A_1632 : vector<16xi32>
    %sub3A_1634 = arith.constant 1 : i32
    %sub3A_1635 = vector.broadcast %sub3A_1634 : i32 to vector<16xi32>
    %sub3A_1636 = arith.subi %get3A_1608, %sub3A_1635 : vector<16xi32>
    tpu.vector_store_idx %arg12[%shift_right_arithmetic3A_1630, %and3A_1633], %sub3A_1636 masked %gt3A_1611 : memref<4x128xi32, #tpu.memory_space<vmem>>[vector<16xi32>, vector<16xi32>], vector<16xi32>, vector<16xi1>
    %mul3A_1637 = arith.constant 512 : i32
    %mul3A_1638 = arith.muli %add3A, %mul3A_1637 : i32
    %add3A_1639 = arith.constant 480 : i32
    %add3A_1640 = arith.addi %mul3A_1638, %add3A_1639 : i32
    %add3A_1641 = vector.broadcast %add3A_1640 : i32 to vector<16xi32>
    %add3A_1642 = arith.addi %iota3A, %add3A_1641 : vector<16xi32>
    tpu.vector_store_idx %arg13[%shift_right_arithmetic3A_1630, %and3A_1633], %add3A_1642 masked %gt3A_1611 : memref<4x128xi32, #tpu.memory_space<vmem>>[vector<16xi32>, vector<16xi32>], vector<16xi32>, vector<16xi1>
    %jit3A_1643 = arith.constant 1 : i32
    %jit3A_1644 = arith.constant 0 : i32
    %broadcast_in_dim3A_1645 = vector.broadcast %jit3A_1643 : i32 to vector<16xi32>
    %broadcast_in_dim3A_1646 = vector.broadcast %jit3A_1644 : i32 to vector<16xi32>
    %select_n3A_1647 = arith.select %gt3A_1611, %broadcast_in_dim3A_1645, %broadcast_in_dim3A_1646 : vector<16xi1>, vector<16xi32>
    %reduce_sum3A_1648 = arith.constant true
    %reduce_sum3A_1649 = vector.broadcast %reduce_sum3A_1648 : i1 to vector<16xi1>
    %reduce_sum3A_1650 = tpu.scan <sum>, %select_n3A_1647 masked %reduce_sum3A_1649 : vector<16xi32>, vector<16xi1> -> vector<16xi32>
    %reduce_sum3A_1651 = vector.extract %reduce_sum3A_1650[15] : i32 from vector<16xi32>
    %add3A_1652 = arith.addi %add3A_1606, %reduce_sum3A_1651 : i32
    %get3A_1653 = arith.constant 496 : index
    %get3A_1654 = tpu.vector_load %arg10[%get3A_1653] {strides = array<i32>} : memref<512xi32, #tpu.memory_space<vmem>>, vector<16xi32>,
    %gt3A_1655 = arith.constant 0 : i32
    %gt3A_1656 = vector.broadcast %gt3A_1655 : i32 to vector<16xi32>
    %gt3A_1657 = arith.cmpi sgt, %get3A_1654, %gt3A_1656 : vector<16xi32>
    %jit3A_1658 = arith.constant 1 : i32
    %jit3A_1659 = arith.constant 0 : i32
    %broadcast_in_dim3A_1660 = vector.broadcast %jit3A_1658 : i32 to vector<16xi32>
    %broadcast_in_dim3A_1661 = vector.broadcast %jit3A_1659 : i32 to vector<16xi32>
    %select_n3A_1662 = arith.select %gt3A_1657, %broadcast_in_dim3A_1660, %broadcast_in_dim3A_1661 : vector<16xi1>, vector<16xi32>
    %broadcast_in_dim3A_1663 = arith.constant true
    %broadcast_in_dim3A_1664 = vector.broadcast %broadcast_in_dim3A_1663 : i1 to vector<16xi1>
    %masked_cumsum3A_1665 = tpu.scan <sum>, %select_n3A_1662 masked %broadcast_in_dim3A_1664 : vector<16xi32>, vector<16xi1> -> vector<16xi32>
    %add3A_1666 = vector.broadcast %add3A_1652 : i32 to vector<16xi32>
    %add3A_1667 = arith.addi %add3A_1666, %masked_cumsum3A_1665 : vector<16xi32>
    %sub3A_1668 = arith.constant 1 : i32
    %sub3A_1669 = vector.broadcast %sub3A_1668 : i32 to vector<16xi32>
    %sub3A_1670 = arith.subi %add3A_1667, %sub3A_1669 : vector<16xi32>
    %max3A_1671 = arith.constant 0 : i32
    %max3A_1672 = vector.broadcast %max3A_1671 : i32 to vector<16xi32>
    %max3A_1673 = arith.maxsi %sub3A_1670, %max3A_1672 : vector<16xi32>
    %shift_right_arithmetic3A_1674 = arith.constant 7 : i32
    %shift_right_arithmetic3A_1675 = vector.broadcast %shift_right_arithmetic3A_1674 : i32 to vector<16xi32>
    %shift_right_arithmetic3A_1676 = arith.shrsi %max3A_1673, %shift_right_arithmetic3A_1675 : vector<16xi32>
    %and3A_1677 = arith.constant 127 : i32
    %and3A_1678 = vector.broadcast %and3A_1677 : i32 to vector<16xi32>
    %and3A_1679 = arith.andi %max3A_1673, %and3A_1678 : vector<16xi32>
    %sub3A_1680 = arith.constant 1 : i32
    %sub3A_1681 = vector.broadcast %sub3A_1680 : i32 to vector<16xi32>
    %sub3A_1682 = arith.subi %get3A_1654, %sub3A_1681 : vector<16xi32>
    tpu.vector_store_idx %arg12[%shift_right_arithmetic3A_1676, %and3A_1679], %sub3A_1682 masked %gt3A_1657 : memref<4x128xi32, #tpu.memory_space<vmem>>[vector<16xi32>, vector<16xi32>], vector<16xi32>, vector<16xi1>
    %mul3A_1683 = arith.constant 512 : i32
    %mul3A_1684 = arith.muli %add3A, %mul3A_1683 : i32
    %add3A_1685 = arith.constant 496 : i32
    %add3A_1686 = arith.addi %mul3A_1684, %add3A_1685 : i32
    %add3A_1687 = vector.broadcast %add3A_1686 : i32 to vector<16xi32>
    %add3A_1688 = arith.addi %iota3A, %add3A_1687 : vector<16xi32>
    tpu.vector_store_idx %arg13[%shift_right_arithmetic3A_1676, %and3A_1679], %add3A_1688 masked %gt3A_1657 : memref<4x128xi32, #tpu.memory_space<vmem>>[vector<16xi32>, vector<16xi32>], vector<16xi32>, vector<16xi1>
    %jit3A_1689 = arith.constant 1 : i32
    %jit3A_1690 = arith.constant 0 : i32
    %broadcast_in_dim3A_1691 = vector.broadcast %jit3A_1689 : i32 to vector<16xi32>
    %broadcast_in_dim3A_1692 = vector.broadcast %jit3A_1690 : i32 to vector<16xi32>
    %select_n3A_1693 = arith.select %gt3A_1657, %broadcast_in_dim3A_1691, %broadcast_in_dim3A_1692 : vector<16xi1>, vector<16xi32>
    %reduce_sum3A_1694 = arith.constant true
    %reduce_sum3A_1695 = vector.broadcast %reduce_sum3A_1694 : i1 to vector<16xi1>
    %reduce_sum3A_1696 = tpu.scan <sum>, %select_n3A_1693 masked %reduce_sum3A_1695 : vector<16xi32>, vector<16xi1> -> vector<16xi32>
    %reduce_sum3A_1697 = vector.extract %reduce_sum3A_1696[15] : i32 from vector<16xi32>
    %add3A_1698 = arith.addi %add3A_1652, %reduce_sum3A_1697 : i32
    %add3A_1699 = arith.constant 127 : i32
    %add3A_1700 = arith.addi %add3A_1698, %add3A_1699 : i32
    %shift_right_arithmetic3A_1701 = arith.constant 7 : i32
    %shift_right_arithmetic3A_1702 = arith.shrsi %add3A_1700, %shift_right_arithmetic3A_1701 : i32
    %gather3A = tpu.vector_load_idx %arg12[%broadcast_in_dim3A_1, %broadcast_in_dim3A_1] : memref<4x128xi32, #tpu.memory_space<vmem>>[vector<16xi32>, vector<16xi32>], vector<16xi32>,
    %gather3A_1703 = tpu.vector_load_idx %arg13[%broadcast_in_dim3A_1, %broadcast_in_dim3A_1] : memref<4x128xi32, #tpu.memory_space<vmem>>[vector<16xi32>, vector<16xi32>], vector<16xi32>,
    %shift_right_arithmetic3A_1704 = arith.constant 4 : i32
    %shift_right_arithmetic3A_1705 = arith.shrsi %add3A_1698, %shift_right_arithmetic3A_1704 : i32
    %shift_left3A = arith.constant 3 : i32
    %shift_left3A_1706 = arith.shli %shift_right_arithmetic3A_1702, %shift_left3A : i32
    %while3A = arith.constant 0 : i32
    %while3A_1707 = arith.subi %shift_left3A_1706, %shift_right_arithmetic3A_1705 : i32
    %while3A_1708 = arith.addi %shift_right_arithmetic3A_1705, %while3A_1707 : i32
    %while3A_1709 = arith.constant 1 : i32
    %while3A_1710 = arith.divsi %while3A_1707, %while3A_1709 : i32
    %while3A_1711 = arith.muli %while3A_1710, %while3A_1709 : i32
    %while3A_1712 = arith.addi %shift_right_arithmetic3A_1705, %while3A_1711 : i32
    %while3A_1713 = arith.constant 1 : i32
    scf.for %while3A_1773 = %shift_right_arithmetic3A_1705 to %while3A_1712 step %while3A_1713  : i32 {
      %mul3A_1774 = arith.constant 16 : i32
      %mul3A_1775 = arith.muli %while3A_1773, %mul3A_1774 : i32
      %add3A_1776 = vector.broadcast %mul3A_1775 : i32 to vector<16xi32>
      %add3A_1777 = arith.addi %iota3A, %add3A_1776 : vector<16xi32>
      %shift_right_arithmetic3A_1778 = arith.constant 3 : i32
      %shift_right_arithmetic3A_1779 = arith.shrsi %while3A_1773, %shift_right_arithmetic3A_1778 : i32
      %and3A_1780 = arith.constant 7 : i32
      %and3A_1781 = arith.andi %while3A_1773, %and3A_1780 : i32
      %mul3A_1782 = arith.constant 16 : i32
      %mul3A_1783 = arith.muli %and3A_1781, %mul3A_1782 : i32
      %ge3A = vector.broadcast %add3A_1698 : i32 to vector<16xi32>
      %ge3A_1784 = arith.cmpi sge, %add3A_1777, %ge3A : vector<16xi32>
      %get3A_1785 = arith.index_cast %shift_right_arithmetic3A_1779 : i32 to index
      %get3A_1786 = arith.index_cast %mul3A_1783 : i32 to index
      %get3A_1787 = tpu.vector_load %arg12[%get3A_1785, %get3A_1786] {strides = array<i32>} : memref<4x128xi32, #tpu.memory_space<vmem>>, vector<16xi32>,
      %get3A_1788 = arith.index_cast %shift_right_arithmetic3A_1779 : i32 to index
      %get3A_1789 = arith.index_cast %mul3A_1783 : i32 to index
      %get3A_1790 = tpu.vector_load %arg13[%get3A_1788, %get3A_1789] {strides = array<i32>} : memref<4x128xi32, #tpu.memory_space<vmem>>, vector<16xi32>,
      %select_n3A_1791 = arith.select %ge3A_1784, %gather3A, %get3A_1787 : vector<16xi1>, vector<16xi32>
      %swap3A = arith.index_cast %shift_right_arithmetic3A_1779 : i32 to index
      %swap3A_1792 = arith.index_cast %mul3A_1783 : i32 to index
      %swap3A_1793 = tpu.vector_load %arg12[%swap3A, %swap3A_1792] {strides = array<i32>} : memref<4x128xi32, #tpu.memory_space<vmem>>, vector<16xi32>,
      tpu.vector_store %arg12[%swap3A, %swap3A_1792], %select_n3A_1791 {strides = array<i32>} : memref<4x128xi32, #tpu.memory_space<vmem>>, vector<16xi32>,
      %select_n3A_1794 = arith.select %ge3A_1784, %gather3A_1703, %get3A_1790 : vector<16xi1>, vector<16xi32>
      %swap3A_1795 = arith.index_cast %shift_right_arithmetic3A_1779 : i32 to index
      %swap3A_1796 = arith.index_cast %mul3A_1783 : i32 to index
      %swap3A_1797 = tpu.vector_load %arg13[%swap3A_1795, %swap3A_1796] {strides = array<i32>} : memref<4x128xi32, #tpu.memory_space<vmem>>, vector<16xi32>,
      tpu.vector_store %arg13[%swap3A_1795, %swap3A_1796], %select_n3A_1794 {strides = array<i32>} : memref<4x128xi32, #tpu.memory_space<vmem>>, vector<16xi32>,
    }
    %while3A_1714 = arith.constant 1 : i32
    scf.for %while3A_1773 = %while3A_1712 to %while3A_1708 step %while3A_1714  : i32 {
      %mul3A_1774 = arith.constant 16 : i32
      %mul3A_1775 = arith.muli %while3A_1773, %mul3A_1774 : i32
      %add3A_1776 = vector.broadcast %mul3A_1775 : i32 to vector<16xi32>
      %add3A_1777 = arith.addi %iota3A, %add3A_1776 : vector<16xi32>
      %shift_right_arithmetic3A_1778 = arith.constant 3 : i32
      %shift_right_arithmetic3A_1779 = arith.shrsi %while3A_1773, %shift_right_arithmetic3A_1778 : i32
      %and3A_1780 = arith.constant 7 : i32
      %and3A_1781 = arith.andi %while3A_1773, %and3A_1780 : i32
      %mul3A_1782 = arith.constant 16 : i32
      %mul3A_1783 = arith.muli %and3A_1781, %mul3A_1782 : i32
      %ge3A = vector.broadcast %add3A_1698 : i32 to vector<16xi32>
      %ge3A_1784 = arith.cmpi sge, %add3A_1777, %ge3A : vector<16xi32>
      %get3A_1785 = arith.index_cast %shift_right_arithmetic3A_1779 : i32 to index
      %get3A_1786 = arith.index_cast %mul3A_1783 : i32 to index
      %get3A_1787 = tpu.vector_load %arg12[%get3A_1785, %get3A_1786] {strides = array<i32>} : memref<4x128xi32, #tpu.memory_space<vmem>>, vector<16xi32>,
      %get3A_1788 = arith.index_cast %shift_right_arithmetic3A_1779 : i32 to index
      %get3A_1789 = arith.index_cast %mul3A_1783 : i32 to index
      %get3A_1790 = tpu.vector_load %arg13[%get3A_1788, %get3A_1789] {strides = array<i32>} : memref<4x128xi32, #tpu.memory_space<vmem>>, vector<16xi32>,
      %select_n3A_1791 = arith.select %ge3A_1784, %gather3A, %get3A_1787 : vector<16xi1>, vector<16xi32>
      %swap3A = arith.index_cast %shift_right_arithmetic3A_1779 : i32 to index
      %swap3A_1792 = arith.index_cast %mul3A_1783 : i32 to index
      %swap3A_1793 = tpu.vector_load %arg12[%swap3A, %swap3A_1792] {strides = array<i32>} : memref<4x128xi32, #tpu.memory_space<vmem>>, vector<16xi32>,
      tpu.vector_store %arg12[%swap3A, %swap3A_1792], %select_n3A_1791 {strides = array<i32>} : memref<4x128xi32, #tpu.memory_space<vmem>>, vector<16xi32>,
      %select_n3A_1794 = arith.select %ge3A_1784, %gather3A_1703, %get3A_1790 : vector<16xi1>, vector<16xi32>
      %swap3A_1795 = arith.index_cast %shift_right_arithmetic3A_1779 : i32 to index
      %swap3A_1796 = arith.index_cast %mul3A_1783 : i32 to index
      %swap3A_1797 = tpu.vector_load %arg13[%swap3A_1795, %swap3A_1796] {strides = array<i32>} : memref<4x128xi32, #tpu.memory_space<vmem>>, vector<16xi32>,
      tpu.vector_store %arg13[%swap3A_1795, %swap3A_1796], %select_n3A_1794 {strides = array<i32>} : memref<4x128xi32, #tpu.memory_space<vmem>>, vector<16xi32>,
    }
    %gt3A_1715 = arith.constant 0 : i32
    %gt3A_1716 = arith.cmpi sgt, %shift_right_arithmetic3A_1702, %gt3A_1715 : i32
    %convert_element_type3A = arith.extui %gt3A_1716 : i1 to i32
    %cond3A = arith.constant 0 : i32
    %cond3A_1717 = arith.cmpi ne, %convert_element_type3A, %cond3A : i32
    scf.if %cond3A_1717 {
      %run_scoped3A = arith.constant 0 : i32
      "tpu.region"() ({
        %run_scoped3A_1773 = tpu.sem_alloc : memref<!tpu.dma_semaphore, #tpu.memory_space<semaphore_mem>>
        %dma_start3A_1774 = arith.constant 0 : i32
        %dma_start3A_1775 = tpu.memref_slice %arg12[%run_scoped3A, %dma_start3A_1774] : memref<4x128xi32, #tpu.memory_space<vmem>> -> memref<1x128xi32, #tpu.memory_space<vmem>>
        %dma_start3A_1776 = tpu.memref_squeeze %dma_start3A_1775 : memref<1x128xi32, #tpu.memory_space<vmem>> -> memref<128xi32, #tpu.memory_space<vmem>>
        %dma_start3A_1777 = arith.constant 0 : i32
        %dma_start3A_1778 = arith.constant 0 : i32
        %dma_start3A_1779 = tpu.memref_slice %arg2[%dma_start3A_1777, %dma_start3A_1778] : memref<16384x128xf32, #tpu.memory_space<hbm>> -> memref<16384x128xf32, #tpu.memory_space<hbm>>
        tpu.enqueue_indirect_dma source(%dma_start3A_1779 : memref<16384x128xf32, #tpu.memory_space<hbm>>) target(%arg14 : memref<128x128xf32, #tpu.memory_space<vmem>>) offsets(%dma_start3A_1776 : memref<128xi32, #tpu.memory_space<vmem>>) semaphore(%run_scoped3A_1773 : memref<!tpu.dma_semaphore, #tpu.memory_space<semaphore_mem>>)
        %dma_wait3A_1780 = arith.constant 0 : i32
        %dma_wait3A_1781 = tpu.memref_slice %arg12[%run_scoped3A, %dma_wait3A_1780] : memref<4x128xi32, #tpu.memory_space<vmem>> -> memref<1x128xi32, #tpu.memory_space<vmem>>
        %dma_wait3A_1782 = tpu.memref_squeeze %dma_wait3A_1781 : memref<1x128xi32, #tpu.memory_space<vmem>> -> memref<128xi32, #tpu.memory_space<vmem>>
        %dma_wait3A_1783 = arith.constant 0 : i32
        %dma_wait3A_1784 = arith.constant 0 : i32
        %dma_wait3A_1785 = tpu.memref_slice %arg2[%dma_wait3A_1783, %dma_wait3A_1784] : memref<16384x128xf32, #tpu.memory_space<hbm>> -> memref<16384x128xf32, #tpu.memory_space<hbm>>
        tpu.wait_indirect_dma semaphore(%run_scoped3A_1773 : memref<!tpu.dma_semaphore, #tpu.memory_space<semaphore_mem>>) src(%dma_wait3A_1785 : memref<16384x128xf32, #tpu.memory_space<hbm>>) dst(%arg14 : memref<128x128xf32, #tpu.memory_space<vmem>>)
        tpu.yield
      }) : () -> ()
    } else {
    }
    %dma_wait3A_1718 = arith.constant 0 : i32
    %dma_wait3A_1719 = arith.constant 0 : i32
    %dma_wait3A_1720 = tpu.memref_slice %arg11[%dma_wait3A_1718, %dma_wait3A_1719] : memref<512x128xf32, #tpu.memory_space<vmem>> -> memref<128x128xf32, #tpu.memory_space<vmem>>
    %dma_wait3A_1721 = arith.constant 0 : i32
    %dma_wait3A_1722 = tpu.memref_slice %arg6[%add3A_87, %dma_wait3A_1721] : memref<16384x128xf32, #tpu.memory_space<hbm>> -> memref<128x128xf32, #tpu.memory_space<hbm>>
    %dma_wait3A_1723 = arith.constant 0 : i32
    %dma_wait3A_1724 = tpu.memref_slice %arg6[%add3A_87, %dma_wait3A_1723] : memref<16384x128xf32, #tpu.memory_space<hbm>> -> memref<128x128xf32, #tpu.memory_space<hbm>>
    %dma_wait3A_1725 = arith.constant 0 : i32
    %dma_wait3A_1726 = arith.constant 0 : i32
    %dma_wait3A_1727 = tpu.memref_slice %arg11[%dma_wait3A_1725, %dma_wait3A_1726] : memref<512x128xf32, #tpu.memory_space<vmem>> -> memref<128x128xf32, #tpu.memory_space<vmem>>
    tpu.wait_dma2 semaphore(%arg16 : memref<!tpu.dma_semaphore, #tpu.memory_space<semaphore_mem>>) src(%dma_wait3A_1727 : memref<128x128xf32, #tpu.memory_space<vmem>>) dst(%dma_wait3A_1724 : memref<128x128xf32, #tpu.memory_space<hbm>>)
    %dma_wait3A_1728 = arith.constant 128 : i32
    %dma_wait3A_1729 = arith.constant 0 : i32
    %dma_wait3A_1730 = tpu.memref_slice %arg11[%dma_wait3A_1728, %dma_wait3A_1729] : memref<512x128xf32, #tpu.memory_space<vmem>> -> memref<128x128xf32, #tpu.memory_space<vmem>>
    %dma_wait3A_1731 = arith.constant 0 : i32
    %dma_wait3A_1732 = tpu.memref_slice %arg6[%add3A_111, %dma_wait3A_1731] : memref<16384x128xf32, #tpu.memory_space<hbm>> -> memref<128x128xf32, #tpu.memory_space<hbm>>
    %dma_wait3A_1733 = arith.constant 0 : i32
    %dma_wait3A_1734 = tpu.memref_slice %arg6[%add3A_111, %dma_wait3A_1733] : memref<16384x128xf32, #tpu.memory_space<hbm>> -> memref<128x128xf32, #tpu.memory_space<hbm>>
    %dma_wait3A_1735 = arith.constant 128 : i32
    %dma_wait3A_1736 = arith.constant 0 : i32
    %dma_wait3A_1737 = tpu.memref_slice %arg11[%dma_wait3A_1735, %dma_wait3A_1736] : memref<512x128xf32, #tpu.memory_space<vmem>> -> memref<128x128xf32, #tpu.memory_space<vmem>>
    tpu.wait_dma2 semaphore(%arg16 : memref<!tpu.dma_semaphore, #tpu.memory_space<semaphore_mem>>) src(%dma_wait3A_1737 : memref<128x128xf32, #tpu.memory_space<vmem>>) dst(%dma_wait3A_1734 : memref<128x128xf32, #tpu.memory_space<hbm>>)
    %dma_wait3A_1738 = arith.constant 256 : i32
    %dma_wait3A_1739 = arith.constant 0 : i32
    %dma_wait3A_1740 = tpu.memref_slice %arg11[%dma_wait3A_1738, %dma_wait3A_1739] : memref<512x128xf32, #tpu.memory_space<vmem>> -> memref<128x128xf32, #tpu.memory_space<vmem>>
    %dma_wait3A_1741 = arith.constant 0 : i32
    %dma_wait3A_1742 = tpu.memref_slice %arg6[%add3A_135, %dma_wait3A_1741] : memref<16384x128xf32, #tpu.memory_space<hbm>> -> memref<128x128xf32, #tpu.memory_space<hbm>>
    %dma_wait3A_1743 = arith.constant 0 : i32
    %dma_wait3A_1744 = tpu.memref_slice %arg6[%add3A_135, %dma_wait3A_1743] : memref<16384x128xf32, #tpu.memory_space<hbm>> -> memref<128x128xf32, #tpu.memory_space<hbm>>
    %dma_wait3A_1745 = arith.constant 256 : i32
    %dma_wait3A_1746 = arith.constant 0 : i32
    %dma_wait3A_1747 = tpu.memref_slice %arg11[%dma_wait3A_1745, %dma_wait3A_1746] : memref<512x128xf32, #tpu.memory_space<vmem>> -> memref<128x128xf32, #tpu.memory_space<vmem>>
    tpu.wait_dma2 semaphore(%arg16 : memref<!tpu.dma_semaphore, #tpu.memory_space<semaphore_mem>>) src(%dma_wait3A_1747 : memref<128x128xf32, #tpu.memory_space<vmem>>) dst(%dma_wait3A_1744 : memref<128x128xf32, #tpu.memory_space<hbm>>)
    %dma_wait3A_1748 = arith.constant 384 : i32
    %dma_wait3A_1749 = arith.constant 0 : i32
    %dma_wait3A_1750 = tpu.memref_slice %arg11[%dma_wait3A_1748, %dma_wait3A_1749] : memref<512x128xf32, #tpu.memory_space<vmem>> -> memref<128x128xf32, #tpu.memory_space<vmem>>
    %dma_wait3A_1751 = arith.constant 0 : i32
    %dma_wait3A_1752 = tpu.memref_slice %arg6[%add3A_159, %dma_wait3A_1751] : memref<16384x128xf32, #tpu.memory_space<hbm>> -> memref<128x128xf32, #tpu.memory_space<hbm>>
    %dma_wait3A_1753 = arith.constant 0 : i32
    %dma_wait3A_1754 = tpu.memref_slice %arg6[%add3A_159, %dma_wait3A_1753] : memref<16384x128xf32, #tpu.memory_space<hbm>> -> memref<128x128xf32, #tpu.memory_space<hbm>>
    %dma_wait3A_1755 = arith.constant 384 : i32
    %dma_wait3A_1756 = arith.constant 0 : i32
    %dma_wait3A_1757 = tpu.memref_slice %arg11[%dma_wait3A_1755, %dma_wait3A_1756] : memref<512x128xf32, #tpu.memory_space<vmem>> -> memref<128x128xf32, #tpu.memory_space<vmem>>
    tpu.wait_dma2 semaphore(%arg16 : memref<!tpu.dma_semaphore, #tpu.memory_space<semaphore_mem>>) src(%dma_wait3A_1757 : memref<128x128xf32, #tpu.memory_space<vmem>>) dst(%dma_wait3A_1754 : memref<128x128xf32, #tpu.memory_space<hbm>>)
    %gt3A_1758 = arith.constant 0 : i32
    %gt3A_1759 = arith.cmpi sgt, %shift_right_arithmetic3A_1702, %gt3A_1758 : i32
    %convert_element_type3A_1760 = arith.extui %gt3A_1759 : i1 to i32
    %cond3A_1761 = arith.constant 0 : i32
    %cond3A_1762 = arith.cmpi ne, %convert_element_type3A_1760, %cond3A_1761 : i32
    scf.if %cond3A_1762 {
      %run_scoped3A = arith.constant 0 : i32
      "tpu.region"() ({
        %run_scoped3A_1773 = tpu.sem_alloc : memref<!tpu.dma_semaphore, #tpu.memory_space<semaphore_mem>>
        %dma_start3A_1774 = arith.constant 0 : i32
        %dma_start3A_1775 = tpu.memref_slice %arg13[%run_scoped3A, %dma_start3A_1774] : memref<4x128xi32, #tpu.memory_space<vmem>> -> memref<1x128xi32, #tpu.memory_space<vmem>>
        %dma_start3A_1776 = tpu.memref_squeeze %dma_start3A_1775 : memref<1x128xi32, #tpu.memory_space<vmem>> -> memref<128xi32, #tpu.memory_space<vmem>>
        %dma_start3A_1777 = arith.constant 0 : i32
        %dma_start3A_1778 = arith.constant 0 : i32
        %dma_start3A_1779 = tpu.memref_slice %arg6[%dma_start3A_1777, %dma_start3A_1778] : memref<16384x128xf32, #tpu.memory_space<hbm>> -> memref<16384x128xf32, #tpu.memory_space<hbm>>
        tpu.enqueue_indirect_dma source(%arg14 : memref<128x128xf32, #tpu.memory_space<vmem>>) target(%dma_start3A_1779 : memref<16384x128xf32, #tpu.memory_space<hbm>>) offsets(%dma_start3A_1776 : memref<128xi32, #tpu.memory_space<vmem>>) semaphore(%run_scoped3A_1773 : memref<!tpu.dma_semaphore, #tpu.memory_space<semaphore_mem>>)
        %dma_wait3A_1780 = arith.constant 0 : i32
        %dma_wait3A_1781 = tpu.memref_slice %arg13[%run_scoped3A, %dma_wait3A_1780] : memref<4x128xi32, #tpu.memory_space<vmem>> -> memref<1x128xi32, #tpu.memory_space<vmem>>
        %dma_wait3A_1782 = tpu.memref_squeeze %dma_wait3A_1781 : memref<1x128xi32, #tpu.memory_space<vmem>> -> memref<128xi32, #tpu.memory_space<vmem>>
        %dma_wait3A_1783 = arith.constant 0 : i32
        %dma_wait3A_1784 = arith.constant 0 : i32
        %dma_wait3A_1785 = tpu.memref_slice %arg6[%dma_wait3A_1783, %dma_wait3A_1784] : memref<16384x128xf32, #tpu.memory_space<hbm>> -> memref<16384x128xf32, #tpu.memory_space<hbm>>
        tpu.wait_indirect_dma semaphore(%run_scoped3A_1773 : memref<!tpu.dma_semaphore, #tpu.memory_space<semaphore_mem>>) src(%arg14 : memref<128x128xf32, #tpu.memory_space<vmem>>) dst(%dma_wait3A_1785 : memref<16384x128xf32, #tpu.memory_space<hbm>>)
        tpu.yield
      }) : () -> ()
    } else {
    }
    %while3A_1763 = arith.constant 0 : i32
    %while3A_1764 = arith.constant 1 : i32
    %while3A_1765 = arith.subi %shift_right_arithmetic3A_1702, %while3A_1764 : i32
    %while3A_1766 = arith.addi %while3A_1764, %while3A_1765 : i32
    %while3A_1767 = arith.constant 1 : i32
    %while3A_1768 = arith.divsi %while3A_1765, %while3A_1767 : i32
    %while3A_1769 = arith.muli %while3A_1768, %while3A_1767 : i32
    %while3A_1770 = arith.addi %while3A_1764, %while3A_1769 : i32
    %while3A_1771 = arith.constant 1 : i32
    scf.for %while3A_1773 = %while3A_1764 to %while3A_1770 step %while3A_1771  : i32 {
      "tpu.region"() ({
        %run_scoped3A = tpu.sem_alloc : memref<!tpu.dma_semaphore, #tpu.memory_space<semaphore_mem>>
        %dma_start3A_1774 = arith.constant 0 : i32
        %dma_start3A_1775 = tpu.memref_slice %arg12[%while3A_1773, %dma_start3A_1774] : memref<4x128xi32, #tpu.memory_space<vmem>> -> memref<1x128xi32, #tpu.memory_space<vmem>>
        %dma_start3A_1776 = tpu.memref_squeeze %dma_start3A_1775 : memref<1x128xi32, #tpu.memory_space<vmem>> -> memref<128xi32, #tpu.memory_space<vmem>>
        %dma_start3A_1777 = arith.constant 0 : i32
        %dma_start3A_1778 = arith.constant 0 : i32
        %dma_start3A_1779 = tpu.memref_slice %arg2[%dma_start3A_1777, %dma_start3A_1778] : memref<16384x128xf32, #tpu.memory_space<hbm>> -> memref<16384x128xf32, #tpu.memory_space<hbm>>
        tpu.enqueue_indirect_dma source(%dma_start3A_1779 : memref<16384x128xf32, #tpu.memory_space<hbm>>) target(%arg14 : memref<128x128xf32, #tpu.memory_space<vmem>>) offsets(%dma_start3A_1776 : memref<128xi32, #tpu.memory_space<vmem>>) semaphore(%run_scoped3A : memref<!tpu.dma_semaphore, #tpu.memory_space<semaphore_mem>>)
        %dma_wait3A_1780 = arith.constant 0 : i32
        %dma_wait3A_1781 = tpu.memref_slice %arg12[%while3A_1773, %dma_wait3A_1780] : memref<4x128xi32, #tpu.memory_space<vmem>> -> memref<1x128xi32, #tpu.memory_space<vmem>>
        %dma_wait3A_1782 = tpu.memref_squeeze %dma_wait3A_1781 : memref<1x128xi32, #tpu.memory_space<vmem>> -> memref<128xi32, #tpu.memory_space<vmem>>
        %dma_wait3A_1783 = arith.constant 0 : i32
        %dma_wait3A_1784 = arith.constant 0 : i32
        %dma_wait3A_1785 = tpu.memref_slice %arg2[%dma_wait3A_1783, %dma_wait3A_1784] : memref<16384x128xf32, #tpu.memory_space<hbm>> -> memref<16384x128xf32, #tpu.memory_space<hbm>>
        tpu.wait_indirect_dma semaphore(%run_scoped3A : memref<!tpu.dma_semaphore, #tpu.memory_space<semaphore_mem>>) src(%dma_wait3A_1785 : memref<16384x128xf32, #tpu.memory_space<hbm>>) dst(%arg14 : memref<128x128xf32, #tpu.memory_space<vmem>>)
        tpu.yield
      }) : () -> ()
      "tpu.region"() ({
        %run_scoped3A = tpu.sem_alloc : memref<!tpu.dma_semaphore, #tpu.memory_space<semaphore_mem>>
        %dma_start3A_1774 = arith.constant 0 : i32
        %dma_start3A_1775 = tpu.memref_slice %arg13[%while3A_1773, %dma_start3A_1774] : memref<4x128xi32, #tpu.memory_space<vmem>> -> memref<1x128xi32, #tpu.memory_space<vmem>>
        %dma_start3A_1776 = tpu.memref_squeeze %dma_start3A_1775 : memref<1x128xi32, #tpu.memory_space<vmem>> -> memref<128xi32, #tpu.memory_space<vmem>>
        %dma_start3A_1777 = arith.constant 0 : i32
        %dma_start3A_1778 = arith.constant 0 : i32
        %dma_start3A_1779 = tpu.memref_slice %arg6[%dma_start3A_1777, %dma_start3A_1778] : memref<16384x128xf32, #tpu.memory_space<hbm>> -> memref<16384x128xf32, #tpu.memory_space<hbm>>
        tpu.enqueue_indirect_dma source(%arg14 : memref<128x128xf32, #tpu.memory_space<vmem>>) target(%dma_start3A_1779 : memref<16384x128xf32, #tpu.memory_space<hbm>>) offsets(%dma_start3A_1776 : memref<128xi32, #tpu.memory_space<vmem>>) semaphore(%run_scoped3A : memref<!tpu.dma_semaphore, #tpu.memory_space<semaphore_mem>>)
        %dma_wait3A_1780 = arith.constant 0 : i32
        %dma_wait3A_1781 = tpu.memref_slice %arg13[%while3A_1773, %dma_wait3A_1780] : memref<4x128xi32, #tpu.memory_space<vmem>> -> memref<1x128xi32, #tpu.memory_space<vmem>>
        %dma_wait3A_1782 = tpu.memref_squeeze %dma_wait3A_1781 : memref<1x128xi32, #tpu.memory_space<vmem>> -> memref<128xi32, #tpu.memory_space<vmem>>
        %dma_wait3A_1783 = arith.constant 0 : i32
        %dma_wait3A_1784 = arith.constant 0 : i32
        %dma_wait3A_1785 = tpu.memref_slice %arg6[%dma_wait3A_1783, %dma_wait3A_1784] : memref<16384x128xf32, #tpu.memory_space<hbm>> -> memref<16384x128xf32, #tpu.memory_space<hbm>>
        tpu.wait_indirect_dma semaphore(%run_scoped3A : memref<!tpu.dma_semaphore, #tpu.memory_space<semaphore_mem>>) src(%arg14 : memref<128x128xf32, #tpu.memory_space<vmem>>) dst(%dma_wait3A_1785 : memref<16384x128xf32, #tpu.memory_space<hbm>>)
        tpu.yield
      }) : () -> ()
    }
    %while3A_1772 = arith.constant 1 : i32
    scf.for %while3A_1773 = %while3A_1770 to %while3A_1766 step %while3A_1772  : i32 {
      "tpu.region"() ({
        %run_scoped3A = tpu.sem_alloc : memref<!tpu.dma_semaphore, #tpu.memory_space<semaphore_mem>>
        %dma_start3A_1774 = arith.constant 0 : i32
        %dma_start3A_1775 = tpu.memref_slice %arg12[%while3A_1773, %dma_start3A_1774] : memref<4x128xi32, #tpu.memory_space<vmem>> -> memref<1x128xi32, #tpu.memory_space<vmem>>
        %dma_start3A_1776 = tpu.memref_squeeze %dma_start3A_1775 : memref<1x128xi32, #tpu.memory_space<vmem>> -> memref<128xi32, #tpu.memory_space<vmem>>
        %dma_start3A_1777 = arith.constant 0 : i32
        %dma_start3A_1778 = arith.constant 0 : i32
        %dma_start3A_1779 = tpu.memref_slice %arg2[%dma_start3A_1777, %dma_start3A_1778] : memref<16384x128xf32, #tpu.memory_space<hbm>> -> memref<16384x128xf32, #tpu.memory_space<hbm>>
        tpu.enqueue_indirect_dma source(%dma_start3A_1779 : memref<16384x128xf32, #tpu.memory_space<hbm>>) target(%arg14 : memref<128x128xf32, #tpu.memory_space<vmem>>) offsets(%dma_start3A_1776 : memref<128xi32, #tpu.memory_space<vmem>>) semaphore(%run_scoped3A : memref<!tpu.dma_semaphore, #tpu.memory_space<semaphore_mem>>)
        %dma_wait3A_1780 = arith.constant 0 : i32
        %dma_wait3A_1781 = tpu.memref_slice %arg12[%while3A_1773, %dma_wait3A_1780] : memref<4x128xi32, #tpu.memory_space<vmem>> -> memref<1x128xi32, #tpu.memory_space<vmem>>
        %dma_wait3A_1782 = tpu.memref_squeeze %dma_wait3A_1781 : memref<1x128xi32, #tpu.memory_space<vmem>> -> memref<128xi32, #tpu.memory_space<vmem>>
        %dma_wait3A_1783 = arith.constant 0 : i32
        %dma_wait3A_1784 = arith.constant 0 : i32
        %dma_wait3A_1785 = tpu.memref_slice %arg2[%dma_wait3A_1783, %dma_wait3A_1784] : memref<16384x128xf32, #tpu.memory_space<hbm>> -> memref<16384x128xf32, #tpu.memory_space<hbm>>
        tpu.wait_indirect_dma semaphore(%run_scoped3A : memref<!tpu.dma_semaphore, #tpu.memory_space<semaphore_mem>>) src(%dma_wait3A_1785 : memref<16384x128xf32, #tpu.memory_space<hbm>>) dst(%arg14 : memref<128x128xf32, #tpu.memory_space<vmem>>)
        tpu.yield
      }) : () -> ()
      "tpu.region"() ({
        %run_scoped3A = tpu.sem_alloc : memref<!tpu.dma_semaphore, #tpu.memory_space<semaphore_mem>>
        %dma_start3A_1774 = arith.constant 0 : i32
        %dma_start3A_1775 = tpu.memref_slice %arg13[%while3A_1773, %dma_start3A_1774] : memref<4x128xi32, #tpu.memory_space<vmem>> -> memref<1x128xi32, #tpu.memory_space<vmem>>
        %dma_start3A_1776 = tpu.memref_squeeze %dma_start3A_1775 : memref<1x128xi32, #tpu.memory_space<vmem>> -> memref<128xi32, #tpu.memory_space<vmem>>
        %dma_start3A_1777 = arith.constant 0 : i32
        %dma_start3A_1778 = arith.constant 0 : i32
        %dma_start3A_1779 = tpu.memref_slice %arg6[%dma_start3A_1777, %dma_start3A_1778] : memref<16384x128xf32, #tpu.memory_space<hbm>> -> memref<16384x128xf32, #tpu.memory_space<hbm>>
        tpu.enqueue_indirect_dma source(%arg14 : memref<128x128xf32, #tpu.memory_space<vmem>>) target(%dma_start3A_1779 : memref<16384x128xf32, #tpu.memory_space<hbm>>) offsets(%dma_start3A_1776 : memref<128xi32, #tpu.memory_space<vmem>>) semaphore(%run_scoped3A : memref<!tpu.dma_semaphore, #tpu.memory_space<semaphore_mem>>)
        %dma_wait3A_1780 = arith.constant 0 : i32
        %dma_wait3A_1781 = tpu.memref_slice %arg13[%while3A_1773, %dma_wait3A_1780] : memref<4x128xi32, #tpu.memory_space<vmem>> -> memref<1x128xi32, #tpu.memory_space<vmem>>
        %dma_wait3A_1782 = tpu.memref_squeeze %dma_wait3A_1781 : memref<1x128xi32, #tpu.memory_space<vmem>> -> memref<128xi32, #tpu.memory_space<vmem>>
        %dma_wait3A_1783 = arith.constant 0 : i32
        %dma_wait3A_1784 = arith.constant 0 : i32
        %dma_wait3A_1785 = tpu.memref_slice %arg6[%dma_wait3A_1783, %dma_wait3A_1784] : memref<16384x128xf32, #tpu.memory_space<hbm>> -> memref<16384x128xf32, #tpu.memory_space<hbm>>
        tpu.wait_indirect_dma semaphore(%run_scoped3A : memref<!tpu.dma_semaphore, #tpu.memory_space<semaphore_mem>>) src(%arg14 : memref<128x128xf32, #tpu.memory_space<vmem>>) dst(%dma_wait3A_1785 : memref<16384x128xf32, #tpu.memory_space<hbm>>)
        tpu.yield
      }) : () -> ()
    }
    return
  }
}

</mosaic_0001>

<sc_bundles>
// kernel: kernel.3.cloned.1.call-start
scs
__scs_entry_jumppad:
0x0: {  	(pc) =	sbr.rel $0x88, $3  }
0x1: {  	(tag) =	ssettag $0x0;
	lr =	simm.s32 $0x1  }
0x2: {  	[smem:$0x3F9D] =	sst lr;
	_ =	strace $0xD0000000  }
0x3: {  	_ = 	snop  }
0x4: {  	_ = 	snop  }
0x5: {  	_ = 	snop  }
0x6: {  	_ = 	snop  }
0x7: {  	_ = 	snop  }
__scs_overlays_trampoline_lowered:
0x8: {  	[smem:$0x3FAC] =	sst s0  }
0x9: {  	[smem:$0x3FAD] =	sst s1  }
0xa: {  	[smem:$0x3FAE] =	sst s2  }
0xb: {  	[smem:$0x3FAF] =	sst s3  }
0xc: {  	[smem:$0x3FB0] =	sst s4  }
0xd: {  	[smem:$0x3FB1] =	sst s5  }
0xe: {  	[smem:$0x3FB2] =	sst s6  }
0xf: {  	[smem:$0x3FB3] =	sst s7  }
0x10: {  	[smem:$0x3FB4] =	sst s8  }
0x11: {  	[smem:$0x3FB5] =	sst s9;
	s0 =	simm.s32 @!p0 $0x0  }
0x12: {  	s1 =	sld [smem:$0x3F9B];
	s0 =	simm.s32 @p0 $0x1  }
0x13: {  	[smem:$0x3FB6] =	sst s0;
	s0 =	simm.s32 @!p1 $0x0  }
0x14: {  	s2 =	sld [smem:$0x3F9A];
	s0 =	simm.s32 @p1 $0x1  }
0x15: {  	[smem:$0x3FB7] =	sst s0;
	s0 =	simm.s32 @!p2 $0x0  }
0x16: {  	s3 =	sld [smem:$0x3FDB];
	s0 =	simm.s32 @p2 $0x1  }
0x17: {  	s4 =	simm.s32 $0x1BF5;
	[smem:$0x3FB9] =	sst s0  }
0x18: {  	s0 =	sld [smem:$0x3F9C];
	_ =	swait.ge [sflag:s4], $0x0  }
0x19: {  	s7 =	sld [smem:$0x3F9D]  }
0x1a: {  	s8 =	sadd.s32 $0xFFFFE003, lr  }
0x1b: {  	s9 =	sadd.s32 $0xFFFFFEF7, lr;
	s5 =	simm.s32 $0xFFFFFFFF;
	p2 =	slt.u32 s8, $0xFFFFF086  }
0x1c: {  	p1 =	slt.u32 s9, $0xF7A;
	s5 =	simm.s32 @!p2 $0x0  }
0x1d: {  	s5 =	simm.s32 @p1 $0x1;
	p0 =	seq.s32 s7, s2  }
0x1e: {  	s7 =	smul.u32 @!p0 $0xF7A, s2;
	p2 =	seq.s32 @!p0 s5, $0x0  }
0x1f: {  	s9 =	smul.u32 $0xF7A, s1;
	s8 =	simm.s32 @!p0 $0x1BF5;
	p2 =	por !p2, p0  }
0x20: {  	[sflag:s8] =	ssyncset.s32 @!p0 $0xFFFFF086;
	s6 =	sadd.s32 @!p0 s3, s7;
	s7 =	simm.s32 @!p0 $0x108  }
0x21: {  	s3 =	sadd.s32 s3, s9;
	s6 =	sadd.s32 @!p0 $0x88, s6;
	s7 =	simm.s32 @p2 $0x1082  }
0x22: {  	[simem:s7], [sflag:s8] =	dma.local @!p0 [hbm:s6], $0xF7A  }
0x23: {  	s9 =	sor.u32 $0xD0000000, s2;
	s6 =	simm.s32 $0x108;
	_ =	swait.ge @!p0 [sflag:s8], $0x0  }
0x24: {  	s3 =	sadd.s32 $0x88, s3;
	s6 =	simm.s32 @!p1 $0x1082;
	[sflag:s4] =	ssyncset.s32 $0xFFFFF086  }
0x25: {  	[simem:s6], [sflag:s4] =	dma.local [hbm:s3], $0xF7A  }
0x26: {  	[smem:$0x3F9D] =	sst s1;
	(tag) =	ssettag s2;
	_ =	strace s9  }
0x27: {  	s1 =	sld [smem:$0x3FAD]  }
0x28: {  	s2 =	sld [smem:$0x3FAE]  }
0x29: {  	s4 =	sld [smem:$0x3FB0]  }
0x2a: {  	p0 =	seq.s32 s5, $0x0;
	s5 =	sld [smem:$0x3FB1]  }
0x2b: {  	s6 =	sld [smem:$0x3FB2]  }
0x2c: {  	s7 =	sld [smem:$0x3FB3]  }
0x2d: {  	s3 =	simm.s32 $0x108;
	s8 =	sld [smem:$0x3FB4]  }
0x2e: {  	s3 =	simm.s32 @!p0 $0x1082;
	s9 =	sld [smem:$0x3FB5]  }
0x2f: {  	lr =	sadd.s32 s0, s3;
	s0 =	sld [smem:$0x3FAC]  }
0x30: {  	s3 =	sld [smem:$0x3FAF]  }
0x31: {  	[smem:$0x3FB8] =	sst s10  }
0x32: {  	s10 =	sld [smem:$0x3FB6];
	_ =	sdelay $0x3  }
0x33: {  	p0 =	seq.s32 s10, $0x1;
	s10 =	sld [smem:$0x3FB8];
	_ =	sdelay $0x3  }
0x34: {  	[smem:$0x3FB8] =	sst s10  }
0x35: {  	s10 =	sld [smem:$0x3FB7];
	_ =	sdelay $0x3  }
0x36: {  	p1 =	seq.s32 s10, $0x1;
	s10 =	sld [smem:$0x3FB8];
	_ =	sdelay $0x3  }
0x37: {  	[smem:$0x3FB8] =	sst s10  }
0x38: {  	s10 =	sld [smem:$0x3FB9]  }
0x39: {  	_ = 	snop;
	(pc) =	sbr.ind lr, $3  }
0x3a: {  	_ = 	snop  }
0x3b: {  	_ = 	snop  }
0x3c: {  	p2 =	seq.s32 s10, $0x1;
	s10 =	sld [smem:$0x3FB8]  }
0x3d: {  	_ =	shalt  }
0x3e: {  	_ =	shalt  }
0x3f: {  	_ =	shalt  }
0x40: {  	_ =	shalt  }
0x41: {  	_ =	shalt  }
0x42: {  	_ =	shalt  }
0x43: {  	_ =	shalt  }
0x44: {  	_ =	shalt  }
0x45: {  	_ =	shalt  }
0x46: {  	_ =	shalt  }
0x47: {  	_ =	shalt  }
0x48: {  	_ =	shalt  }
0x49: {  	_ =	shalt  }
0x4a: {  	_ =	shalt  }
0x4b: {  	_ =	shalt  }
0x4c: {  	_ =	shalt  }
0x4d: {  	_ =	shalt  }
0x4e: {  	_ =	shalt  }
0x4f: {  	_ =	shalt  }
0x50: {  	_ =	shalt  }
0x51: {  	_ =	shalt  }
0x52: {  	_ =	shalt  }
0x53: {  	_ =	shalt  }
0x54: {  	_ =	shalt  }
0x55: {  	_ =	shalt  }
0x56: {  	_ =	shalt  }
0x57: {  	_ =	shalt  }
0x58: {  	_ =	shalt  }
0x59: {  	_ =	shalt  }
0x5a: {  	_ =	shalt  }
0x5b: {  	_ =	shalt  }
0x5c: {  	_ =	shalt  }
0x5d: {  	_ =	shalt  }
0x5e: {  	_ =	shalt  }
0x5f: {  	_ =	shalt  }
0x60: {  	_ =	shalt  }
0x61: {  	_ =	shalt  }
0x62: {  	_ =	shalt  }
0x63: {  	_ =	shalt  }
0x64: {  	_ =	shalt  }
0x65: {  	_ =	shalt  }
0x66: {  	_ =	shalt  }
0x67: {  	_ =	shalt  }
0x68: {  	_ =	shalt  }
0x69: {  	_ =	shalt  }
0x6a: {  	_ =	shalt  }
0x6b: {  	_ =	shalt  }
0x6c: {  	_ =	shalt  }
0x6d: {  	_ =	shalt  }
0x6e: {  	_ =	shalt  }
0x6f: {  	_ =	shalt  }
0x70: {  	_ =	shalt  }
0x71: {  	_ =	shalt  }
0x72: {  	_ =	shalt  }
0x73: {  	_ =	shalt  }
0x74: {  	_ =	shalt  }
0x75: {  	_ =	shalt  }
0x76: {  	_ =	shalt  }
0x77: {  	_ =	shalt  }
0x78: {  	_ =	shalt  }
0x79: {  	_ =	shalt  }
0x7a: {  	_ =	shalt  }
0x7b: {  	_ =	shalt  }
0x7c: {  	_ =	shalt  }
0x7d: {  	_ =	shalt  }
0x7e: {  	_ =	shalt  }
0x7f: {  	_ =	shalt  }
0x80: {  	_ =	shalt  }
0x81: {  	_ =	shalt  }
0x82: {  	_ =	shalt  }
0x83: {  	_ =	shalt  }
0x84: {  	_ =	shalt  }
0x85: {  	_ =	shalt  }
0x86: {  	_ =	shalt  }
0x87: {  	_ =	shalt  }
.Lfunc_end0:
.L_simem_size_0:
called_computation_lowered:
.L_overlay_start_0:
0x88: {  	s2 =	sld [smem:$0x3FD9]  }
0x89: {  	s3 =	sld [smem:$0x3FFE];
	_ =	sdelay $0x1  }
0x8a: {  	s1 =	srdreg.scid  }
0x8b: {  	s0 =	sand.u32 $0x1, s1  }
0x8c: {  	s18 =	sshll.u32 s0, $0xA;
	s2 =	sadd.s32 s3, s2  }
0x8d: {  	s2 =	sadd.s32 s2, s18  }
0x8e: {  	[smem:$0x3FC4] =	sst s2  }
0x8f: {  	_ = 	snop  }
0x90: {  	s2 =	sld [smem:$0x3FC9]  }
0x91: {  	s19 =	sld [smem:$0x3FC8]  }
0x92: {  	s4 =	sld [smem:$0x3FC7]  }
0x93: {  	s5 =	sld [smem:$0x3FC6]  }
0x94: {  	s6 =	sld [smem:$0x3FD0];
	(tm) =	ssettm $0x1  }
0x95: {  	s7 =	sld [smem:$0x3FFB];
	_ =	sdelay $0x3  }
0x96: {  	_ =	strace s7  }
0x97: {  	s7 =	sld [smem:$0x3FFC];
	_ =	sdelay $0x3  }
0x98: {  	_ =	strace s7  }
0x99: {  	s7 =	sld [smem:$0x3FFD];
	_ =	sdelay $0x3  }
0x9a: {  	_ =	strace s7  }
0x9b: {  	_ =	strace $0x8FFFFFFF  }
0x9c: {  	s20 =	sld [smem:$0x3FDB];
	_ =	sdelay $0x1  }
0x9d: {  	s8 =	simm.s32 $_scs_section_size  }
0x9e: {  	s9 =	simm.s32 $_size__tile_overlayer_lowered;
	s10 =	simm.s32 $_tile_overlayer_lowered  }
0x9f: {  	s23 =	simm.s32 $0x1BFF;
	s22 =	sshll.u32 s10, $0x1;
	s7 =	sadd.s32 s8, s20  }
0xa0: {  	s11 =	simm.s32 $0x0;
	s21 =	sshll.u32 s9, $0x1;
	s9 =	sadd.s32 s22, s7  }
0xa1: {  	[timem:s11], [sflag:s23] =	dma.local [hbm:s9], s21  }
0xa2: {  	_ =	swait.ge [sflag:s23], s21  }
0xa3: {  	s8 =	ssub.s32 $0x0, s21;
	[sflag:s23] =	ssyncset.done $0x0  }
0xa4: {  	[sflag:s23] =	ssyncadd.s32 s8;
	_ =	sdelay $0x1  }
0xa5: {  	s24 =	simm.s32 $0x1B8B  }
0xa6: {  	_ =	swait.ge [sflag:s24], $0x1  }
0xa7: {  	[sflag:s24] =	ssyncset.done $0x0  }
0xa8: {  	s25 =	simm.s32 $0x1B8E;
	[sflag:s24] =	ssyncadd.s32 $0xFFFFFFFF  }
0xa9: {  	s26 =	simm.s32 $execute0_lowered;
	[smem:$0x3FD2] =	sst s25  }
0xaa: {  	s8 =	sshll.u32 s26, $0x1;
	_ =	strace $0x80000046;
	[dreg:$0x1] =	wrdreg $0xFFFFFFFF  }
0xab: {  	s28 =	simm.s32 $_size_execute0_lowered;
	s7 =	sadd.s32 s7, s8;
	[dreg:$0x0] =	wrdreg $0x0  }
0xac: {  	s8 =	sshll.u32 s28, $0x1;
	[dreg:$0x2] =	wrdreg s7  }
0xad: {  	[dreg:$0x3] =	wrdreg s8  }
0xae: {  	[dreg:$0x4] =	wrdreg $0xC0  }
0xaf: {  	_ =	task [dreg:s11], $0x5FFFF  }
0xb0: {  	[dreg:$0x1] =	wrdreg $0xFFFFFFFF  }
0xb1: {  	[dreg:$0x0] =	wrdreg $0x60  }
0xb2: {  	[dreg:$0x2] =	wrdreg s2  }
0xb3: {  	[dreg:$0x3] =	wrdreg s19  }
0xb4: {  	[dreg:$0x4] =	wrdreg s4  }
0xb5: {  	[dreg:$0x5] =	wrdreg s5  }
0xb6: {  	[dreg:$0x6] =	wrdreg s6  }
0xb7: {  	[dreg:$0x7] =	wrdreg $0x1A8800  }
0xb8: {  	[dreg:$0x8] =	wrdreg $0x9  }
0xb9: {  	_ =	task.clear_ibuf [dreg:s11], $0x9FFFF;
	_ =	strace $0x90000046  }
0xba: {  	s29 =	simm.s32 $0x9;
	_ =	strace $0x80000048  }
0xbb: {  	_ =	swait.ge [sflag:s29], $0x1  }
0xbc: {  	[sflag:s29] =	ssyncadd.s32 $0xFFFFFFFF  }
0xbd: {  	_ =	strace $0x90000048  }
0xbe: {  	_ =	sfence  }
0xbf: {  	s30 =	sld [smem:$0x0];
	_ =	sdelay $0x2  }
0xc0: {  	s31 =	sshll.u32 s1, $0xD;
	s1 =	sshrl.u32 s1, $0x2  }
0xc1: {  	s3 =	sand.u32 $0x4000, s31;
	s1 =	sadd.s32 s1, s30  }
0xc2: {  	s0 =	sor.u32 s3, s0;
	s1 =	sshll.u32 s1, $0x11  }
0xc3: {  	s0 =	sor.u32 s1, s0  }
0xc4: {  	s0 =	sadd.s32 $0x8F2B, s0  }
0xc5: {  	[sflag:s0] =	ssyncadd.remote.s32 $0x1  }
0xc6: {  	_ =	sfence.sel $0xFFFF  }
0xc7: {  	[dreg:$0x0] =	wrdreg $0xFFFFFFFF;
	(pc) =	sbr.abs _section_cstart, $3  }
0xc8: {  	[dreg:$0x1] =	wrdreg $0xFFFFFFFF  }
0xc9: {  	_ =	task.clear_ibuf [dreg:s11], $0x2FFFF;
	_ =	strace $0x9FFFFFFF  }
0xca: {  	(tm) =	ssettm $0x7FFFFFFF  }
0xcb: {  	_ =	shalt  }
tec
execute0_lowered:
.L_overlay_start_1:
0x0: {  	(tag) =	ssettag $0x1  }
0x1: {  	s1 =	rddreg [dreg:$0x0]  }
0x2: {  	s12 =	rddreg [dreg:$0x1]  }
0x3: {  	s0 =	rddreg [dreg:$0x2]  }
0x4: {  	s3 =	rddreg [dreg:$0x3]  }
0x5: {  	s4 =	rddreg [dreg:$0x4]  }
0x6: {  	s5 =	rddreg [dreg:$0x5];
	s2 =	srdreg.scid  }
0x7: {  	s7 =	simm.s32 $0x0;
	s8 =	stileid.u32;
	s14 =	stileid.u32  }
0x8: {  	[smem:$0x7FF] =	sst s7;
	s2 =	sand.u32 $0x1, s2;
	s8 =	sshll.u32 s8, $0xA  }
0x9: {  	s25 =	sshll.u32 s14, $0xD;
	s6 =	ssub.s32 $0x2, s2;
	s2 =	sshll.u32 s2, $0x9  }
0xa: {  	_ =	strace $0x80000047;
	s26 =	sadd.s32 s25, s5;
	s9 =	sshrl.u32 s6, $0x1  }
0xb: {  	s2 =	sor.u32 s2, s8;
	[dreg:$0xc] =	wrdreg s26;
	s6 =	ssub.s32 s6, s9  }
0xc: {  	s8 =	sshrl.u32 s2, $0x3;
	s18 =	sshll.u32 s2, $0x4;
	s10 =	sor.u32 $0x100, s2  }
0xd: {  	s13 =	sor.u32 $0x180, s2;
	s31 =	sor.u32 $0x10, s2;
	s15 =	sor.u32 $0x40, s2  }
0xe: {  	s16 =	sor.u32 $0x50, s2;
	s17 =	sor.u32 $0x60, s2;
	s25 =	sor.u32 $0xF0, s2  }
0xf: {  	s9 =	sor.u32 $0x110, s2;
	s26 =	sor.u32 $0x120, s2;
	s28 =	sor.u32 $0x130, s2  }
0x10: {  	s29 =	sor.u32 $0x150, s2;
	s30 =	sor.u32 $0x160, s2;
	[dreg:$0xd] =	wrdreg s6  }
0x11: {  	s0 =	sadd.s32 s0, s8;
	s19 =	sadd.s32 s4, s18;
	s8 =	sor.u32 $0x80, s2  }
0x12: {  	v0 =	vlaneseq.u32;
	s22 =	sshll.u32 s10, $0x4;
	s11 =	sshll.u32 s13, $0x4;
	s6 =	sor.u32 $0x30, s2  }
0x13: {  	s18 =	sor.u32 $0x70, s2;
	v1 =	vor.u32 s31, v0;
	v4 =	vor.u32 s15, v0;
	s31 =	sor.u32 $0x170, s2;
	s15 =	simm.s32 $0x6080  }
0x14: {  	v5 =	vor.u32 s16, v0;
	v6 =	vor.u32 s17, v0;
	v16 =	vor.u32 s25, v0;
	s16 =	simm.s32 $0x1;
	s17 =	simm.s32 $0x80;
	s25 =	simm.s32 $0x2  }
0x15: {  	v19 =	vor.u32 s26, v0;
	v20 =	vor.u32 s28, v0;
	s26 =	simm.s32 $0x4080;
	s28 =	simm.s32 $0x3;
	[dreg:$0x7] =	wrdreg s0  }
0x16: {  	v22 =	vor.u32 s29, v0;
	v23 =	vor.u32 s30, v0;
	s29 =	simm.s32 $0x16880;
	s30 =	simm.s32 $0x0;
	[dreg:$0x8] =	wrdreg s19  }
0x17: {  	s20 =	sshll.u32 s8, $0x4;
	s23 =	sadd.s32 s4, s22;
	s24 =	sadd.s32 s4, s11  }
0x18: {  	s0 =	sor.u32 $0x20, s2;
	s19 =	sor.u32 $0x90, s2;
	s22 =	sor.u32 $0xC0, s2  }
0x19: {  	v3 =	vor.u32 s6, v0;
	s11 =	sor.u32 $0x140, s2;
	v7 =	vor.u32 s18, v0;
	s18 =	sor.u32 $0x190, s2;
	s6 =	sor.u32 $0x1A0, s2  }
0x1a: {  	v8 =	vor.u32 s8, v0;
	s8 =	sor.u32 $0x1B0, s2;
	s21 =	sadd.s32 s4, s20;
	[dreg:$0xa] =	wrdreg s23  }
0x1b: {  	[dreg:$0xb] =	wrdreg s24;
	s20 =	sor.u32 $0xA0, s2;
	s23 =	sor.u32 $0xD0, s2  }
0x1c: {  	s24 =	sor.u32 $0xE0, s2;
	[dreg:$0xe] =	wrdreg s18;
	v9 =	vor.u32 s19, v0;
	s19 =	sor.u32 $0x1C0, s2  }
0x1d: {  	v2 =	vor.u32 s0, v0;
	v12 =	vor.u32 s22, v0;
	s0 =	sor.u32 $0x1E0, s2;
	s22 =	rddreg [dreg:$0xd];
	s18 =	simm.s32 $0x6480  }
0x1e: {  	v21 =	vor.u32 s11, v0;
	v27 =	vor.u32 s6, v0;
	s11 =	simm.s32 $0x6280;
	s6 =	simm.s32 $0x16480;
	[dreg:$0x9] =	wrdreg s21  }
0x1f: {  	v34 =	vimm.s32 $0x0;
	s21 =	sor.u32 $0xB0, s2;
	v10 =	vor.u32 s20, v0;
	[dreg:$0xf] =	wrdreg s19;
	s20 =	sor.u32 $0x1D0, s2  }
.Ltmp0:
0x20: {  	v13 =	vor.u32 s2, v0;
	v17 =	vor.u32 s10, v0;
	v24 =	vor.u32 s31, v0;
	s2 =	sor.u32 $0x1F0, s2;
	s31 =	rddreg [dreg:$0xe];
	(pc) =	sbr.rel .LBB2_1-.Ltmp0, $4  }
0x21: {  	v18 =	vor.u32 s9, v0;
	v25 =	vor.u32 s13, v0;
	v28 =	vor.u32 s8, v0;
	s14 =	smax.u32 s22, $0x1;
	s19 =	simm.s32 $0x6100;
	[dreg:$0x10] =	wrdreg s20  }
0x22: {  	v14 =	vor.u32 s23, v0;
	v15 =	vor.u32 s24, v0;
	s22 =	simm.s32 $0xE480;
	s23 =	simm.s32 $0x6200;
	v31 =	vor.u32 s0, v0;
	s10 =	rddreg [dreg:$0xf]  }
0x23: {  	s24 =	simm.s32 $0x12480;
	v11 =	vor.u32 s21, v0;
	v26 =	vor.u32 s31, v0;
	v32 =	vor.u32 s2, v0;
	s31 =	stileid.u32;
	s13 =	rddreg [dreg:$0x10]  }
0x24: {  	s20 =	simm.s32 $0xA480;
	s21 =	simm.s32 $0x6180;
	s2 =	simm.s32 $0x16680;
	v29 =	vor.u32 s10, v0;
	v33 =	vmov s31;
	v30 =	vor.u32 s13, v0  }
.LBB2_16:
0x25: {  	[sflag:s28] =	ssyncadd.s32 $0xFFFFC000  }
.LBB2_17:
0x26: {  	s30 =	sadd.s32 $0x1, s30  }
0x27: {  	p0 =	sne.s32 s30, s14  }
.Ltmp1:
0x28: {  	_ = 	snop;
	(pc) =	sbr.rel @!p0 .LBB2_18-.Ltmp1, $1  }
0x29: {  	_ =	sdelay $0x3  }
.LBB2_1:
0x2a: {  	[tilespmem:s7], [sflag:$0x2] =	stream.linear.gather [hbm4b:s12+s7], $0x4000, $0x38;
	[tilespmem:$0x1C880] =	vst v63  }
0x2b: {  	s0 =	rddreg [dreg:$0x7]  }
0x2c: {  	[tilespmem:s15], [sflag:$0x1] =	stream.linear.gather [hbm4b:s0+s7], $0x200, $0x38;
	[tilespmem:$0x1C880] =	vst v63  }
0x2d: {  	s0 =	simm.s32 $0x40C0  }
0x2e: {  	[tilespmem:s0+$0xFFFFFFC0] =	vst v34  }
0x2f: {  	[tilespmem:s0+$0x30] =	vst v34  }
0x30: {  	[tilespmem:s0+$0x20] =	vst v34  }
0x31: {  	[tilespmem:s0+$0x10] =	vst v34  }
0x32: {  	[tilespmem:s0+$0x0] =	vst v34  }
0x33: {  	[tilespmem:s0+$0xFFFFFFF0] =	vst v34  }
0x34: {  	s8 =	simm.s32 $0x0;
	[tilespmem:s0+$0xFFFFFFE0] =	vst v34  }
.LBB2_2:
0x35: {  	s8 =	sadd.s32 $0x8, s8;
	[tilespmem:s0+$0xFFFFFFD0] =	vst v34;
	s0 =	sadd.s32 $0x80, s0  }
0x36: {  	[tilespmem:s0+$0xFFFFFFC0] =	vst v34;
	p0 =	slt.u32 s8, $0x1F8  }
0x37: {  	[tilespmem:s0+$0x30] =	vst v34  }
.Ltmp2:
0x38: {  	[tilespmem:s0+$0x20] =	vst v34;
	(pc) =	sbr.rel @p0 .LBB2_2-.Ltmp2, $4  }
0x39: {  	[tilespmem:s0+$0x10] =	vst v34  }
0x3a: {  	[tilespmem:s0+$0x0] =	vst v34  }
0x3b: {  	[tilespmem:s0+$0xFFFFFFF0] =	vst v34  }
0x3c: {  	[tilespmem:s0+$0xFFFFFFE0] =	vst v34  }
0x3d: {  	[tilespmem:s0+$0xFFFFFFD0] =	vst v34  }
0x3e: {  	_ =	swait.ge [sflag:s16], $0x200  }
0x3f: {  	[sflag:s16] =	ssyncset.done $0x0  }
0x40: {  	[sflag:s16] =	ssyncadd.s32 $0xFFFFFE00  }
0x41: {  	[tilespmem:s18], [sflag:$0x1] =	stream.indirect.gather [hbm4b:s3+s17], $0x80, s15, s17, $0xb8;
	[tilespmem:$0x1C880] =	vst v63  }
0x42: {  	_ = 	snop  }
0x43: {  	[tilespmem:s20], [sflag:$0x1] =	stream.indirect.gather [hbm4b:s3+s17], $0x80, s19, s17, $0xb8;
	[tilespmem:$0x1C880] =	vst v63  }
0x44: {  	_ = 	snop  }
0x45: {  	[tilespmem:s22], [sflag:$0x1] =	stream.indirect.gather [hbm4b:s3+s17], $0x80, s21, s17, $0xb8;
	[tilespmem:$0x1C880] =	vst v63  }
0x46: {  	_ = 	snop  }
0x47: {  	[tilespmem:s24], [sflag:$0x1] =	stream.indirect.gather [hbm4b:s3+s17], $0x80, s23, s17, $0xb8;
	[tilespmem:$0x1C880] =	vst v63  }
0x48: {  	_ =	swait.ge [sflag:s25], $0x4000  }
0x49: {  	[sflag:s25] =	ssyncset.done $0x0  }
0x4a: {  	[sflag:s25] =	ssyncadd.s32 $0xFFFFC000  }
0x4b: {  	s31 =	simm.s32 $0xFFFFFFF8;
	s0 =	simm.s32 $0x71;
	s8 =	simm.s32 $0x40;
	v35 =	vld [tilespmem:$0x0]  }
.LBB2_4:
0x4c: {  	v36 =	vld [tilespmem:s8+$0xFFFFFFD0];
	_ =	sdelay $0x3  }
0x4d: {  	v37 =	vshra.s32 v35, $0xD  }
0x4e: {  	vm0 =	veq.s32 v37, v33;
	v49 =	vshra.s32 v36, $0xD  }
0x4f: {  	v48 =	vand.u32 $0x1FFF, v35;
	vm1 =	veq.s32 v49, v33  }
0x50: {  	v36 =	vand.u32 $0x1FFF, v36;
	_ =	sdelay $0x1  }
0x51: {  	s9 =	sadd.s32 $0xFFFFFF90, s0  }
0x52: {  	s10 =	sadd.s32 $0xFFFFFFA0, s0;
	v50 =	vadd.s32 s9, v0  }
0x53: {  	v51 =	vadd.s32 s10, v0;
	[tilespmem:v48+s26+$0x0] =	vst.idx.msk vm0, v50  }
0x54: {  	v35 =	vld [tilespmem:s8+$0xFFFFFFE0];
	[tilespmem:v36+s26+$0x0] =	vst.idx.msk vm1, v51  }
0x55: {  	v36 =	vld [tilespmem:s8+$0xFFFFFFF0];
	_ =	sdelay $0x3  }
0x56: {  	v52 =	vshra.s32 v35, $0xD  }
0x57: {  	vm10 =	veq.s32 v52, v33;
	v53 =	vshra.s32 v36, $0xD  }
0x58: {  	v35 =	vand.u32 $0x1FFF, v35;
	vm11 =	veq.s32 v53, v33  }
0x59: {  	v36 =	vand.u32 $0x1FFF, v36;
	_ =	sdelay $0x1  }
0x5a: {  	s13 =	sadd.s32 $0xFFFFFFB0, s0  }
0x5b: {  	v54 =	vadd.s32 s13, v0;
	s10 =	sadd.s32 $0xFFFFFFC0, s0  }
0x5c: {  	v55 =	vadd.s32 s10, v0;
	[tilespmem:v35+s26+$0x0] =	vst.idx.msk vm10, v54  }
0x5d: {  	v35 =	vld [tilespmem:s8+$0x0];
	[tilespmem:v36+s26+$0x0] =	vst.idx.msk vm11, v55  }
0x5e: {  	v36 =	vld [tilespmem:s8+$0x10];
	_ =	sdelay $0x3  }
0x5f: {  	v56 =	vshra.s32 v35, $0xD  }
0x60: {  	vm12 =	veq.s32 v56, v33;
	v57 =	vshra.s32 v36, $0xD  }
0x61: {  	v35 =	vand.u32 $0x1FFF, v35;
	vm13 =	veq.s32 v57, v33  }
0x62: {  	v36 =	vand.u32 $0x1FFF, v36;
	_ =	sdelay $0x1  }
0x63: {  	s13 =	sadd.s32 $0xFFFFFFD0, s0  }
0x64: {  	v58 =	vadd.s32 s13, v0;
	s10 =	sadd.s32 $0xFFFFFFE0, s0  }
0x65: {  	v59 =	vadd.s32 s10, v0;
	[tilespmem:v35+s26+$0x0] =	vst.idx.msk vm12, v58  }
0x66: {  	v35 =	vld [tilespmem:s8+$0x20];
	[tilespmem:v36+s26+$0x0] =	vst.idx.msk vm13, v59  }
0x67: {  	v36 =	vld [tilespmem:s8+$0x30];
	_ =	sdelay $0x3  }
0x68: {  	v60 =	vshra.s32 v35, $0xD  }
0x69: {  	vm14 =	veq.s32 v60, v33;
	v61 =	vshra.s32 v36, $0xD  }
0x6a: {  	s31 =	sadd.s32 $0x8, s31;
	v35 =	vand.u32 $0x1FFF, v35;
	vm15 =	veq.s32 v61, v33  }
0x6b: {  	p0 =	slt.u32 s31, $0x3F8;
	v36 =	vand.u32 $0x1FFF, v36  }
.Ltmp3:
0x6c: {  	_ = 	snop;
	(pc) =	sbr.rel @p0 .LBB2_4-.Ltmp3, $4  }
0x6d: {  	s13 =	sadd.s32 $0xFFFFFFF0, s0  }
0x6e: {  	v62 =	vadd.s32 s13, v0  }
0x6f: {  	v63 =	vadd.s32 s0, v0;
	[tilespmem:v35+s26+$0x0] =	vst.idx.msk vm14, v62  }
0x70: {  	s0 =	sadd.s32 $0x80, s0;
	v35 =	vld [tilespmem:s8+$0x40];
	[tilespmem:v36+s26+$0x0] =	vst.idx.msk vm15, v63;
	s8 =	sadd.s32 $0x80, s8  }
0x71: {  	_ =	swait.ge [sflag:s16], $0x4000  }
0x72: {  	[sflag:s16] =	ssyncset.done $0x0  }
0x73: {  	s0 =	rddreg [dreg:$0x8];
	[sflag:s16] =	ssyncadd.s32 $0xFFFFC000  }
0x74: {  	[hbm4b:s0+s7] =	stream.linear.scatter [tilespmem:s18], [sflag:$0x1], $0x4000, $0x38;
	[tilespmem:$0x1C880] =	vst v63  }
0x75: {  	_ =	swait.ge [sflag:s16], $0x4000  }
0x76: {  	[sflag:s16] =	ssyncset.done $0x0  }
0x77: {  	s8 =	rddreg [dreg:$0x9];
	[sflag:s16] =	ssyncadd.s32 $0xFFFFC000  }
0x78: {  	[hbm4b:s8+s7] =	stream.linear.scatter [tilespmem:s20], [sflag:$0x1], $0x4000, $0x38;
	[tilespmem:$0x1C880] =	vst v63  }
0x79: {  	_ =	swait.ge [sflag:s16], $0x4000  }
0x7a: {  	[sflag:s16] =	ssyncset.done $0x0  }
0x7b: {  	s9 =	rddreg [dreg:$0xa];
	[sflag:s16] =	ssyncadd.s32 $0xFFFFC000  }
0x7c: {  	[hbm4b:s9+s7] =	stream.linear.scatter [tilespmem:s22], [sflag:$0x1], $0x4000, $0x38;
	[tilespmem:$0x1C880] =	vst v63  }
0x7d: {  	_ =	swait.ge [sflag:s16], $0x4000  }
0x7e: {  	[sflag:s16] =	ssyncset.done $0x0  }
0x7f: {  	s10 =	rddreg [dreg:$0xb];
	[sflag:s16] =	ssyncadd.s32 $0xFFFFC000  }
0x80: {  	[hbm4b:s10+s7] =	stream.linear.scatter [tilespmem:s24], [sflag:$0x1], $0x4000, $0x38;
	[tilespmem:$0x1C880] =	vst v63  }
0x81: {  	s13 =	rddreg [dreg:$0xc]  }
0x82: {  	[spmem:s13] =	stream.linear.scatter [tilespmem:s26], [sflag:$0x3], $0x2000, $0x38;
	[tilespmem:$0x1C880] =	vst v63  }
0x83: {  	_ =	swait.ge [sflag:s28], $0x2000  }
0x84: {  	[sflag:s28] =	ssyncset.done $0x0  }
0x85: {  	[sflag:s28] =	ssyncadd.s32 $0xFFFFE000  }
0x86: {  	[bflag:$0x0] =	sbarrier.arrive $0xFFFF  }
0x87: {  	[tilespmem:s11], [sflag:$0x2] =	stream.indirect.gather [spmem:s5], $0x1, s15, s17, $0xb8;
	[tilespmem:$0x1C880] =	vst v63  }
0x88: {  	s8 =	simm.s32 $0x6300  }
0x89: {  	[tilespmem:s8], [sflag:$0x2] =	stream.indirect.gather [spmem:s5], $0x1, s19, s17, $0xb8;
	[tilespmem:$0x1C880] =	vst v63  }
0x8a: {  	s9 =	simm.s32 $0x6380  }
0x8b: {  	[tilespmem:s9], [sflag:$0x2] =	stream.indirect.gather [spmem:s5], $0x1, s21, s17, $0xb8;
	[tilespmem:$0x1C880] =	vst v63  }
0x8c: {  	s10 =	simm.s32 $0x6400  }
0x8d: {  	[tilespmem:s10], [sflag:$0x2] =	stream.indirect.gather [spmem:s5], $0x1, s23, s17, $0xb8;
	[tilespmem:$0x1C880] =	vst v63  }
0x8e: {  	_ =	swait.ge [sflag:s25], $0x80  }
0x8f: {  	[sflag:s25] =	ssyncset.done $0x0  }
0x90: {  	[sflag:s25] =	ssyncadd.s32 $0xFFFFFF80  }
0x91: {  	_ =	swait.ge [sflag:s25], $0x80  }
0x92: {  	[sflag:s25] =	ssyncset.done $0x0  }
0x93: {  	[sflag:s25] =	ssyncadd.s32 $0xFFFFFF80  }
0x94: {  	_ =	swait.ge [sflag:s25], $0x80  }
0x95: {  	[sflag:s25] =	ssyncset.done $0x0  }
0x96: {  	[sflag:s25] =	ssyncadd.s32 $0xFFFFFF80  }
0x97: {  	_ =	swait.ge [sflag:s25], $0x80  }
0x98: {  	[sflag:s25] =	ssyncset.done $0x0  }
0x99: {  	[sflag:s25] =	ssyncadd.s32 $0xFFFFFF80  }
0x9a: {  	v35 =	vld [tilespmem:$0x6280];
	_ =	sdelay $0x4  }
0x9b: {  	vm0 =	vgt.s32 v35, $0x0  }
0x9c: {  	v36 =	vsel vm0, $0x1, v34  }
0x9d: {  	(xrf0) =	vadd.scan.msk.s32 $0xffff, v36;
	_ =	sdelay $0x5  }
0x9e: {  	v36, _, _ =	vpop (xrf0)  }
0x9f: {  	v37 =	vadd.s32 $0xFFFFFFFF, v36  }
0xa0: {  	vm1 =	vgt.s32 v37, $0x0  }
0xa1: {  	v38 =	vnsel vm1, $0x0, v37;
	_ =	sdelay $0x3  }
0xa2: {  	v35 =	vadd.s32 $0xFFFFFFFF, v35  }
0xa3: {  	[tilespmem:v38+s6+$0x0] =	vst.idx.msk vm0, v35  }
0xa4: {  	[tilespmem:v38+s2+$0x0] =	vst.idx.msk vm0, v13  }
0xa5: {  	v35 =	vld [tilespmem:$0x6290];
	_ =	sdelay $0x4  }
0xa6: {  	vm14 =	vgt.s32 v35, $0x0  }
0xa7: {  	v45 =	vsel vm14, $0x1, v34  }
0xa8: {  	(xrf0) =	vadd.scan.msk.s32 $0xffff, v45;
	_ =	sdelay $0x4  }
0xa9: {  	v37 =	vbroadcast v37, $0xF  }
0xaa: {  	v38, _, _ =	vpop (xrf0)  }
0xab: {  	v37 =	vadd.s32 v38, v37  }
0xac: {  	(v2sf) =	vpush v36, $0xF;
	vm15 =	vgt.s32 v37, $0x0  }
0xad: {  	(v2sf) =	vpush v38, $0xF;
	v46 =	vnsel vm15, $0x0, v37;
	_ =	sdelay $0x3  }
0xae: {  	v35 =	vadd.s32 $0xFFFFFFFF, v35  }
0xaf: {  	[tilespmem:v46+s6+$0x0] =	vst.idx.msk vm14, v35  }
0xb0: {  	[tilespmem:v46+s2+$0x0] =	vst.idx.msk vm14, v1  }
0xb1: {  	v35 =	vld [tilespmem:$0x62A0];
	_ =	sdelay $0x4  }
0xb2: {  	vm4 =	vgt.s32 v35, $0x0  }
0xb3: {  	v47 =	vsel vm4, $0x1, v34  }
0xb4: {  	s13 =	spop (v2sf);
	(xrf0) =	vadd.scan.msk.s32 $0xffff, v47  }
0xb5: {  	s8 =	spop (v2sf)  }
0xb6: {  	s0 =	sadd.s32 s13, s8  }
0xb7: {  	v48 =	vmov s0  }
0xb8: {  	v36 =	vadd.s32 $0xFFFFFFFF, v48  }
0xb9: {  	v36 =	vbroadcast v36, $0x0  }
0xba: {  	v49, _, _ =	vpop (xrf0)  }
0xbb: {  	v36 =	vadd.s32 v49, v36  }
0xbc: {  	vm5 =	vgt.s32 v36, $0x0  }
0xbd: {  	(v2sf) =	vpush v49, $0xF;
	v36 =	vnsel vm5, $0x0, v36;
	_ =	sdelay $0x3  }
0xbe: {  	v35 =	vadd.s32 $0xFFFFFFFF, v35  }
0xbf: {  	[tilespmem:v36+s6+$0x0] =	vst.idx.msk vm4, v35  }
0xc0: {  	[tilespmem:v36+s2+$0x0] =	vst.idx.msk vm4, v2  }
0xc1: {  	v35 =	vld [tilespmem:$0x62B0];
	_ =	sdelay $0x4  }
0xc2: {  	vm6 =	vgt.s32 v35, $0x0  }
0xc3: {  	v50 =	vsel vm6, $0x1, v34  }
0xc4: {  	(xrf0) =	vadd.scan.msk.s32 $0xffff, v50  }
0xc5: {  	s9 =	spop (v2sf)  }
0xc6: {  	s0 =	sadd.s32 s0, s9  }
0xc7: {  	v51 =	vmov s0  }
0xc8: {  	v36 =	vadd.s32 $0xFFFFFFFF, v51  }
0xc9: {  	v36 =	vbroadcast v36, $0x0  }
0xca: {  	v52, _, _ =	vpop (xrf0)  }
0xcb: {  	v36 =	vadd.s32 v52, v36  }
0xcc: {  	vm7 =	vgt.s32 v36, $0x0  }
0xcd: {  	(v2sf) =	vpush v52, $0xF;
	v36 =	vnsel vm7, $0x0, v36;
	_ =	sdelay $0x3  }
0xce: {  	v35 =	vadd.s32 $0xFFFFFFFF, v35  }
0xcf: {  	[tilespmem:v36+s6+$0x0] =	vst.idx.msk vm6, v35  }
0xd0: {  	[tilespmem:v36+s2+$0x0] =	vst.idx.msk vm6, v3  }
0xd1: {  	v35 =	vld [tilespmem:$0x62C0];
	_ =	sdelay $0x4  }
0xd2: {  	vm8 =	vgt.s32 v35, $0x0  }
0xd3: {  	v53 =	vsel vm8, $0x1, v34  }
0xd4: {  	(xrf0) =	vadd.scan.msk.s32 $0xffff, v53  }
0xd5: {  	s10 =	spop (v2sf)  }
0xd6: {  	s0 =	sadd.s32 s0, s10  }
0xd7: {  	v54 =	vmov s0  }
0xd8: {  	v36 =	vadd.s32 $0xFFFFFFFF, v54  }
0xd9: {  	v36 =	vbroadcast v36, $0x0  }
0xda: {  	v55, _, _ =	vpop (xrf0)  }
0xdb: {  	v36 =	vadd.s32 v55, v36  }
0xdc: {  	vm9 =	vgt.s32 v36, $0x0  }
0xdd: {  	(v2sf) =	vpush v55, $0xF;
	v36 =	vnsel vm9, $0x0, v36;
	_ =	sdelay $0x3  }
0xde: {  	v35 =	vadd.s32 $0xFFFFFFFF, v35  }
0xdf: {  	[tilespmem:v36+s6+$0x0] =	vst.idx.msk vm8, v35  }
0xe0: {  	[tilespmem:v36+s2+$0x0] =	vst.idx.msk vm8, v4  }
0xe1: {  	v35 =	vld [tilespmem:$0x62D0];
	_ =	sdelay $0x4  }
0xe2: {  	vm10 =	vgt.s32 v35, $0x0  }
0xe3: {  	v56 =	vsel vm10, $0x1, v34  }
0xe4: {  	(xrf0) =	vadd.scan.msk.s32 $0xffff, v56  }
0xe5: {  	s13 =	spop (v2sf)  }
0xe6: {  	s0 =	sadd.s32 s0, s13  }
0xe7: {  	v57 =	vmov s0  }
0xe8: {  	v36 =	vadd.s32 $0xFFFFFFFF, v57  }
0xe9: {  	v36 =	vbroadcast v36, $0x0  }
0xea: {  	v58, _, _ =	vpop (xrf0)  }
0xeb: {  	v36 =	vadd.s32 v58, v36  }
0xec: {  	vm11 =	vgt.s32 v36, $0x0  }
0xed: {  	(v2sf) =	vpush v58, $0xF;
	v36 =	vnsel vm11, $0x0, v36;
	_ =	sdelay $0x3  }
0xee: {  	v35 =	vadd.s32 $0xFFFFFFFF, v35  }
0xef: {  	[tilespmem:v36+s6+$0x0] =	vst.idx.msk vm10, v35  }
0xf0: {  	[tilespmem:v36+s2+$0x0] =	vst.idx.msk vm10, v5  }
0xf1: {  	v35 =	vld [tilespmem:$0x62E0];
	_ =	sdelay $0x4  }
0xf2: {  	vm12 =	vgt.s32 v35, $0x0  }
0xf3: {  	v59 =	vsel vm12, $0x1, v34  }
0xf4: {  	(xrf0) =	vadd.scan.msk.s32 $0xffff, v59  }
0xf5: {  	s9 =	spop (v2sf)  }
0xf6: {  	s0 =	sadd.s32 s0, s9  }
0xf7: {  	v60 =	vmov s0  }
0xf8: {  	v36 =	vadd.s32 $0xFFFFFFFF, v60  }
0xf9: {  	v36 =	vbroadcast v36, $0x0  }
0xfa: {  	v61, _, _ =	vpop (xrf0)  }
0xfb: {  	v36 =	vadd.s32 v61, v36  }
0xfc: {  	vm13 =	vgt.s32 v36, $0x0  }
0xfd: {  	(v2sf) =	vpush v61, $0xF;
	v36 =	vnsel vm13, $0x0, v36;
	_ =	sdelay $0x3  }
0xfe: {  	v35 =	vadd.s32 $0xFFFFFFFF, v35  }
0xff: {  	[tilespmem:v36+s6+$0x0] =	vst.idx.msk vm12, v35  }
0x100: {  	[tilespmem:v36+s2+$0x0] =	vst.idx.msk vm12, v6  }
0x101: {  	v35 =	vld [tilespmem:$0x62F0];
	_ =	sdelay $0x4  }
0x102: {  	vm14 =	vgt.s32 v35, $0x0  }
0x103: {  	v62 =	vsel vm14, $0x1, v34  }
0x104: {  	(xrf0) =	vadd.scan.msk.s32 $0xffff, v62  }
0x105: {  	s10 =	spop (v2sf)  }
0x106: {  	s0 =	sadd.s32 s0, s10  }
0x107: {  	v63 =	vmov s0  }
0x108: {  	v36 =	vadd.s32 $0xFFFFFFFF, v63  }
0x109: {  	v36 =	vbroadcast v36, $0x0  }
0x10a: {  	v40, _, _ =	vpop (xrf0)  }
0x10b: {  	v36 =	vadd.s32 v40, v36  }
0x10c: {  	vm15 =	vgt.s32 v36, $0x0  }
0x10d: {  	(v2sf) =	vpush v40, $0xF;
	v36 =	vnsel vm15, $0x0, v36;
	_ =	sdelay $0x3  }
0x10e: {  	v35 =	vadd.s32 $0xFFFFFFFF, v35  }
0x10f: {  	[tilespmem:v36+s6+$0x0] =	vst.idx.msk vm14, v35  }
0x110: {  	[tilespmem:v36+s2+$0x0] =	vst.idx.msk vm14, v7  }
0x111: {  	v35 =	vld [tilespmem:$0x6300];
	_ =	sdelay $0x4  }
0x112: {  	vm4 =	vgt.s32 v35, $0x0  }
0x113: {  	v41 =	vsel vm4, $0x1, v34  }
0x114: {  	(xrf0) =	vadd.scan.msk.s32 $0xffff, v41  }
0x115: {  	s13 =	spop (v2sf)  }
0x116: {  	s0 =	sadd.s32 s0, s13  }
0x117: {  	v42 =	vmov s0  }
0x118: {  	v36 =	vadd.s32 $0xFFFFFFFF, v42  }
0x119: {  	v36 =	vbroadcast v36, $0x0  }
0x11a: {  	v43, _, _ =	vpop (xrf0)  }
0x11b: {  	v36 =	vadd.s32 v43, v36  }
0x11c: {  	vm5 =	vgt.s32 v36, $0x0  }
0x11d: {  	(v2sf) =	vpush v43, $0xF;
	v36 =	vnsel vm5, $0x0, v36;
	_ =	sdelay $0x3  }
0x11e: {  	v35 =	vadd.s32 $0xFFFFFFFF, v35  }
0x11f: {  	[tilespmem:v36+s6+$0x0] =	vst.idx.msk vm4, v35  }
0x120: {  	[tilespmem:v36+s2+$0x0] =	vst.idx.msk vm4, v8  }
0x121: {  	v35 =	vld [tilespmem:$0x6310];
	_ =	sdelay $0x4  }
0x122: {  	vm6 =	vgt.s32 v35, $0x0  }
0x123: {  	v44 =	vsel vm6, $0x1, v34  }
0x124: {  	(xrf0) =	vadd.scan.msk.s32 $0xffff, v44  }
0x125: {  	s9 =	spop (v2sf)  }
0x126: {  	s0 =	sadd.s32 s0, s9  }
0x127: {  	v45 =	vmov s0  }
0x128: {  	v36 =	vadd.s32 $0xFFFFFFFF, v45  }
0x129: {  	v36 =	vbroadcast v36, $0x0  }
0x12a: {  	v46, _, _ =	vpop (xrf0)  }
0x12b: {  	v36 =	vadd.s32 v46, v36  }
0x12c: {  	vm7 =	vgt.s32 v36, $0x0  }
0x12d: {  	(v2sf) =	vpush v46, $0xF;
	v36 =	vnsel vm7, $0x0, v36;
	_ =	sdelay $0x3  }
0x12e: {  	v35 =	vadd.s32 $0xFFFFFFFF, v35  }
0x12f: {  	[tilespmem:v36+s6+$0x0] =	vst.idx.msk vm6, v35  }
0x130: {  	[tilespmem:v36+s2+$0x0] =	vst.idx.msk vm6, v9  }
0x131: {  	v35 =	vld [tilespmem:$0x6320];
	_ =	sdelay $0x4  }
0x132: {  	vm8 =	vgt.s32 v35, $0x0  }
0x133: {  	v47 =	vsel vm8, $0x1, v34  }
0x134: {  	(xrf0) =	vadd.scan.msk.s32 $0xffff, v47  }
0x135: {  	s10 =	spop (v2sf)  }
0x136: {  	s0 =	sadd.s32 s0, s10  }
0x137: {  	v48 =	vmov s0  }
0x138: {  	v36 =	vadd.s32 $0xFFFFFFFF, v48  }
0x139: {  	v36 =	vbroadcast v36, $0x0  }
0x13a: {  	v49, _, _ =	vpop (xrf0)  }
0x13b: {  	v36 =	vadd.s32 v49, v36  }
0x13c: {  	vm9 =	vgt.s32 v36, $0x0  }
0x13d: {  	(v2sf) =	vpush v49, $0xF;
	v36 =	vnsel vm9, $0x0, v36;
	_ =	sdelay $0x3  }
0x13e: {  	v35 =	vadd.s32 $0xFFFFFFFF, v35  }
0x13f: {  	[tilespmem:v36+s6+$0x0] =	vst.idx.msk vm8, v35  }
0x140: {  	[tilespmem:v36+s2+$0x0] =	vst.idx.msk vm8, v10  }
0x141: {  	v35 =	vld [tilespmem:$0x6330];
	_ =	sdelay $0x4  }
0x142: {  	vm10 =	vgt.s32 v35, $0x0  }
0x143: {  	v50 =	vsel vm10, $0x1, v34  }
0x144: {  	(xrf0) =	vadd.scan.msk.s32 $0xffff, v50  }
0x145: {  	s13 =	spop (v2sf)  }
0x146: {  	s0 =	sadd.s32 s0, s13  }
0x147: {  	v51 =	vmov s0  }
0x148: {  	v36 =	vadd.s32 $0xFFFFFFFF, v51  }
0x149: {  	v36 =	vbroadcast v36, $0x0  }
0x14a: {  	v52, _, _ =	vpop (xrf0)  }
0x14b: {  	v36 =	vadd.s32 v52, v36  }
0x14c: {  	vm11 =	vgt.s32 v36, $0x0  }
0x14d: {  	(v2sf) =	vpush v52, $0xF;
	v36 =	vnsel vm11, $0x0, v36;
	_ =	sdelay $0x3  }
0x14e: {  	v35 =	vadd.s32 $0xFFFFFFFF, v35  }
0x14f: {  	[tilespmem:v36+s6+$0x0] =	vst.idx.msk vm10, v35  }
0x150: {  	[tilespmem:v36+s2+$0x0] =	vst.idx.msk vm10, v11  }
0x151: {  	v35 =	vld [tilespmem:$0x6340];
	_ =	sdelay $0x4  }
0x152: {  	vm12 =	vgt.s32 v35, $0x0  }
0x153: {  	v53 =	vsel vm12, $0x1, v34  }
0x154: {  	(xrf0) =	vadd.scan.msk.s32 $0xffff, v53  }
0x155: {  	s9 =	spop (v2sf)  }
0x156: {  	s0 =	sadd.s32 s0, s9  }
0x157: {  	v54 =	vmov s0  }
0x158: {  	v36 =	vadd.s32 $0xFFFFFFFF, v54  }
0x159: {  	v36 =	vbroadcast v36, $0x0  }
0x15a: {  	v55, _, _ =	vpop (xrf0)  }
0x15b: {  	v36 =	vadd.s32 v55, v36  }
0x15c: {  	vm13 =	vgt.s32 v36, $0x0  }
0x15d: {  	(v2sf) =	vpush v55, $0xF;
	v36 =	vnsel vm13, $0x0, v36;
	_ =	sdelay $0x3  }
0x15e: {  	v35 =	vadd.s32 $0xFFFFFFFF, v35  }
0x15f: {  	[tilespmem:v36+s6+$0x0] =	vst.idx.msk vm12, v35  }
0x160: {  	[tilespmem:v36+s2+$0x0] =	vst.idx.msk vm12, v12  }
0x161: {  	v35 =	vld [tilespmem:$0x6350];
	_ =	sdelay $0x4  }
0x162: {  	vm14 =	vgt.s32 v35, $0x0  }
0x163: {  	v56 =	vsel vm14, $0x1, v34  }
0x164: {  	(xrf0) =	vadd.scan.msk.s32 $0xffff, v56  }
0x165: {  	s10 =	spop (v2sf)  }
0x166: {  	s0 =	sadd.s32 s0, s10  }
0x167: {  	v57 =	vmov s0  }
0x168: {  	v36 =	vadd.s32 $0xFFFFFFFF, v57  }
0x169: {  	v36 =	vbroadcast v36, $0x0  }
0x16a: {  	v58, _, _ =	vpop (xrf0)  }
0x16b: {  	v36 =	vadd.s32 v58, v36  }
0x16c: {  	vm15 =	vgt.s32 v36, $0x0  }
0x16d: {  	(v2sf) =	vpush v58, $0xF;
	v36 =	vnsel vm15, $0x0, v36;
	_ =	sdelay $0x3  }
0x16e: {  	v35 =	vadd.s32 $0xFFFFFFFF, v35  }
0x16f: {  	[tilespmem:v36+s6+$0x0] =	vst.idx.msk vm14, v35  }
0x170: {  	[tilespmem:v36+s2+$0x0] =	vst.idx.msk vm14, v14  }
0x171: {  	v35 =	vld [tilespmem:$0x6360];
	_ =	sdelay $0x4  }
0x172: {  	vm4 =	vgt.s32 v35, $0x0  }
0x173: {  	v59 =	vsel vm4, $0x1, v34  }
0x174: {  	(xrf0) =	vadd.scan.msk.s32 $0xffff, v59  }
0x175: {  	s13 =	spop (v2sf)  }
0x176: {  	s0 =	sadd.s32 s0, s13  }
0x177: {  	v60 =	vmov s0  }
0x178: {  	v36 =	vadd.s32 $0xFFFFFFFF, v60  }
0x179: {  	v36 =	vbroadcast v36, $0x0  }
0x17a: {  	v61, _, _ =	vpop (xrf0)  }
0x17b: {  	v36 =	vadd.s32 v61, v36  }
0x17c: {  	vm5 =	vgt.s32 v36, $0x0  }
0x17d: {  	(v2sf) =	vpush v61, $0xF;
	v36 =	vnsel vm5, $0x0, v36;
	_ =	sdelay $0x3  }
0x17e: {  	v35 =	vadd.s32 $0xFFFFFFFF, v35  }
0x17f: {  	[tilespmem:v36+s6+$0x0] =	vst.idx.msk vm4, v35  }
0x180: {  	[tilespmem:v36+s2+$0x0] =	vst.idx.msk vm4, v15  }
0x181: {  	v35 =	vld [tilespmem:$0x6370];
	_ =	sdelay $0x4  }
0x182: {  	vm6 =	vgt.s32 v35, $0x0  }
0x183: {  	v62 =	vsel vm6, $0x1, v34  }
0x184: {  	(xrf0) =	vadd.scan.msk.s32 $0xffff, v62  }
0x185: {  	s9 =	spop (v2sf)  }
0x186: {  	s0 =	sadd.s32 s0, s9  }
0x187: {  	v63 =	vmov s0  }
0x188: {  	v36 =	vadd.s32 $0xFFFFFFFF, v63  }
0x189: {  	v36 =	vbroadcast v36, $0x0  }
0x18a: {  	v40, _, _ =	vpop (xrf0)  }
0x18b: {  	v36 =	vadd.s32 v40, v36  }
0x18c: {  	vm7 =	vgt.s32 v36, $0x0  }
0x18d: {  	(v2sf) =	vpush v40, $0xF;
	v36 =	vnsel vm7, $0x0, v36;
	_ =	sdelay $0x3  }
0x18e: {  	v35 =	vadd.s32 $0xFFFFFFFF, v35  }
0x18f: {  	[tilespmem:v36+s6+$0x0] =	vst.idx.msk vm6, v35  }
0x190: {  	[tilespmem:v36+s2+$0x0] =	vst.idx.msk vm6, v16  }
0x191: {  	v35 =	vld [tilespmem:$0x6380];
	_ =	sdelay $0x4  }
0x192: {  	vm8 =	vgt.s32 v35, $0x0  }
0x193: {  	v41 =	vsel vm8, $0x1, v34  }
0x194: {  	(xrf0) =	vadd.scan.msk.s32 $0xffff, v41  }
0x195: {  	s10 =	spop (v2sf)  }
0x196: {  	s0 =	sadd.s32 s0, s10  }
0x197: {  	v42 =	vmov s0  }
0x198: {  	v36 =	vadd.s32 $0xFFFFFFFF, v42  }
0x199: {  	v36 =	vbroadcast v36, $0x0  }
0x19a: {  	v43, _, _ =	vpop (xrf0)  }
0x19b: {  	v36 =	vadd.s32 v43, v36  }
0x19c: {  	vm9 =	vgt.s32 v36, $0x0  }
0x19d: {  	(v2sf) =	vpush v43, $0xF;
	v36 =	vnsel vm9, $0x0, v36;
	_ =	sdelay $0x3  }
0x19e: {  	v35 =	vadd.s32 $0xFFFFFFFF, v35  }
0x19f: {  	[tilespmem:v36+s6+$0x0] =	vst.idx.msk vm8, v35  }
0x1a0: {  	[tilespmem:v36+s2+$0x0] =	vst.idx.msk vm8, v17  }
0x1a1: {  	v35 =	vld [tilespmem:$0x6390];
	_ =	sdelay $0x4  }
0x1a2: {  	vm10 =	vgt.s32 v35, $0x0  }
0x1a3: {  	v44 =	vsel vm10, $0x1, v34  }
0x1a4: {  	(xrf0) =	vadd.scan.msk.s32 $0xffff, v44  }
0x1a5: {  	s13 =	spop (v2sf)  }
0x1a6: {  	s0 =	sadd.s32 s0, s13  }
0x1a7: {  	v45 =	vmov s0  }
0x1a8: {  	v36 =	vadd.s32 $0xFFFFFFFF, v45  }
0x1a9: {  	v36 =	vbroadcast v36, $0x0  }
0x1aa: {  	v46, _, _ =	vpop (xrf0)  }
0x1ab: {  	v36 =	vadd.s32 v46, v36  }
0x1ac: {  	vm11 =	vgt.s32 v36, $0x0  }
0x1ad: {  	(v2sf) =	vpush v46, $0xF;
	v36 =	vnsel vm11, $0x0, v36;
	_ =	sdelay $0x3  }
0x1ae: {  	v35 =	vadd.s32 $0xFFFFFFFF, v35  }
0x1af: {  	[tilespmem:v36+s6+$0x0] =	vst.idx.msk vm10, v35  }
0x1b0: {  	[tilespmem:v36+s2+$0x0] =	vst.idx.msk vm10, v18  }
0x1b1: {  	v35 =	vld [tilespmem:$0x63A0];
	_ =	sdelay $0x4  }
0x1b2: {  	vm12 =	vgt.s32 v35, $0x0  }
0x1b3: {  	v47 =	vsel vm12, $0x1, v34  }
0x1b4: {  	(xrf0) =	vadd.scan.msk.s32 $0xffff, v47  }
0x1b5: {  	s9 =	spop (v2sf)  }
0x1b6: {  	s0 =	sadd.s32 s0, s9  }
0x1b7: {  	v48 =	vmov s0  }
0x1b8: {  	v36 =	vadd.s32 $0xFFFFFFFF, v48  }
0x1b9: {  	v36 =	vbroadcast v36, $0x0  }
0x1ba: {  	v49, _, _ =	vpop (xrf0)  }
0x1bb: {  	v36 =	vadd.s32 v49, v36  }
0x1bc: {  	vm13 =	vgt.s32 v36, $0x0  }
0x1bd: {  	(v2sf) =	vpush v49, $0xF;
	v36 =	vnsel vm13, $0x0, v36;
	_ =	sdelay $0x3  }
0x1be: {  	v35 =	vadd.s32 $0xFFFFFFFF, v35  }
0x1bf: {  	[tilespmem:v36+s6+$0x0] =	vst.idx.msk vm12, v35  }
0x1c0: {  	[tilespmem:v36+s2+$0x0] =	vst.idx.msk vm12, v19  }
0x1c1: {  	v35 =	vld [tilespmem:$0x63B0];
	_ =	sdelay $0x4  }
0x1c2: {  	vm14 =	vgt.s32 v35, $0x0  }
0x1c3: {  	v50 =	vsel vm14, $0x1, v34  }
0x1c4: {  	(xrf0) =	vadd.scan.msk.s32 $0xffff, v50  }
0x1c5: {  	s10 =	spop (v2sf)  }
0x1c6: {  	s0 =	sadd.s32 s0, s10  }
0x1c7: {  	v51 =	vmov s0  }
0x1c8: {  	v36 =	vadd.s32 $0xFFFFFFFF, v51  }
0x1c9: {  	v36 =	vbroadcast v36, $0x0  }
0x1ca: {  	v52, _, _ =	vpop (xrf0)  }
0x1cb: {  	v36 =	vadd.s32 v52, v36  }
0x1cc: {  	vm15 =	vgt.s32 v36, $0x0  }
0x1cd: {  	(v2sf) =	vpush v52, $0xF;
	v36 =	vnsel vm15, $0x0, v36;
	_ =	sdelay $0x3  }
0x1ce: {  	v35 =	vadd.s32 $0xFFFFFFFF, v35  }
0x1cf: {  	[tilespmem:v36+s6+$0x0] =	vst.idx.msk vm14, v35  }
0x1d0: {  	[tilespmem:v36+s2+$0x0] =	vst.idx.msk vm14, v20  }
0x1d1: {  	v35 =	vld [tilespmem:$0x63C0];
	_ =	sdelay $0x4  }
0x1d2: {  	vm4 =	vgt.s32 v35, $0x0  }
0x1d3: {  	v53 =	vsel vm4, $0x1, v34  }
0x1d4: {  	(xrf0) =	vadd.scan.msk.s32 $0xffff, v53  }
0x1d5: {  	s13 =	spop (v2sf)  }
0x1d6: {  	s0 =	sadd.s32 s0, s13  }
0x1d7: {  	v54 =	vmov s0  }
0x1d8: {  	v36 =	vadd.s32 $0xFFFFFFFF, v54  }
0x1d9: {  	v36 =	vbroadcast v36, $0x0  }
0x1da: {  	v55, _, _ =	vpop (xrf0)  }
0x1db: {  	v36 =	vadd.s32 v55, v36  }
0x1dc: {  	vm5 =	vgt.s32 v36, $0x0  }
0x1dd: {  	(v2sf) =	vpush v55, $0xF;
	v36 =	vnsel vm5, $0x0, v36;
	_ =	sdelay $0x3  }
0x1de: {  	v35 =	vadd.s32 $0xFFFFFFFF, v35  }
0x1df: {  	[tilespmem:v36+s6+$0x0] =	vst.idx.msk vm4, v35  }
0x1e0: {  	[tilespmem:v36+s2+$0x0] =	vst.idx.msk vm4, v21  }
0x1e1: {  	v35 =	vld [tilespmem:$0x63D0];
	_ =	sdelay $0x4  }
0x1e2: {  	vm6 =	vgt.s32 v35, $0x0  }
0x1e3: {  	v56 =	vsel vm6, $0x1, v34  }
0x1e4: {  	(xrf0) =	vadd.scan.msk.s32 $0xffff, v56  }
0x1e5: {  	s9 =	spop (v2sf)  }
0x1e6: {  	s0 =	sadd.s32 s0, s9  }
0x1e7: {  	v57 =	vmov s0  }
0x1e8: {  	v36 =	vadd.s32 $0xFFFFFFFF, v57  }
0x1e9: {  	v36 =	vbroadcast v36, $0x0  }
0x1ea: {  	v58, _, _ =	vpop (xrf0)  }
0x1eb: {  	v36 =	vadd.s32 v58, v36  }
0x1ec: {  	vm7 =	vgt.s32 v36, $0x0  }
0x1ed: {  	(v2sf) =	vpush v58, $0xF;
	v36 =	vnsel vm7, $0x0, v36;
	_ =	sdelay $0x3  }
0x1ee: {  	v35 =	vadd.s32 $0xFFFFFFFF, v35  }
0x1ef: {  	[tilespmem:v36+s6+$0x0] =	vst.idx.msk vm6, v35  }
0x1f0: {  	[tilespmem:v36+s2+$0x0] =	vst.idx.msk vm6, v22  }
0x1f1: {  	v35 =	vld [tilespmem:$0x63E0];
	_ =	sdelay $0x4  }
0x1f2: {  	vm8 =	vgt.s32 v35, $0x0  }
0x1f3: {  	v59 =	vsel vm8, $0x1, v34  }
0x1f4: {  	(xrf0) =	vadd.scan.msk.s32 $0xffff, v59  }
0x1f5: {  	s10 =	spop (v2sf)  }
0x1f6: {  	s0 =	sadd.s32 s0, s10  }
0x1f7: {  	v60 =	vmov s0  }
0x1f8: {  	v36 =	vadd.s32 $0xFFFFFFFF, v60  }
0x1f9: {  	v36 =	vbroadcast v36, $0x0  }
0x1fa: {  	v61, _, _ =	vpop (xrf0)  }
0x1fb: {  	v36 =	vadd.s32 v61, v36  }
0x1fc: {  	vm9 =	vgt.s32 v36, $0x0  }
0x1fd: {  	(v2sf) =	vpush v61, $0xF;
	v36 =	vnsel vm9, $0x0, v36;
	_ =	sdelay $0x3  }
0x1fe: {  	v35 =	vadd.s32 $0xFFFFFFFF, v35  }
0x1ff: {  	[tilespmem:v36+s6+$0x0] =	vst.idx.msk vm8, v35  }
0x200: {  	[tilespmem:v36+s2+$0x0] =	vst.idx.msk vm8, v23  }
0x201: {  	v35 =	vld [tilespmem:$0x63F0];
	_ =	sdelay $0x4  }
0x202: {  	vm10 =	vgt.s32 v35, $0x0  }
0x203: {  	v62 =	vsel vm10, $0x1, v34  }
0x204: {  	(xrf0) =	vadd.scan.msk.s32 $0xffff, v62  }
0x205: {  	s13 =	spop (v2sf)  }
0x206: {  	s0 =	sadd.s32 s0, s13  }
0x207: {  	v63 =	vmov s0  }
0x208: {  	v36 =	vadd.s32 $0xFFFFFFFF, v63  }
0x209: {  	v36 =	vbroadcast v36, $0x0  }
0x20a: {  	v40, _, _ =	vpop (xrf0)  }
0x20b: {  	v36 =	vadd.s32 v40, v36  }
0x20c: {  	vm11 =	vgt.s32 v36, $0x0  }
0x20d: {  	(v2sf) =	vpush v40, $0xF;
	v36 =	vnsel vm11, $0x0, v36;
	_ =	sdelay $0x3  }
0x20e: {  	v35 =	vadd.s32 $0xFFFFFFFF, v35  }
0x20f: {  	[tilespmem:v36+s6+$0x0] =	vst.idx.msk vm10, v35  }
0x210: {  	[tilespmem:v36+s2+$0x0] =	vst.idx.msk vm10, v24  }
0x211: {  	v35 =	vld [tilespmem:$0x6400];
	_ =	sdelay $0x4  }
0x212: {  	vm12 =	vgt.s32 v35, $0x0  }
0x213: {  	v41 =	vsel vm12, $0x1, v34  }
0x214: {  	(xrf0) =	vadd.scan.msk.s32 $0xffff, v41  }
0x215: {  	s9 =	spop (v2sf)  }
0x216: {  	s0 =	sadd.s32 s0, s9  }
0x217: {  	v42 =	vmov s0  }
0x218: {  	v36 =	vadd.s32 $0xFFFFFFFF, v42  }
0x219: {  	v36 =	vbroadcast v36, $0x0  }
0x21a: {  	v43, _, _ =	vpop (xrf0)  }
0x21b: {  	v36 =	vadd.s32 v43, v36  }
0x21c: {  	vm13 =	vgt.s32 v36, $0x0  }
0x21d: {  	(v2sf) =	vpush v43, $0xF;
	v36 =	vnsel vm13, $0x0, v36;
	_ =	sdelay $0x3  }
0x21e: {  	v35 =	vadd.s32 $0xFFFFFFFF, v35  }
0x21f: {  	[tilespmem:v36+s6+$0x0] =	vst.idx.msk vm12, v35  }
0x220: {  	[tilespmem:v36+s2+$0x0] =	vst.idx.msk vm12, v25  }
0x221: {  	v35 =	vld [tilespmem:$0x6410];
	_ =	sdelay $0x4  }
0x222: {  	vm14 =	vgt.s32 v35, $0x0  }
0x223: {  	v44 =	vsel vm14, $0x1, v34  }
0x224: {  	(xrf0) =	vadd.scan.msk.s32 $0xffff, v44  }
0x225: {  	s10 =	spop (v2sf)  }
0x226: {  	s0 =	sadd.s32 s0, s10  }
0x227: {  	v45 =	vmov s0  }
0x228: {  	v36 =	vadd.s32 $0xFFFFFFFF, v45  }
0x229: {  	v36 =	vbroadcast v36, $0x0  }
0x22a: {  	v46, _, _ =	vpop (xrf0)  }
0x22b: {  	v36 =	vadd.s32 v46, v36  }
0x22c: {  	vm15 =	vgt.s32 v36, $0x0  }
0x22d: {  	(v2sf) =	vpush v46, $0xF;
	v36 =	vnsel vm15, $0x0, v36;
	_ =	sdelay $0x3  }
0x22e: {  	v35 =	vadd.s32 $0xFFFFFFFF, v35  }
0x22f: {  	[tilespmem:v36+s6+$0x0] =	vst.idx.msk vm14, v35  }
0x230: {  	[tilespmem:v36+s2+$0x0] =	vst.idx.msk vm14, v26  }
0x231: {  	v35 =	vld [tilespmem:$0x6420];
	_ =	sdelay $0x4  }
0x232: {  	vm4 =	vgt.s32 v35, $0x0  }
0x233: {  	v47 =	vsel vm4, $0x1, v34  }
0x234: {  	(xrf0) =	vadd.scan.msk.s32 $0xffff, v47  }
0x235: {  	s13 =	spop (v2sf)  }
0x236: {  	s0 =	sadd.s32 s0, s13  }
0x237: {  	v48 =	vmov s0  }
0x238: {  	v36 =	vadd.s32 $0xFFFFFFFF, v48  }
0x239: {  	v36 =	vbroadcast v36, $0x0  }
0x23a: {  	v49, _, _ =	vpop (xrf0)  }
0x23b: {  	v36 =	vadd.s32 v49, v36  }
0x23c: {  	vm5 =	vgt.s32 v36, $0x0  }
0x23d: {  	(v2sf) =	vpush v49, $0xF;
	v36 =	vnsel vm5, $0x0, v36;
	_ =	sdelay $0x3  }
0x23e: {  	v35 =	vadd.s32 $0xFFFFFFFF, v35  }
0x23f: {  	[tilespmem:v36+s6+$0x0] =	vst.idx.msk vm4, v35  }
0x240: {  	[tilespmem:v36+s2+$0x0] =	vst.idx.msk vm4, v27  }
0x241: {  	v35 =	vld [tilespmem:$0x6430];
	_ =	sdelay $0x4  }
0x242: {  	vm6 =	vgt.s32 v35, $0x0  }
0x243: {  	v50 =	vsel vm6, $0x1, v34  }
0x244: {  	(xrf0) =	vadd.scan.msk.s32 $0xffff, v50  }
0x245: {  	s9 =	spop (v2sf)  }
0x246: {  	s0 =	sadd.s32 s0, s9  }
0x247: {  	v51 =	vmov s0  }
0x248: {  	v36 =	vadd.s32 $0xFFFFFFFF, v51  }
0x249: {  	v36 =	vbroadcast v36, $0x0  }
0x24a: {  	v52, _, _ =	vpop (xrf0)  }
0x24b: {  	v36 =	vadd.s32 v52, v36  }
0x24c: {  	vm7 =	vgt.s32 v36, $0x0  }
0x24d: {  	(v2sf) =	vpush v52, $0xF;
	v36 =	vnsel vm7, $0x0, v36;
	_ =	sdelay $0x3  }
0x24e: {  	v35 =	vadd.s32 $0xFFFFFFFF, v35  }
0x24f: {  	[tilespmem:v36+s6+$0x0] =	vst.idx.msk vm6, v35  }
0x250: {  	[tilespmem:v36+s2+$0x0] =	vst.idx.msk vm6, v28  }
0x251: {  	v35 =	vld [tilespmem:$0x6440];
	_ =	sdelay $0x4  }
0x252: {  	vm8 =	vgt.s32 v35, $0x0  }
0x253: {  	v53 =	vsel vm8, $0x1, v34  }
0x254: {  	(xrf0) =	vadd.scan.msk.s32 $0xffff, v53  }
0x255: {  	s10 =	spop (v2sf)  }
0x256: {  	s0 =	sadd.s32 s0, s10  }
0x257: {  	v54 =	vmov s0  }
0x258: {  	v36 =	vadd.s32 $0xFFFFFFFF, v54  }
0x259: {  	v36 =	vbroadcast v36, $0x0  }
0x25a: {  	v55, _, _ =	vpop (xrf0)  }
0x25b: {  	v36 =	vadd.s32 v55, v36  }
0x25c: {  	vm9 =	vgt.s32 v36, $0x0  }
0x25d: {  	(v2sf) =	vpush v55, $0xF;
	v36 =	vnsel vm9, $0x0, v36;
	_ =	sdelay $0x3  }
0x25e: {  	v35 =	vadd.s32 $0xFFFFFFFF, v35  }
0x25f: {  	[tilespmem:v36+s6+$0x0] =	vst.idx.msk vm8, v35  }
0x260: {  	[tilespmem:v36+s2+$0x0] =	vst.idx.msk vm8, v29  }
0x261: {  	v35 =	vld [tilespmem:$0x6450];
	_ =	sdelay $0x4  }
0x262: {  	vm10 =	vgt.s32 v35, $0x0  }
0x263: {  	v56 =	vsel vm10, $0x1, v34  }
0x264: {  	(xrf0) =	vadd.scan.msk.s32 $0xffff, v56  }
0x265: {  	s13 =	spop (v2sf)  }
0x266: {  	s0 =	sadd.s32 s0, s13  }
0x267: {  	v57 =	vmov s0  }
0x268: {  	v36 =	vadd.s32 $0xFFFFFFFF, v57  }
0x269: {  	v36 =	vbroadcast v36, $0x0  }
0x26a: {  	v58, _, _ =	vpop (xrf0)  }
0x26b: {  	v36 =	vadd.s32 v58, v36  }
0x26c: {  	vm11 =	vgt.s32 v36, $0x0  }
0x26d: {  	(v2sf) =	vpush v58, $0xF;
	v36 =	vnsel vm11, $0x0, v36;
	_ =	sdelay $0x3  }
0x26e: {  	v35 =	vadd.s32 $0xFFFFFFFF, v35  }
0x26f: {  	[tilespmem:v36+s6+$0x0] =	vst.idx.msk vm10, v35  }
0x270: {  	[tilespmem:v36+s2+$0x0] =	vst.idx.msk vm10, v30  }
0x271: {  	v35 =	vld [tilespmem:$0x6460];
	_ =	sdelay $0x4  }
0x272: {  	vm12 =	vgt.s32 v35, $0x0  }
0x273: {  	v59 =	vsel vm12, $0x1, v34  }
0x274: {  	(xrf0) =	vadd.scan.msk.s32 $0xffff, v59  }
0x275: {  	s9 =	spop (v2sf)  }
0x276: {  	s0 =	sadd.s32 s0, s9  }
0x277: {  	v60 =	vmov s0  }
0x278: {  	v36 =	vadd.s32 $0xFFFFFFFF, v60  }
0x279: {  	v36 =	vbroadcast v36, $0x0  }
0x27a: {  	v61, _, _ =	vpop (xrf0)  }
0x27b: {  	v36 =	vadd.s32 v61, v36  }
0x27c: {  	vm13 =	vgt.s32 v36, $0x0  }
0x27d: {  	v36 =	vnsel vm13, $0x0, v36;
	_ =	sdelay $0x3  }
0x27e: {  	v35 =	vadd.s32 $0xFFFFFFFF, v35  }
0x27f: {  	[tilespmem:v36+s6+$0x0] =	vst.idx.msk vm12, v35  }
0x280: {  	[tilespmem:v36+s2+$0x0] =	vst.idx.msk vm12, v31  }
0x281: {  	v35 =	vld [tilespmem:$0x6470];
	_ =	sdelay $0x4  }
0x282: {  	vm14 =	vgt.s32 v35, $0x0  }
0x283: {  	v62 =	vsel vm14, $0x1, v34  }
0x284: {  	(xrf0) =	vadd.scan.msk.s32 $0xffff, v62;
	_ =	sdelay $0x2  }
0x285: {  	(v2sf) =	vpush v61, $0xF;
	_ =	sdelay $0x2  }
0x286: {  	v36, _, _ =	vpop (xrf0)  }
0x287: {  	(v2sf) =	vpush v36, $0xF;
	_ =	sdelay $0xa  }
0x288: {  	s10 =	spop (v2sf)  }
0x289: {  	s0 =	sadd.s32 s0, s10  }
0x28a: {  	v63 =	vmov s0  }
0x28b: {  	v37 =	vadd.s32 $0xFFFFFFFF, v63  }
0x28c: {  	v37 =	vbroadcast v37, $0x0;
	s13 =	spop (v2sf)  }
0x28d: {  	s9 =	sadd.s32 s0, s13  }
0x28e: {  	v36 =	vadd.s32 v36, v37;
	s0 =	sadd.s32 $0x7F, s9  }
0x28f: {  	vm15 =	vgt.s32 v36, $0x0;
	s31 =	sshra.s32 s0, $0x7  }
0x290: {  	v36 =	vnsel vm15, $0x0, v36;
	s10 =	sshra.s32 s9, $0x4;
	s0 =	sshll.u32 s31, $0x3  }
0x291: {  	p0 =	sle.s32 s0, s10  }
.Ltmp4:
0x292: {  	_ = 	snop;
	(pc) =	sbr.rel @p0 .LBB2_13-.Ltmp4, $4  }
0x293: {  	_ = 	snop  }
0x294: {  	v35 =	vadd.s32 $0xFFFFFFFF, v35  }
0x295: {  	[tilespmem:v36+s6+$0x0] =	vst.idx.msk vm14, v35  }
0x296: {  	[tilespmem:v36+s2+$0x0] =	vst.idx.msk vm14, v32  }
0x297: {  	s13 =	smov.u32 s12;
	s12 =	ssub.s32 s0, s10  }
0x298: {  	p1 =	sne.s32 s12, $0x1  }
.Ltmp5:
0x299: {  	s8 =	sshll.u32 s10, $0x6;
	(pc) =	sbr.rel @!p1 .LBB2_7-.Ltmp5, $4  }
0x29a: {  	v35 =	vld.msk [tilespmem:s6+$0x0], $0xffff;
	s11 =	sshra.s32 s8, $0x2  }
0x29b: {  	v36 =	vld.msk [tilespmem:s2+$0x0], $0xffff;
	s8 =	sadd.s32 $0x16480, s11  }
0x29c: {  	s0 =	sadd.s32 $0x16680, s11;
	v38 =	vld [tilespmem:s8+$0x0]  }
0x29d: {  	v37 =	vmov s9;
	s10 =	sshll.u32 s10, $0x4;
	p0 =	por $0x0, $0x0;
	s9 =	sadd.s32 $0xFFFFFFFF, s12;
	v39 =	vld [tilespmem:s0+$0x0]  }
0x29e: {  	_ = 	snop  }
0x29f: {  	v40 =	vor.u32 s10, v0  }
0x2a0: {  	p1 =	sne.s32 s9, $0x1;
	vm0 =	vlt.s32 v40, v37  }
.Ltmp6:
0x2a1: {  	v38 =	vsel vm0, v38, v35;
	(pc) =	sbr.rel @!p1 .LBB2_9-.Ltmp6, $4  }
0x2a2: {  	[tilespmem:s8+$0x0] =	vst v38;
	v63 =	vsel vm0, v39, v36  }
0x2a3: {  	s8 =	sadd.s32 $0x10, s8;
	[tilespmem:s0+$0x0] =	vst v63  }
0x2a4: {  	s0 =	sadd.s32 $0x10, s0;
	v38 =	vld [tilespmem:s8+$0x0]  }
0x2a5: {  	s11 =	sadd.s32 $0xFFFFFFFF, s9;
	p0 =	por $0x1, $0x1;
	s9 =	smov.u32 s10;
	v39 =	vld [tilespmem:s0+$0x0]  }
.LBB2_10:
0x2a6: {  	p1 =	sne.s32 s11, $0x1;
	s9 =	sadd.s32 $0x10, s9  }
0x2a7: {  	v40 =	vor.u32 s9, v0  }
0x2a8: {  	vm0 =	vlt.s32 v40, v37  }
.Ltmp7:
0x2a9: {  	v38 =	vsel vm0, v38, v35;
	(pc) =	sbr.rel @p1 .LBB2_10-.Ltmp7, $4  }
0x2aa: {  	[tilespmem:s8+$0x0] =	vst v38;
	v38 =	vsel vm0, v39, v36  }
0x2ab: {  	s8 =	sadd.s32 $0x10, s8;
	[tilespmem:s0+$0x0] =	vst v38  }
0x2ac: {  	s0 =	sadd.s32 $0x10, s0;
	v38 =	vld [tilespmem:s8+$0x0]  }
0x2ad: {  	s11 =	sadd.s32 $0xFFFFFFFF, s11;
	v39 =	vld [tilespmem:s0+$0x0]  }
0x2ae: {  	s12 =	smov.u32 s13  }
.LBB2_12:
0x2af: {  	s9 =	sadd.s32 @p0 $0x10, s9  }
0x2b0: {  	s10 =	smov.u32 @p0 s9  }
0x2b1: {  	v40 =	vor.u32 s10, v0  }
0x2b2: {  	vm0 =	vlt.s32 v40, v37  }
0x2b3: {  	v35 =	vsel vm0, v38, v35  }
0x2b4: {  	v63 =	vsel vm0, v39, v36;
	[tilespmem:s8+$0x0] =	vst v35  }
0x2b5: {  	s11 =	simm.s32 $0x6280;
	[tilespmem:s0+$0x0] =	vst v63  }
.LBB2_13:
0x2b6: {  	p0 =	slt.s32 s31, $0x1  }
0x2b7: {  	s0 =	simm.s32 @!p0 $0x80;
	s8 =	simm.s32 @!p0 $0x16480;
	s9 =	simm.s32 @!p0 $0x16880  }
0x2b8: {  	[tilespmem:s9], [sflag:$0x3] =	stream.indirect.gather @!p0 [hbm4b:s1+s0], $0x80, s8, s0, $0xb8;
	[tilespmem:$0x1C880] =	vst v63  }
0x2b9: {  	s8 =	simm.s32 @!p0 $0x3  }
0x2ba: {  	_ =	swait.ge @!p0 [sflag:s8], $0x4000  }
0x2bb: {  	[sflag:s8] =	ssyncset.done @!p0 $0x0  }
0x2bc: {  	[sflag:s8] =	ssyncadd.s32 @!p0 $0xFFFFC000  }
0x2bd: {  	_ =	swait.ge [sflag:s16], $0x4000  }
0x2be: {  	[sflag:s16] =	ssyncset.done $0x0  }
0x2bf: {  	[sflag:s16] =	ssyncadd.s32 $0xFFFFC000  }
0x2c0: {  	_ =	swait.ge [sflag:s16], $0x4000  }
0x2c1: {  	[sflag:s16] =	ssyncset.done $0x0  }
0x2c2: {  	[sflag:s16] =	ssyncadd.s32 $0xFFFFC000  }
0x2c3: {  	_ =	swait.ge [sflag:s16], $0x4000  }
0x2c4: {  	[sflag:s16] =	ssyncset.done $0x0  }
0x2c5: {  	[sflag:s16] =	ssyncadd.s32 $0xFFFFC000  }
0x2c6: {  	p1 =	seq.s32 @!p0 s31, $0x1;
	_ =	swait.ge [sflag:s16], $0x4000  }
0x2c7: {  	p1 =	por p0, p1;
	[sflag:s16] =	ssyncset.done $0x0  }
.Ltmp8:
0x2c8: {  	s10 =	simm.s32 @!p0 $0x16680;
	[sflag:s16] =	ssyncadd.s32 $0xFFFFC000;
	(pc) =	sbr.rel @p1 .LBB2_17-.Ltmp8, $4  }
0x2c9: {  	[hbm4b:s4+s0] =	stream.indirect.scatter @!p0 [tilespmem:s9], [sflag:$0x3], $0x80, s10, s0, $0xb8;
	[tilespmem:$0x1C880] =	vst v63  }
0x2ca: {  	_ =	swait.ge @!p0 [sflag:s8], $0x4000  }
0x2cb: {  	[sflag:s8] =	ssyncset.done @!p0 $0x0  }
0x2cc: {  	[sflag:s8] =	ssyncadd.s32 @!p0 $0xFFFFC000  }
0x2cd: {  	s0 =	simm.s32 $0x16500;
	s9 =	sadd.s32 $0xFFFFFFFF, s31  }
0x2ce: {  	[tilespmem:s29], [sflag:$0x3] =	stream.indirect.gather [hbm4b:s1+s17], $0x80, s0, s17, $0xb8;
	[tilespmem:$0x1C880] =	vst v63  }
0x2cf: {  	p0 =	sne.s32 s9, $0x1;
	_ =	swait.ge [sflag:s28], $0x4000  }
.Ltmp9:
0x2d0: {  	[sflag:s28] =	ssyncset.done $0x0;
	(pc) =	sbr.rel @!p0 .LBB2_16-.Ltmp9, $4  }
0x2d1: {  	s8 =	simm.s32 $0x16700;
	[sflag:s28] =	ssyncadd.s32 $0xFFFFC000  }
0x2d2: {  	[hbm4b:s4+s17] =	stream.indirect.scatter [tilespmem:s29], [sflag:$0x3], $0x80, s8, s17, $0xb8;
	[tilespmem:$0x1C880] =	vst v63  }
0x2d3: {  	_ =	swait.ge [sflag:s28], $0x4000  }
0x2d4: {  	s9 =	sadd.s32 $0xFFFFFFFF, s9;
	[sflag:s28] =	ssyncset.done $0x0  }
.LBB2_15:
0x2d5: {  	[sflag:s28] =	ssyncadd.s32 $0xFFFFC000;
	s0 =	sadd.s32 $0x80, s0;
	s8 =	sadd.s32 $0x80, s8  }
0x2d6: {  	[tilespmem:s29], [sflag:$0x3] =	stream.indirect.gather [hbm4b:s1+s17], $0x80, s0, s17, $0xb8;
	[tilespmem:$0x1C880] =	vst v63  }
0x2d7: {  	p0 =	sne.s32 s9, $0x1;
	s9 =	sadd.s32 $0xFFFFFFFF, s9;
	_ =	swait.ge [sflag:s28], $0x4000  }
.Ltmp10:
0x2d8: {  	[sflag:s28] =	ssyncset.done $0x0;
	(pc) =	sbr.rel @p0 .LBB2_15-.Ltmp10, $4  }
0x2d9: {  	[sflag:s28] =	ssyncadd.s32 $0xFFFFC000  }
0x2da: {  	[hbm4b:s4+s17] =	stream.indirect.scatter [tilespmem:s29], [sflag:$0x3], $0x80, s8, s17, $0xb8;
	[tilespmem:$0x1C880] =	vst v63  }
0x2db: {  	_ =	swait.ge [sflag:s28], $0x4000  }
0x2dc: {  	[sflag:s28] =	ssyncset.done $0x0  }
.Ltmp11:
0x2dd: {  	_ = 	snop;
	(pc) =	sbr.rel .LBB2_16-.Ltmp11, $1  }
0x2de: {  	_ =	sdelay $0x3  }
.LBB2_7:
.Ltmp12:
0x2df: {  	(pc) =	sbr.rel .LBB2_12-.Ltmp12, $2  }
0x2e0: {  	_ =	sdelay $0x2  }
0x2e1: {  	s9 =	smov.u32 s10;
	s12 =	smov.u32 s13  }
.LBB2_9:
.Ltmp13:
0x2e2: {  	(pc) =	sbr.rel .LBB2_12-.Ltmp13, $2  }
0x2e3: {  	_ =	sdelay $0x2  }
0x2e4: {  	s9 =	smov.u32 s10;
	s12 =	smov.u32 s13  }
.LBB2_18:
0x2e5: {  	_ =	sfence.sel $0x180000  }
0x2e6: {  	[bflag:$0x0] =	sbarrier.arrive $0xFFFF  }
0x2e7: {  	_ =	strace $0x90000047  }
0x2e8: {  	s0 =	stileid.u32;
	[bflag:$0x2] =	sbarrier.arrive $0xFFFF  }
0x2e9: {  	p0 =	sne.s32 s0, $0x0;
	s0 =	rddreg [dreg:$0x6]  }
0x2ea: {  	s0 =	sadd.s32 @!p0 $0x100000, s0  }
0x2eb: {  	[sflag:s0] =	ssyncadd.tile.s32 @!p0 $0x1;
	_ =	shalt  }
.Lfunc_end2:
_tile_overlayer_lowered:
.L_overlay_start_2:
0x2ec: {  	(tag) =	ssettag $0x2  }
0x2ed: {  	s0 =	rddreg [dreg:$0x0];
	s2 =	stileid.u32  }
0x2ee: {  	s1 =	rddreg [dreg:$0x1];
	p0 =	sne.s32 s2, $0x0  }
0x2ef: {  	s3 =	rddreg [dreg:$0x2];
	[bflag:$0x3] =	sbarrier.arrive $0xFFFF;
	s2 =	simm.s32 @!p0 $0x1C03  }
0x2f0: {  	[timem:s3], [sflag:s2] =	dma.local @!p0 [hbm:s0], s1  }
0x2f1: {  	s0 =	simm.s32 @!p0 $0x3  }
0x2f2: {  	_ =	swait.ge @!p0 [sflag:s0], s1  }
0x2f3: {  	s1 =	ssub.s32 @!p0 $0x0, s1;
	[sflag:s0] =	ssyncset.done @!p0 $0x0  }
0x2f4: {  	[sflag:s0] =	ssyncadd.s32 @!p0 s1  }
0x2f5: {  	[bflag:$0x3] =	sbarrier.arrive $0xFFFF  }
0x2f6: {  	_ =	shalt  }

</sc_bundles>
